<compile_context>
chip_gen: v7x
topology: tpu7x:2x2x1
jax: 0.10.2.dev20260603
libtpu: 0.0.44.dev20260713+nightly
codegen_flags: <defaults>
</compile_context>

<pallas_src>
import dataclasses
import functools

import jax
import jax.numpy as jnp
import numpy as np
from jax import lax
from jax.experimental import pallas as pl
from jax.experimental.pallas import tpu as pltpu
from jax.experimental.pallas import tpu_sc as plsc

P_DROP = 0.5
EPS = 1e-8

_INT_MIN = np.int32(-2147483648)
_LOW31 = np.int32(0x7FFFFFFF)


def _f32_key(x):
    i = jax.lax.bitcast_convert_type(x, jnp.int32)
    return i ^ ((i >> 31) & _LOW31)


def _key_to_f32(key):
    i = key ^ ((key >> 31) & _LOW31)
    return jax.lax.bitcast_convert_type(i, jnp.float32)


def _select_rank(key, r):
    rows, cols = key.shape
    if rows % 256 == 0 and cols % 128 == 0:
        ones = jnp.ones((1, rows), dtype=jnp.bfloat16)
        rf = jnp.float32(r)
        lo = jnp.full((1, cols), _INT_MIN, dtype=jnp.int32)
        for b in range(31, -1, -1):
            bit = _INT_MIN if b == 31 else jnp.int32(1 << b)
            mid = lo + bit
            ind = (key < mid).astype(jnp.bfloat16)
            c = jax.lax.dot_general(ones, ind, (((1,), (0,)), ((), ())),
                                    preferred_element_type=jnp.float32)
            lo = jnp.where(c <= rf, mid, lo)
        return lo
    nchains = 32 if rows % (32 * 8) == 0 and cols % 128 == 0 else 1
    key3 = key.reshape(nchains, rows // nchains, cols)
    lo = jnp.full((1, cols), _INT_MIN, dtype=jnp.int32)
    for b in range(31, -1, -1):
        bit = _INT_MIN if b == 31 else jnp.int32(1 << b)
        mid = lo + bit
        ind = (key3 < mid[None]).astype(jnp.int32)
        c = jnp.sum(jnp.sum(ind, axis=1), axis=0, keepdims=True)
        lo = jnp.where(c <= r, mid, lo)
    return lo


def _cvar_kernel(x_ref, cvar_ref):
    x = x_ref[...]
    n = x.shape[0]
    inv_n = 1.0 / n
    s1 = jnp.sum(x, axis=0, keepdims=True)
    s2 = jnp.sum(x * x, axis=0, keepdims=True)
    var = s2 * inv_n - (s1 * inv_n) ** 2
    std = jnp.sqrt(jnp.maximum(var, 0.0))
    key = _f32_key(x)
    med_key = _select_rank(key, (n - 1) // 2)
    med = _key_to_f32(med_key)
    cvar_ref[...] = std / (jnp.abs(med) + EPS)


def _apply_kernel(x_ref, mask_ref, o_ref):
    o_ref[...] = x_ref[...] * mask_ref[...]


def _sc_mask(cvar_flat, *, k, scale):
    d = cvar_flat.shape[0]
    nchunks = d // 16
    mesh = plsc.VectorSubcoreMesh(core_axis_name="c", subcore_axis_name="s")
    cp = pltpu.CompilerParams()
    if "needs_layout_passes" in pltpu.CompilerParams.__dataclass_fields__:
        cp = dataclasses.replace(cp, needs_layout_passes=False)

    @functools.partial(
        pl.kernel, mesh=mesh, compiler_params=cp,
        out_type=jax.ShapeDtypeStruct((d,), jnp.float32),
        scratch_types=[
            pltpu.VMEM((d,), jnp.int32),
            pltpu.VMEM((d,), jnp.float32),
            pltpu.VMEM((16,), jnp.int32),
            pltpu.SMEM((4,), jnp.int32),
            pltpu.SemaphoreType.DMA,
        ],
    )
    def sc_kernel(cv_hbm, mask_hbm, key_v, mask_v, acc_v, s_ref, sem):
        wid = lax.axis_index("s") * 2 + lax.axis_index("c")

        @pl.when(wid == 0)
        def _():
            pltpu.async_copy(cv_hbm, mask_v, sem).wait()

            @pl.loop(0, nchunks)
            def _(c):
                v = mask_v[pl.ds(c * 16, 16)]
                i = lax.bitcast_convert_type(v, jnp.int32)
                key_v[pl.ds(c * 16, 16)] = i ^ ((i >> 31) & _LOW31)

            def count_less(pivot):
                acc_v[...] = jnp.zeros((16,), jnp.int32)

                @pl.loop(0, nchunks)
                def _(c):
                    kc = key_v[pl.ds(c * 16, 16)]
                    acc_v[...] += jnp.where(kc < pivot, 1, 0).astype(jnp.int32)

                return jnp.sum(acc_v[...])

            s_ref[0] = jnp.int32(_INT_MIN)
            r = d - k
            for b in range(31, -1, -1):
                bit = _INT_MIN if b == 31 else np.int32(1 << b)
                mid = s_ref[0] + bit
                cnt = count_less(mid)
                s_ref[0] = jnp.where(cnt <= r, mid, s_ref[0])

            t = s_ref[0]
            acc_v[...] = jnp.zeros((16,), jnp.int32)

            @pl.loop(0, nchunks)
            def _(c):
                kc = key_v[pl.ds(c * 16, 16)]
                acc_v[...] += jnp.where(kc > t, 1, 0).astype(jnp.int32)

            s_ref[2] = jnp.int32(k) - jnp.sum(acc_v[...])
            s_ref[1] = jnp.int32(0)

            @pl.loop(0, nchunks)
            def _(c):
                kc = key_v[pl.ds(c * 16, 16)]
                eq = kc == t
                eq_i = jnp.where(eq, 1, 0).astype(jnp.int32)
                excl = plsc.cumsum(eq_i) - eq_i
                gpref = excl + s_ref[1]
                drop = (kc > t) | (eq & (gpref < s_ref[2]))
                mask_v[pl.ds(c * 16, 16)] = jnp.where(
                    drop, jnp.float32(0.0), jnp.float32(scale))
                s_ref[1] = s_ref[1] + jnp.sum(eq_i)

            pltpu.async_copy(mask_v, mask_hbm, sem).wait()

    return sc_kernel(cvar_flat)


def kernel(x):
    b, s, d = x.shape
    n = b * s
    k = max(1, int(round(d * P_DROP)))
    scale = 1.0 / (1.0 - k / float(d))
    x2 = x.reshape(n, d)

    cb = min(128, d)
    cvar = pl.pallas_call(
        _cvar_kernel,
        grid=(d // cb,),
        in_specs=[pl.BlockSpec((n, cb), lambda j: (0, j))],
        out_specs=pl.BlockSpec((1, cb), lambda j: (0, j)),
        out_shape=jax.ShapeDtypeStruct((1, d), jnp.float32),
    )(x2)

    mask = _sc_mask(cvar.reshape(d), k=k, scale=scale).reshape(1, d)

    rb = min(1024, n)
    out2 = pl.pallas_call(
        _apply_kernel,
        grid=(n // rb,),
        in_specs=[pl.BlockSpec((rb, d), lambda i: (i, 0)),
                  pl.BlockSpec((1, d), lambda i: (0, 0))],
        out_specs=pl.BlockSpec((rb, d), lambda i: (i, 0)),
        out_shape=jax.ShapeDtypeStruct((n, d), jnp.float32),
    )(x2, mask)
    return out2.reshape(b, s, d)

# --- scband reference (transcript-rebuilt; emitter-appended) ---
"""Pipeline reference for scband-dropout-29755533427545 (READ-ONLY COPY).

The authoritative reference and input builder live on the scoring server;
editing this copy changes nothing except your own understanding.
"""

import jax, jax.numpy as jnp
import numpy as np

P = 0.5
EPS = 1e-08


def setup_inputs(seed: int = 0) -> dict:
    key = jax.random.key(seed)
    x = jax.random.normal(key, (4, 4096, 2048), dtype=jnp.float32)
    return {"x": x}


def reference(x):
    # Faithful translation of the custom 'CVaR dropout' forward (training mode).
    dim = x.shape[-1]
    k = max(1, int(round(dim * P)))
    flat = x.reshape(-1, dim)
    n = flat.shape[0]
    # population std (unbiased=False)
    std = jnp.std(flat, axis=0)
    # torch.median returns the lower middle element for even n: sorted[(n-1)//2]
    med = jnp.sort(flat, axis=0)[(n - 1) // 2]
    cvar = std / (jnp.abs(med) + EPS)
    _, index = jax.lax.top_k(cvar, k)
    mask = jnp.ones((dim,), dtype=x.dtype).at[index].set(0)
    scale = 1.0 / (1.0 - k / float(dim))
    shape = (1,) * (x.ndim - 1) + (dim,)
    return x * mask.reshape(shape) * scale

if __name__ == "__main__":
    import jax
    _d = setup_inputs()
    print(jax.jit(kernel)(*tuple(_d.values())))

</pallas_src>

<mosaic_0001>
#map = affine_map<(d0, d1) -> (0)>
module attributes {stable_mosaic.version = 14 : i64} {
  func.func @sc_kernel(%arg0: i32, %arg1: i32, %arg2: memref<2048xf32, #tpu.memory_space<hbm>>, %arg3: memref<2048xf32, #tpu.memory_space<hbm>>, %arg4: memref<2048xi32, #tpu.memory_space<vmem>>, %arg5: memref<2048xf32, #tpu.memory_space<vmem>>, %arg6: memref<16xi32, #tpu.memory_space<vmem>>, %arg7: memref<4xi32, #tpu.memory_space<smem>>, %arg8: memref<!tpu.dma_semaphore, #tpu.memory_space<semaphore_mem>>) attributes {dimension_semantics = [#tpu.dimension_semantics<core_parallel>, #tpu.dimension_semantics<subcore_parallel>], iteration_bounds = array<i64: 2, 16>, scalar_prefetch = 0 : i64, scratch_operands = 5 : i64, tpu.core_type = #tpu.core_type<sc_vector_subcore>, window_params = [{transform_indices = #map}, {transform_indices = #map}]} {
    %mul3A = arith.constant 2 : i32
    %mul3A_0 = arith.muli %arg1, %mul3A : i32
    %add3A = arith.addi %mul3A_0, %arg0 : i32
    %eq3A = arith.constant 0 : i32
    %eq3A_1 = arith.cmpi eq, %add3A, %eq3A : i32
    %convert_element_type3A = arith.extui %eq3A_1 : i1 to i32
    %cond3A = arith.constant 0 : i32
    %cond3A_2 = arith.cmpi ne, %convert_element_type3A, %cond3A : i32
    scf.if %cond3A_2 {
      tpu.enqueue_dma source(%arg2 : memref<2048xf32, #tpu.memory_space<hbm>>) target(%arg5 : memref<2048xf32, #tpu.memory_space<vmem>>) target_semaphore(%arg8 : memref<!tpu.dma_semaphore, #tpu.memory_space<semaphore_mem>>)
      tpu.wait_dma2 semaphore(%arg8 : memref<!tpu.dma_semaphore, #tpu.memory_space<semaphore_mem>>) src(%arg2 : memref<2048xf32, #tpu.memory_space<hbm>>) dst(%arg5 : memref<2048xf32, #tpu.memory_space<vmem>>)
      %scan3A = arith.constant 0 : i32
      %scan3A_3 = arith.constant 128 : i32
      %scan3A_4 = arith.addi %scan3A, %scan3A_3 : i32
      %scan3A_5 = arith.constant 1 : i32
      scf.for %scan3A_964 = %scan3A to %scan3A_4 step %scan3A_5  : i32 {
        %mul3A_965 = arith.constant 1 : i32
        %mul3A_966 = arith.muli %scan3A_964, %mul3A_965 : i32
        %add3A_967 = arith.constant 0 : i32
        %add3A_968 = arith.addi %add3A_967, %mul3A_966 : i32
        %mul3A_969 = arith.constant 16 : i32
        %mul3A_970 = arith.muli %add3A_968, %mul3A_969 : i32
        %get3A_971 = arith.index_cast %mul3A_970 : i32 to index
        %get3A_972 = tpu.vector_load %arg5[%get3A_971] {strides = array<i32>} : memref<2048xf32, #tpu.memory_space<vmem>>, vector<16xf32>,
        %bitcast_convert_type3A = tpu.bitcast %get3A_972 : vector<16xf32> -> vector<16xi32>
        %shift_right_arithmetic3A = arith.constant 31 : i32
        %shift_right_arithmetic3A_973 = vector.broadcast %shift_right_arithmetic3A : i32 to vector<16xi32>
        %shift_right_arithmetic3A_974 = arith.shrsi %bitcast_convert_type3A, %shift_right_arithmetic3A_973 : vector<16xi32>
        %and3A = arith.constant 2147483647 : i32
        %and3A_975 = vector.broadcast %and3A : i32 to vector<16xi32>
        %and3A_976 = arith.andi %shift_right_arithmetic3A_974, %and3A_975 : vector<16xi32>
        %xor3A = arith.xori %bitcast_convert_type3A, %and3A_976 : vector<16xi32>
        %mul3A_977 = arith.constant 16 : i32
        %mul3A_978 = arith.muli %add3A_968, %mul3A_977 : i32
        %swap3A_979 = arith.index_cast %mul3A_978 : i32 to index
        %swap3A_980 = tpu.vector_load %arg4[%swap3A_979] {strides = array<i32>} : memref<2048xi32, #tpu.memory_space<vmem>>, vector<16xi32>,
        tpu.vector_store %arg4[%swap3A_979], %xor3A {strides = array<i32>} : memref<2048xi32, #tpu.memory_space<vmem>>, vector<16xi32>,
      }
      %scan3A_6 = arith.constant 128 : i32
      %swap3A = arith.constant -2147483648 : i32
      %swap3A_7 = arith.constant 0 : i32
      %swap3A_8 = arith.index_cast %swap3A_7 : i32 to index
      %swap3A_9 = memref.load %arg7[%swap3A_8] : memref<4xi32, #tpu.memory_space<smem>>
      memref.store %swap3A, %arg7[%swap3A_8] : memref<4xi32, #tpu.memory_space<smem>>
      %get3A = arith.constant 0 : i32
      %get3A_10 = arith.index_cast %get3A : i32 to index
      %get3A_11 = memref.load %arg7[%get3A_10] : memref<4xi32, #tpu.memory_space<smem>>
      %add3A_12 = arith.constant -2147483648 : i32
      %add3A_13 = arith.addi %get3A_11, %add3A_12 : i32
      %broadcast_in_dim3A = arith.constant 0 : i32
      %broadcast_in_dim3A_14 = vector.broadcast %broadcast_in_dim3A : i32 to vector<16xi32>
      %swap3A_15 = arith.constant 0 : index
      %swap3A_16 = tpu.vector_load %arg6[%swap3A_15] {strides = array<i32>} : memref<16xi32, #tpu.memory_space<vmem>>, vector<16xi32>,
      tpu.vector_store %arg6[%swap3A_15], %broadcast_in_dim3A_14 {strides = array<i32>} : memref<16xi32, #tpu.memory_space<vmem>>, vector<16xi32>,
      %scan3A_17 = arith.constant 0 : i32
      %scan3A_18 = arith.constant 128 : i32
      %scan3A_19 = arith.addi %scan3A_17, %scan3A_18 : i32
      %scan3A_20 = arith.constant 1 : i32
      scf.for %scan3A_964 = %scan3A_17 to %scan3A_19 step %scan3A_20  : i32 {
        %mul3A_965 = arith.constant 1 : i32
        %mul3A_966 = arith.muli %scan3A_964, %mul3A_965 : i32
        %add3A_967 = arith.constant 0 : i32
        %add3A_968 = arith.addi %add3A_967, %mul3A_966 : i32
        %mul3A_969 = arith.constant 16 : i32
        %mul3A_970 = arith.muli %add3A_968, %mul3A_969 : i32
        %get3A_971 = arith.index_cast %mul3A_970 : i32 to index
        %get3A_972 = tpu.vector_load %arg4[%get3A_971] {strides = array<i32>} : memref<2048xi32, #tpu.memory_space<vmem>>, vector<16xi32>,
        %get3A_973 = arith.constant 0 : index
        %get3A_974 = tpu.vector_load %arg6[%get3A_973] {strides = array<i32>} : memref<16xi32, #tpu.memory_space<vmem>>, vector<16xi32>,
        %lt3A = vector.broadcast %add3A_13 : i32 to vector<16xi32>
        %lt3A_975 = arith.cmpi slt, %get3A_972, %lt3A : vector<16xi32>
        %jit3A = arith.constant 1 : i32
        %jit3A_976 = arith.constant 0 : i32
        %broadcast_in_dim3A_977 = vector.broadcast %jit3A : i32 to vector<16xi32>
        %broadcast_in_dim3A_978 = vector.broadcast %jit3A_976 : i32 to vector<16xi32>
        %select_n3A_979 = arith.select %lt3A_975, %broadcast_in_dim3A_977, %broadcast_in_dim3A_978 : vector<16xi1>, vector<16xi32>
        %add3A_980 = arith.addi %get3A_974, %select_n3A_979 : vector<16xi32>
        %swap3A_981 = arith.constant 0 : index
        %swap3A_982 = tpu.vector_load %arg6[%swap3A_981] {strides = array<i32>} : memref<16xi32, #tpu.memory_space<vmem>>, vector<16xi32>,
        tpu.vector_store %arg6[%swap3A_981], %add3A_980 {strides = array<i32>} : memref<16xi32, #tpu.memory_space<vmem>>, vector<16xi32>,
      }
      %scan3A_21 = arith.constant 128 : i32
      %get3A_22 = arith.constant 0 : index
      %get3A_23 = tpu.vector_load %arg6[%get3A_22] {strides = array<i32>} : memref<16xi32, #tpu.memory_space<vmem>>, vector<16xi32>,
      %reduce_sum3A = arith.constant true
      %reduce_sum3A_24 = vector.broadcast %reduce_sum3A : i1 to vector<16xi1>
      %reduce_sum3A_25 = tpu.scan <sum>, %get3A_23 masked %reduce_sum3A_24 : vector<16xi32>, vector<16xi1> -> vector<16xi32>
      %reduce_sum3A_26 = vector.extract %reduce_sum3A_25[15] : i32 from vector<16xi32>
      %le3A = arith.constant 1024 : i32
      %le3A_27 = arith.cmpi sle, %reduce_sum3A_26, %le3A : i32
      %get3A_28 = arith.constant 0 : i32
      %get3A_29 = arith.index_cast %get3A_28 : i32 to index
      %get3A_30 = memref.load %arg7[%get3A_29] : memref<4xi32, #tpu.memory_space<smem>>
      %select_n3A = arith.select %le3A_27, %add3A_13, %get3A_30 : i32
      %swap3A_31 = arith.constant 0 : i32
      %swap3A_32 = arith.index_cast %swap3A_31 : i32 to index
      %swap3A_33 = memref.load %arg7[%swap3A_32] : memref<4xi32, #tpu.memory_space<smem>>
      memref.store %select_n3A, %arg7[%swap3A_32] : memref<4xi32, #tpu.memory_space<smem>>
      %get3A_34 = arith.constant 0 : i32
      %get3A_35 = arith.index_cast %get3A_34 : i32 to index
      %get3A_36 = memref.load %arg7[%get3A_35] : memref<4xi32, #tpu.memory_space<smem>>
      %add3A_37 = arith.constant 1073741824 : i32
      %add3A_38 = arith.addi %get3A_36, %add3A_37 : i32
      %broadcast_in_dim3A_39 = arith.constant 0 : i32
      %broadcast_in_dim3A_40 = vector.broadcast %broadcast_in_dim3A_39 : i32 to vector<16xi32>
      %swap3A_41 = arith.constant 0 : index
      %swap3A_42 = tpu.vector_load %arg6[%swap3A_41] {strides = array<i32>} : memref<16xi32, #tpu.memory_space<vmem>>, vector<16xi32>,
      tpu.vector_store %arg6[%swap3A_41], %broadcast_in_dim3A_40 {strides = array<i32>} : memref<16xi32, #tpu.memory_space<vmem>>, vector<16xi32>,
      %scan3A_43 = arith.constant 0 : i32
      %scan3A_44 = arith.constant 128 : i32
      %scan3A_45 = arith.addi %scan3A_43, %scan3A_44 : i32
      %scan3A_46 = arith.constant 1 : i32
      scf.for %scan3A_964 = %scan3A_43 to %scan3A_45 step %scan3A_46  : i32 {
        %mul3A_965 = arith.constant 1 : i32
        %mul3A_966 = arith.muli %scan3A_964, %mul3A_965 : i32
        %add3A_967 = arith.constant 0 : i32
        %add3A_968 = arith.addi %add3A_967, %mul3A_966 : i32
        %mul3A_969 = arith.constant 16 : i32
        %mul3A_970 = arith.muli %add3A_968, %mul3A_969 : i32
        %get3A_971 = arith.index_cast %mul3A_970 : i32 to index
        %get3A_972 = tpu.vector_load %arg4[%get3A_971] {strides = array<i32>} : memref<2048xi32, #tpu.memory_space<vmem>>, vector<16xi32>,
        %get3A_973 = arith.constant 0 : index
        %get3A_974 = tpu.vector_load %arg6[%get3A_973] {strides = array<i32>} : memref<16xi32, #tpu.memory_space<vmem>>, vector<16xi32>,
        %lt3A = vector.broadcast %add3A_38 : i32 to vector<16xi32>
        %lt3A_975 = arith.cmpi slt, %get3A_972, %lt3A : vector<16xi32>
        %jit3A = arith.constant 1 : i32
        %jit3A_976 = arith.constant 0 : i32
        %broadcast_in_dim3A_977 = vector.broadcast %jit3A : i32 to vector<16xi32>
        %broadcast_in_dim3A_978 = vector.broadcast %jit3A_976 : i32 to vector<16xi32>
        %select_n3A_979 = arith.select %lt3A_975, %broadcast_in_dim3A_977, %broadcast_in_dim3A_978 : vector<16xi1>, vector<16xi32>
        %add3A_980 = arith.addi %get3A_974, %select_n3A_979 : vector<16xi32>
        %swap3A_981 = arith.constant 0 : index
        %swap3A_982 = tpu.vector_load %arg6[%swap3A_981] {strides = array<i32>} : memref<16xi32, #tpu.memory_space<vmem>>, vector<16xi32>,
        tpu.vector_store %arg6[%swap3A_981], %add3A_980 {strides = array<i32>} : memref<16xi32, #tpu.memory_space<vmem>>, vector<16xi32>,
      }
      %scan3A_47 = arith.constant 128 : i32
      %get3A_48 = arith.constant 0 : index
      %get3A_49 = tpu.vector_load %arg6[%get3A_48] {strides = array<i32>} : memref<16xi32, #tpu.memory_space<vmem>>, vector<16xi32>,
      %reduce_sum3A_50 = arith.constant true
      %reduce_sum3A_51 = vector.broadcast %reduce_sum3A_50 : i1 to vector<16xi1>
      %reduce_sum3A_52 = tpu.scan <sum>, %get3A_49 masked %reduce_sum3A_51 : vector<16xi32>, vector<16xi1> -> vector<16xi32>
      %reduce_sum3A_53 = vector.extract %reduce_sum3A_52[15] : i32 from vector<16xi32>
      %le3A_54 = arith.constant 1024 : i32
      %le3A_55 = arith.cmpi sle, %reduce_sum3A_53, %le3A_54 : i32
      %get3A_56 = arith.constant 0 : i32
      %get3A_57 = arith.index_cast %get3A_56 : i32 to index
      %get3A_58 = memref.load %arg7[%get3A_57] : memref<4xi32, #tpu.memory_space<smem>>
      %select_n3A_59 = arith.select %le3A_55, %add3A_38, %get3A_58 : i32
      %swap3A_60 = arith.constant 0 : i32
      %swap3A_61 = arith.index_cast %swap3A_60 : i32 to index
      %swap3A_62 = memref.load %arg7[%swap3A_61] : memref<4xi32, #tpu.memory_space<smem>>
      memref.store %select_n3A_59, %arg7[%swap3A_61] : memref<4xi32, #tpu.memory_space<smem>>
      %get3A_63 = arith.constant 0 : i32
      %get3A_64 = arith.index_cast %get3A_63 : i32 to index
      %get3A_65 = memref.load %arg7[%get3A_64] : memref<4xi32, #tpu.memory_space<smem>>
      %add3A_66 = arith.constant 536870912 : i32
      %add3A_67 = arith.addi %get3A_65, %add3A_66 : i32
      %broadcast_in_dim3A_68 = arith.constant 0 : i32
      %broadcast_in_dim3A_69 = vector.broadcast %broadcast_in_dim3A_68 : i32 to vector<16xi32>
      %swap3A_70 = arith.constant 0 : index
      %swap3A_71 = tpu.vector_load %arg6[%swap3A_70] {strides = array<i32>} : memref<16xi32, #tpu.memory_space<vmem>>, vector<16xi32>,
      tpu.vector_store %arg6[%swap3A_70], %broadcast_in_dim3A_69 {strides = array<i32>} : memref<16xi32, #tpu.memory_space<vmem>>, vector<16xi32>,
      %scan3A_72 = arith.constant 0 : i32
      %scan3A_73 = arith.constant 128 : i32
      %scan3A_74 = arith.addi %scan3A_72, %scan3A_73 : i32
      %scan3A_75 = arith.constant 1 : i32
      scf.for %scan3A_964 = %scan3A_72 to %scan3A_74 step %scan3A_75  : i32 {
        %mul3A_965 = arith.constant 1 : i32
        %mul3A_966 = arith.muli %scan3A_964, %mul3A_965 : i32
        %add3A_967 = arith.constant 0 : i32
        %add3A_968 = arith.addi %add3A_967, %mul3A_966 : i32
        %mul3A_969 = arith.constant 16 : i32
        %mul3A_970 = arith.muli %add3A_968, %mul3A_969 : i32
        %get3A_971 = arith.index_cast %mul3A_970 : i32 to index
        %get3A_972 = tpu.vector_load %arg4[%get3A_971] {strides = array<i32>} : memref<2048xi32, #tpu.memory_space<vmem>>, vector<16xi32>,
        %get3A_973 = arith.constant 0 : index
        %get3A_974 = tpu.vector_load %arg6[%get3A_973] {strides = array<i32>} : memref<16xi32, #tpu.memory_space<vmem>>, vector<16xi32>,
        %lt3A = vector.broadcast %add3A_67 : i32 to vector<16xi32>
        %lt3A_975 = arith.cmpi slt, %get3A_972, %lt3A : vector<16xi32>
        %jit3A = arith.constant 1 : i32
        %jit3A_976 = arith.constant 0 : i32
        %broadcast_in_dim3A_977 = vector.broadcast %jit3A : i32 to vector<16xi32>
        %broadcast_in_dim3A_978 = vector.broadcast %jit3A_976 : i32 to vector<16xi32>
        %select_n3A_979 = arith.select %lt3A_975, %broadcast_in_dim3A_977, %broadcast_in_dim3A_978 : vector<16xi1>, vector<16xi32>
        %add3A_980 = arith.addi %get3A_974, %select_n3A_979 : vector<16xi32>
        %swap3A_981 = arith.constant 0 : index
        %swap3A_982 = tpu.vector_load %arg6[%swap3A_981] {strides = array<i32>} : memref<16xi32, #tpu.memory_space<vmem>>, vector<16xi32>,
        tpu.vector_store %arg6[%swap3A_981], %add3A_980 {strides = array<i32>} : memref<16xi32, #tpu.memory_space<vmem>>, vector<16xi32>,
      }
      %scan3A_76 = arith.constant 128 : i32
      %get3A_77 = arith.constant 0 : index
      %get3A_78 = tpu.vector_load %arg6[%get3A_77] {strides = array<i32>} : memref<16xi32, #tpu.memory_space<vmem>>, vector<16xi32>,
      %reduce_sum3A_79 = arith.constant true
      %reduce_sum3A_80 = vector.broadcast %reduce_sum3A_79 : i1 to vector<16xi1>
      %reduce_sum3A_81 = tpu.scan <sum>, %get3A_78 masked %reduce_sum3A_80 : vector<16xi32>, vector<16xi1> -> vector<16xi32>
      %reduce_sum3A_82 = vector.extract %reduce_sum3A_81[15] : i32 from vector<16xi32>
      %le3A_83 = arith.constant 1024 : i32
      %le3A_84 = arith.cmpi sle, %reduce_sum3A_82, %le3A_83 : i32
      %get3A_85 = arith.constant 0 : i32
      %get3A_86 = arith.index_cast %get3A_85 : i32 to index
      %get3A_87 = memref.load %arg7[%get3A_86] : memref<4xi32, #tpu.memory_space<smem>>
      %select_n3A_88 = arith.select %le3A_84, %add3A_67, %get3A_87 : i32
      %swap3A_89 = arith.constant 0 : i32
      %swap3A_90 = arith.index_cast %swap3A_89 : i32 to index
      %swap3A_91 = memref.load %arg7[%swap3A_90] : memref<4xi32, #tpu.memory_space<smem>>
      memref.store %select_n3A_88, %arg7[%swap3A_90] : memref<4xi32, #tpu.memory_space<smem>>
      %get3A_92 = arith.constant 0 : i32
      %get3A_93 = arith.index_cast %get3A_92 : i32 to index
      %get3A_94 = memref.load %arg7[%get3A_93] : memref<4xi32, #tpu.memory_space<smem>>
      %add3A_95 = arith.constant 268435456 : i32
      %add3A_96 = arith.addi %get3A_94, %add3A_95 : i32
      %broadcast_in_dim3A_97 = arith.constant 0 : i32
      %broadcast_in_dim3A_98 = vector.broadcast %broadcast_in_dim3A_97 : i32 to vector<16xi32>
      %swap3A_99 = arith.constant 0 : index
      %swap3A_100 = tpu.vector_load %arg6[%swap3A_99] {strides = array<i32>} : memref<16xi32, #tpu.memory_space<vmem>>, vector<16xi32>,
      tpu.vector_store %arg6[%swap3A_99], %broadcast_in_dim3A_98 {strides = array<i32>} : memref<16xi32, #tpu.memory_space<vmem>>, vector<16xi32>,
      %scan3A_101 = arith.constant 0 : i32
      %scan3A_102 = arith.constant 128 : i32
      %scan3A_103 = arith.addi %scan3A_101, %scan3A_102 : i32
      %scan3A_104 = arith.constant 1 : i32
      scf.for %scan3A_964 = %scan3A_101 to %scan3A_103 step %scan3A_104  : i32 {
        %mul3A_965 = arith.constant 1 : i32
        %mul3A_966 = arith.muli %scan3A_964, %mul3A_965 : i32
        %add3A_967 = arith.constant 0 : i32
        %add3A_968 = arith.addi %add3A_967, %mul3A_966 : i32
        %mul3A_969 = arith.constant 16 : i32
        %mul3A_970 = arith.muli %add3A_968, %mul3A_969 : i32
        %get3A_971 = arith.index_cast %mul3A_970 : i32 to index
        %get3A_972 = tpu.vector_load %arg4[%get3A_971] {strides = array<i32>} : memref<2048xi32, #tpu.memory_space<vmem>>, vector<16xi32>,
        %get3A_973 = arith.constant 0 : index
        %get3A_974 = tpu.vector_load %arg6[%get3A_973] {strides = array<i32>} : memref<16xi32, #tpu.memory_space<vmem>>, vector<16xi32>,
        %lt3A = vector.broadcast %add3A_96 : i32 to vector<16xi32>
        %lt3A_975 = arith.cmpi slt, %get3A_972, %lt3A : vector<16xi32>
        %jit3A = arith.constant 1 : i32
        %jit3A_976 = arith.constant 0 : i32
        %broadcast_in_dim3A_977 = vector.broadcast %jit3A : i32 to vector<16xi32>
        %broadcast_in_dim3A_978 = vector.broadcast %jit3A_976 : i32 to vector<16xi32>
        %select_n3A_979 = arith.select %lt3A_975, %broadcast_in_dim3A_977, %broadcast_in_dim3A_978 : vector<16xi1>, vector<16xi32>
        %add3A_980 = arith.addi %get3A_974, %select_n3A_979 : vector<16xi32>
        %swap3A_981 = arith.constant 0 : index
        %swap3A_982 = tpu.vector_load %arg6[%swap3A_981] {strides = array<i32>} : memref<16xi32, #tpu.memory_space<vmem>>, vector<16xi32>,
        tpu.vector_store %arg6[%swap3A_981], %add3A_980 {strides = array<i32>} : memref<16xi32, #tpu.memory_space<vmem>>, vector<16xi32>,
      }
      %scan3A_105 = arith.constant 128 : i32
      %get3A_106 = arith.constant 0 : index
      %get3A_107 = tpu.vector_load %arg6[%get3A_106] {strides = array<i32>} : memref<16xi32, #tpu.memory_space<vmem>>, vector<16xi32>,
      %reduce_sum3A_108 = arith.constant true
      %reduce_sum3A_109 = vector.broadcast %reduce_sum3A_108 : i1 to vector<16xi1>
      %reduce_sum3A_110 = tpu.scan <sum>, %get3A_107 masked %reduce_sum3A_109 : vector<16xi32>, vector<16xi1> -> vector<16xi32>
      %reduce_sum3A_111 = vector.extract %reduce_sum3A_110[15] : i32 from vector<16xi32>
      %le3A_112 = arith.constant 1024 : i32
      %le3A_113 = arith.cmpi sle, %reduce_sum3A_111, %le3A_112 : i32
      %get3A_114 = arith.constant 0 : i32
      %get3A_115 = arith.index_cast %get3A_114 : i32 to index
      %get3A_116 = memref.load %arg7[%get3A_115] : memref<4xi32, #tpu.memory_space<smem>>
      %select_n3A_117 = arith.select %le3A_113, %add3A_96, %get3A_116 : i32
      %swap3A_118 = arith.constant 0 : i32
      %swap3A_119 = arith.index_cast %swap3A_118 : i32 to index
      %swap3A_120 = memref.load %arg7[%swap3A_119] : memref<4xi32, #tpu.memory_space<smem>>
      memref.store %select_n3A_117, %arg7[%swap3A_119] : memref<4xi32, #tpu.memory_space<smem>>
      %get3A_121 = arith.constant 0 : i32
      %get3A_122 = arith.index_cast %get3A_121 : i32 to index
      %get3A_123 = memref.load %arg7[%get3A_122] : memref<4xi32, #tpu.memory_space<smem>>
      %add3A_124 = arith.constant 134217728 : i32
      %add3A_125 = arith.addi %get3A_123, %add3A_124 : i32
      %broadcast_in_dim3A_126 = arith.constant 0 : i32
      %broadcast_in_dim3A_127 = vector.broadcast %broadcast_in_dim3A_126 : i32 to vector<16xi32>
      %swap3A_128 = arith.constant 0 : index
      %swap3A_129 = tpu.vector_load %arg6[%swap3A_128] {strides = array<i32>} : memref<16xi32, #tpu.memory_space<vmem>>, vector<16xi32>,
      tpu.vector_store %arg6[%swap3A_128], %broadcast_in_dim3A_127 {strides = array<i32>} : memref<16xi32, #tpu.memory_space<vmem>>, vector<16xi32>,
      %scan3A_130 = arith.constant 0 : i32
      %scan3A_131 = arith.constant 128 : i32
      %scan3A_132 = arith.addi %scan3A_130, %scan3A_131 : i32
      %scan3A_133 = arith.constant 1 : i32
      scf.for %scan3A_964 = %scan3A_130 to %scan3A_132 step %scan3A_133  : i32 {
        %mul3A_965 = arith.constant 1 : i32
        %mul3A_966 = arith.muli %scan3A_964, %mul3A_965 : i32
        %add3A_967 = arith.constant 0 : i32
        %add3A_968 = arith.addi %add3A_967, %mul3A_966 : i32
        %mul3A_969 = arith.constant 16 : i32
        %mul3A_970 = arith.muli %add3A_968, %mul3A_969 : i32
        %get3A_971 = arith.index_cast %mul3A_970 : i32 to index
        %get3A_972 = tpu.vector_load %arg4[%get3A_971] {strides = array<i32>} : memref<2048xi32, #tpu.memory_space<vmem>>, vector<16xi32>,
        %get3A_973 = arith.constant 0 : index
        %get3A_974 = tpu.vector_load %arg6[%get3A_973] {strides = array<i32>} : memref<16xi32, #tpu.memory_space<vmem>>, vector<16xi32>,
        %lt3A = vector.broadcast %add3A_125 : i32 to vector<16xi32>
        %lt3A_975 = arith.cmpi slt, %get3A_972, %lt3A : vector<16xi32>
        %jit3A = arith.constant 1 : i32
        %jit3A_976 = arith.constant 0 : i32
        %broadcast_in_dim3A_977 = vector.broadcast %jit3A : i32 to vector<16xi32>
        %broadcast_in_dim3A_978 = vector.broadcast %jit3A_976 : i32 to vector<16xi32>
        %select_n3A_979 = arith.select %lt3A_975, %broadcast_in_dim3A_977, %broadcast_in_dim3A_978 : vector<16xi1>, vector<16xi32>
        %add3A_980 = arith.addi %get3A_974, %select_n3A_979 : vector<16xi32>
        %swap3A_981 = arith.constant 0 : index
        %swap3A_982 = tpu.vector_load %arg6[%swap3A_981] {strides = array<i32>} : memref<16xi32, #tpu.memory_space<vmem>>, vector<16xi32>,
        tpu.vector_store %arg6[%swap3A_981], %add3A_980 {strides = array<i32>} : memref<16xi32, #tpu.memory_space<vmem>>, vector<16xi32>,
      }
      %scan3A_134 = arith.constant 128 : i32
      %get3A_135 = arith.constant 0 : index
      %get3A_136 = tpu.vector_load %arg6[%get3A_135] {strides = array<i32>} : memref<16xi32, #tpu.memory_space<vmem>>, vector<16xi32>,
      %reduce_sum3A_137 = arith.constant true
      %reduce_sum3A_138 = vector.broadcast %reduce_sum3A_137 : i1 to vector<16xi1>
      %reduce_sum3A_139 = tpu.scan <sum>, %get3A_136 masked %reduce_sum3A_138 : vector<16xi32>, vector<16xi1> -> vector<16xi32>
      %reduce_sum3A_140 = vector.extract %reduce_sum3A_139[15] : i32 from vector<16xi32>
      %le3A_141 = arith.constant 1024 : i32
      %le3A_142 = arith.cmpi sle, %reduce_sum3A_140, %le3A_141 : i32
      %get3A_143 = arith.constant 0 : i32
      %get3A_144 = arith.index_cast %get3A_143 : i32 to index
      %get3A_145 = memref.load %arg7[%get3A_144] : memref<4xi32, #tpu.memory_space<smem>>
      %select_n3A_146 = arith.select %le3A_142, %add3A_125, %get3A_145 : i32
      %swap3A_147 = arith.constant 0 : i32
      %swap3A_148 = arith.index_cast %swap3A_147 : i32 to index
      %swap3A_149 = memref.load %arg7[%swap3A_148] : memref<4xi32, #tpu.memory_space<smem>>
      memref.store %select_n3A_146, %arg7[%swap3A_148] : memref<4xi32, #tpu.memory_space<smem>>
      %get3A_150 = arith.constant 0 : i32
      %get3A_151 = arith.index_cast %get3A_150 : i32 to index
      %get3A_152 = memref.load %arg7[%get3A_151] : memref<4xi32, #tpu.memory_space<smem>>
      %add3A_153 = arith.constant 67108864 : i32
      %add3A_154 = arith.addi %get3A_152, %add3A_153 : i32
      %broadcast_in_dim3A_155 = arith.constant 0 : i32
      %broadcast_in_dim3A_156 = vector.broadcast %broadcast_in_dim3A_155 : i32 to vector<16xi32>
      %swap3A_157 = arith.constant 0 : index
      %swap3A_158 = tpu.vector_load %arg6[%swap3A_157] {strides = array<i32>} : memref<16xi32, #tpu.memory_space<vmem>>, vector<16xi32>,
      tpu.vector_store %arg6[%swap3A_157], %broadcast_in_dim3A_156 {strides = array<i32>} : memref<16xi32, #tpu.memory_space<vmem>>, vector<16xi32>,
      %scan3A_159 = arith.constant 0 : i32
      %scan3A_160 = arith.constant 128 : i32
      %scan3A_161 = arith.addi %scan3A_159, %scan3A_160 : i32
      %scan3A_162 = arith.constant 1 : i32
      scf.for %scan3A_964 = %scan3A_159 to %scan3A_161 step %scan3A_162  : i32 {
        %mul3A_965 = arith.constant 1 : i32
        %mul3A_966 = arith.muli %scan3A_964, %mul3A_965 : i32
        %add3A_967 = arith.constant 0 : i32
        %add3A_968 = arith.addi %add3A_967, %mul3A_966 : i32
        %mul3A_969 = arith.constant 16 : i32
        %mul3A_970 = arith.muli %add3A_968, %mul3A_969 : i32
        %get3A_971 = arith.index_cast %mul3A_970 : i32 to index
        %get3A_972 = tpu.vector_load %arg4[%get3A_971] {strides = array<i32>} : memref<2048xi32, #tpu.memory_space<vmem>>, vector<16xi32>,
        %get3A_973 = arith.constant 0 : index
        %get3A_974 = tpu.vector_load %arg6[%get3A_973] {strides = array<i32>} : memref<16xi32, #tpu.memory_space<vmem>>, vector<16xi32>,
        %lt3A = vector.broadcast %add3A_154 : i32 to vector<16xi32>
        %lt3A_975 = arith.cmpi slt, %get3A_972, %lt3A : vector<16xi32>
        %jit3A = arith.constant 1 : i32
        %jit3A_976 = arith.constant 0 : i32
        %broadcast_in_dim3A_977 = vector.broadcast %jit3A : i32 to vector<16xi32>
        %broadcast_in_dim3A_978 = vector.broadcast %jit3A_976 : i32 to vector<16xi32>
        %select_n3A_979 = arith.select %lt3A_975, %broadcast_in_dim3A_977, %broadcast_in_dim3A_978 : vector<16xi1>, vector<16xi32>
        %add3A_980 = arith.addi %get3A_974, %select_n3A_979 : vector<16xi32>
        %swap3A_981 = arith.constant 0 : index
        %swap3A_982 = tpu.vector_load %arg6[%swap3A_981] {strides = array<i32>} : memref<16xi32, #tpu.memory_space<vmem>>, vector<16xi32>,
        tpu.vector_store %arg6[%swap3A_981], %add3A_980 {strides = array<i32>} : memref<16xi32, #tpu.memory_space<vmem>>, vector<16xi32>,
      }
      %scan3A_163 = arith.constant 128 : i32
      %get3A_164 = arith.constant 0 : index
      %get3A_165 = tpu.vector_load %arg6[%get3A_164] {strides = array<i32>} : memref<16xi32, #tpu.memory_space<vmem>>, vector<16xi32>,
      %reduce_sum3A_166 = arith.constant true
      %reduce_sum3A_167 = vector.broadcast %reduce_sum3A_166 : i1 to vector<16xi1>
      %reduce_sum3A_168 = tpu.scan <sum>, %get3A_165 masked %reduce_sum3A_167 : vector<16xi32>, vector<16xi1> -> vector<16xi32>
      %reduce_sum3A_169 = vector.extract %reduce_sum3A_168[15] : i32 from vector<16xi32>
      %le3A_170 = arith.constant 1024 : i32
      %le3A_171 = arith.cmpi sle, %reduce_sum3A_169, %le3A_170 : i32
      %get3A_172 = arith.constant 0 : i32
      %get3A_173 = arith.index_cast %get3A_172 : i32 to index
      %get3A_174 = memref.load %arg7[%get3A_173] : memref<4xi32, #tpu.memory_space<smem>>
      %select_n3A_175 = arith.select %le3A_171, %add3A_154, %get3A_174 : i32
      %swap3A_176 = arith.constant 0 : i32
      %swap3A_177 = arith.index_cast %swap3A_176 : i32 to index
      %swap3A_178 = memref.load %arg7[%swap3A_177] : memref<4xi32, #tpu.memory_space<smem>>
      memref.store %select_n3A_175, %arg7[%swap3A_177] : memref<4xi32, #tpu.memory_space<smem>>
      %get3A_179 = arith.constant 0 : i32
      %get3A_180 = arith.index_cast %get3A_179 : i32 to index
      %get3A_181 = memref.load %arg7[%get3A_180] : memref<4xi32, #tpu.memory_space<smem>>
      %add3A_182 = arith.constant 33554432 : i32
      %add3A_183 = arith.addi %get3A_181, %add3A_182 : i32
      %broadcast_in_dim3A_184 = arith.constant 0 : i32
      %broadcast_in_dim3A_185 = vector.broadcast %broadcast_in_dim3A_184 : i32 to vector<16xi32>
      %swap3A_186 = arith.constant 0 : index
      %swap3A_187 = tpu.vector_load %arg6[%swap3A_186] {strides = array<i32>} : memref<16xi32, #tpu.memory_space<vmem>>, vector<16xi32>,
      tpu.vector_store %arg6[%swap3A_186], %broadcast_in_dim3A_185 {strides = array<i32>} : memref<16xi32, #tpu.memory_space<vmem>>, vector<16xi32>,
      %scan3A_188 = arith.constant 0 : i32
      %scan3A_189 = arith.constant 128 : i32
      %scan3A_190 = arith.addi %scan3A_188, %scan3A_189 : i32
      %scan3A_191 = arith.constant 1 : i32
      scf.for %scan3A_964 = %scan3A_188 to %scan3A_190 step %scan3A_191  : i32 {
        %mul3A_965 = arith.constant 1 : i32
        %mul3A_966 = arith.muli %scan3A_964, %mul3A_965 : i32
        %add3A_967 = arith.constant 0 : i32
        %add3A_968 = arith.addi %add3A_967, %mul3A_966 : i32
        %mul3A_969 = arith.constant 16 : i32
        %mul3A_970 = arith.muli %add3A_968, %mul3A_969 : i32
        %get3A_971 = arith.index_cast %mul3A_970 : i32 to index
        %get3A_972 = tpu.vector_load %arg4[%get3A_971] {strides = array<i32>} : memref<2048xi32, #tpu.memory_space<vmem>>, vector<16xi32>,
        %get3A_973 = arith.constant 0 : index
        %get3A_974 = tpu.vector_load %arg6[%get3A_973] {strides = array<i32>} : memref<16xi32, #tpu.memory_space<vmem>>, vector<16xi32>,
        %lt3A = vector.broadcast %add3A_183 : i32 to vector<16xi32>
        %lt3A_975 = arith.cmpi slt, %get3A_972, %lt3A : vector<16xi32>
        %jit3A = arith.constant 1 : i32
        %jit3A_976 = arith.constant 0 : i32
        %broadcast_in_dim3A_977 = vector.broadcast %jit3A : i32 to vector<16xi32>
        %broadcast_in_dim3A_978 = vector.broadcast %jit3A_976 : i32 to vector<16xi32>
        %select_n3A_979 = arith.select %lt3A_975, %broadcast_in_dim3A_977, %broadcast_in_dim3A_978 : vector<16xi1>, vector<16xi32>
        %add3A_980 = arith.addi %get3A_974, %select_n3A_979 : vector<16xi32>
        %swap3A_981 = arith.constant 0 : index
        %swap3A_982 = tpu.vector_load %arg6[%swap3A_981] {strides = array<i32>} : memref<16xi32, #tpu.memory_space<vmem>>, vector<16xi32>,
        tpu.vector_store %arg6[%swap3A_981], %add3A_980 {strides = array<i32>} : memref<16xi32, #tpu.memory_space<vmem>>, vector<16xi32>,
      }
      %scan3A_192 = arith.constant 128 : i32
      %get3A_193 = arith.constant 0 : index
      %get3A_194 = tpu.vector_load %arg6[%get3A_193] {strides = array<i32>} : memref<16xi32, #tpu.memory_space<vmem>>, vector<16xi32>,
      %reduce_sum3A_195 = arith.constant true
      %reduce_sum3A_196 = vector.broadcast %reduce_sum3A_195 : i1 to vector<16xi1>
      %reduce_sum3A_197 = tpu.scan <sum>, %get3A_194 masked %reduce_sum3A_196 : vector<16xi32>, vector<16xi1> -> vector<16xi32>
      %reduce_sum3A_198 = vector.extract %reduce_sum3A_197[15] : i32 from vector<16xi32>
      %le3A_199 = arith.constant 1024 : i32
      %le3A_200 = arith.cmpi sle, %reduce_sum3A_198, %le3A_199 : i32
      %get3A_201 = arith.constant 0 : i32
      %get3A_202 = arith.index_cast %get3A_201 : i32 to index
      %get3A_203 = memref.load %arg7[%get3A_202] : memref<4xi32, #tpu.memory_space<smem>>
      %select_n3A_204 = arith.select %le3A_200, %add3A_183, %get3A_203 : i32
      %swap3A_205 = arith.constant 0 : i32
      %swap3A_206 = arith.index_cast %swap3A_205 : i32 to index
      %swap3A_207 = memref.load %arg7[%swap3A_206] : memref<4xi32, #tpu.memory_space<smem>>
      memref.store %select_n3A_204, %arg7[%swap3A_206] : memref<4xi32, #tpu.memory_space<smem>>
      %get3A_208 = arith.constant 0 : i32
      %get3A_209 = arith.index_cast %get3A_208 : i32 to index
      %get3A_210 = memref.load %arg7[%get3A_209] : memref<4xi32, #tpu.memory_space<smem>>
      %add3A_211 = arith.constant 16777216 : i32
      %add3A_212 = arith.addi %get3A_210, %add3A_211 : i32
      %broadcast_in_dim3A_213 = arith.constant 0 : i32
      %broadcast_in_dim3A_214 = vector.broadcast %broadcast_in_dim3A_213 : i32 to vector<16xi32>
      %swap3A_215 = arith.constant 0 : index
      %swap3A_216 = tpu.vector_load %arg6[%swap3A_215] {strides = array<i32>} : memref<16xi32, #tpu.memory_space<vmem>>, vector<16xi32>,
      tpu.vector_store %arg6[%swap3A_215], %broadcast_in_dim3A_214 {strides = array<i32>} : memref<16xi32, #tpu.memory_space<vmem>>, vector<16xi32>,
      %scan3A_217 = arith.constant 0 : i32
      %scan3A_218 = arith.constant 128 : i32
      %scan3A_219 = arith.addi %scan3A_217, %scan3A_218 : i32
      %scan3A_220 = arith.constant 1 : i32
      scf.for %scan3A_964 = %scan3A_217 to %scan3A_219 step %scan3A_220  : i32 {
        %mul3A_965 = arith.constant 1 : i32
        %mul3A_966 = arith.muli %scan3A_964, %mul3A_965 : i32
        %add3A_967 = arith.constant 0 : i32
        %add3A_968 = arith.addi %add3A_967, %mul3A_966 : i32
        %mul3A_969 = arith.constant 16 : i32
        %mul3A_970 = arith.muli %add3A_968, %mul3A_969 : i32
        %get3A_971 = arith.index_cast %mul3A_970 : i32 to index
        %get3A_972 = tpu.vector_load %arg4[%get3A_971] {strides = array<i32>} : memref<2048xi32, #tpu.memory_space<vmem>>, vector<16xi32>,
        %get3A_973 = arith.constant 0 : index
        %get3A_974 = tpu.vector_load %arg6[%get3A_973] {strides = array<i32>} : memref<16xi32, #tpu.memory_space<vmem>>, vector<16xi32>,
        %lt3A = vector.broadcast %add3A_212 : i32 to vector<16xi32>
        %lt3A_975 = arith.cmpi slt, %get3A_972, %lt3A : vector<16xi32>
        %jit3A = arith.constant 1 : i32
        %jit3A_976 = arith.constant 0 : i32
        %broadcast_in_dim3A_977 = vector.broadcast %jit3A : i32 to vector<16xi32>
        %broadcast_in_dim3A_978 = vector.broadcast %jit3A_976 : i32 to vector<16xi32>
        %select_n3A_979 = arith.select %lt3A_975, %broadcast_in_dim3A_977, %broadcast_in_dim3A_978 : vector<16xi1>, vector<16xi32>
        %add3A_980 = arith.addi %get3A_974, %select_n3A_979 : vector<16xi32>
        %swap3A_981 = arith.constant 0 : index
        %swap3A_982 = tpu.vector_load %arg6[%swap3A_981] {strides = array<i32>} : memref<16xi32, #tpu.memory_space<vmem>>, vector<16xi32>,
        tpu.vector_store %arg6[%swap3A_981], %add3A_980 {strides = array<i32>} : memref<16xi32, #tpu.memory_space<vmem>>, vector<16xi32>,
      }
      %scan3A_221 = arith.constant 128 : i32
      %get3A_222 = arith.constant 0 : index
      %get3A_223 = tpu.vector_load %arg6[%get3A_222] {strides = array<i32>} : memref<16xi32, #tpu.memory_space<vmem>>, vector<16xi32>,
      %reduce_sum3A_224 = arith.constant true
      %reduce_sum3A_225 = vector.broadcast %reduce_sum3A_224 : i1 to vector<16xi1>
      %reduce_sum3A_226 = tpu.scan <sum>, %get3A_223 masked %reduce_sum3A_225 : vector<16xi32>, vector<16xi1> -> vector<16xi32>
      %reduce_sum3A_227 = vector.extract %reduce_sum3A_226[15] : i32 from vector<16xi32>
      %le3A_228 = arith.constant 1024 : i32
      %le3A_229 = arith.cmpi sle, %reduce_sum3A_227, %le3A_228 : i32
      %get3A_230 = arith.constant 0 : i32
      %get3A_231 = arith.index_cast %get3A_230 : i32 to index
      %get3A_232 = memref.load %arg7[%get3A_231] : memref<4xi32, #tpu.memory_space<smem>>
      %select_n3A_233 = arith.select %le3A_229, %add3A_212, %get3A_232 : i32
      %swap3A_234 = arith.constant 0 : i32
      %swap3A_235 = arith.index_cast %swap3A_234 : i32 to index
      %swap3A_236 = memref.load %arg7[%swap3A_235] : memref<4xi32, #tpu.memory_space<smem>>
      memref.store %select_n3A_233, %arg7[%swap3A_235] : memref<4xi32, #tpu.memory_space<smem>>
      %get3A_237 = arith.constant 0 : i32
      %get3A_238 = arith.index_cast %get3A_237 : i32 to index
      %get3A_239 = memref.load %arg7[%get3A_238] : memref<4xi32, #tpu.memory_space<smem>>
      %add3A_240 = arith.constant 8388608 : i32
      %add3A_241 = arith.addi %get3A_239, %add3A_240 : i32
      %broadcast_in_dim3A_242 = arith.constant 0 : i32
      %broadcast_in_dim3A_243 = vector.broadcast %broadcast_in_dim3A_242 : i32 to vector<16xi32>
      %swap3A_244 = arith.constant 0 : index
      %swap3A_245 = tpu.vector_load %arg6[%swap3A_244] {strides = array<i32>} : memref<16xi32, #tpu.memory_space<vmem>>, vector<16xi32>,
      tpu.vector_store %arg6[%swap3A_244], %broadcast_in_dim3A_243 {strides = array<i32>} : memref<16xi32, #tpu.memory_space<vmem>>, vector<16xi32>,
      %scan3A_246 = arith.constant 0 : i32
      %scan3A_247 = arith.constant 128 : i32
      %scan3A_248 = arith.addi %scan3A_246, %scan3A_247 : i32
      %scan3A_249 = arith.constant 1 : i32
      scf.for %scan3A_964 = %scan3A_246 to %scan3A_248 step %scan3A_249  : i32 {
        %mul3A_965 = arith.constant 1 : i32
        %mul3A_966 = arith.muli %scan3A_964, %mul3A_965 : i32
        %add3A_967 = arith.constant 0 : i32
        %add3A_968 = arith.addi %add3A_967, %mul3A_966 : i32
        %mul3A_969 = arith.constant 16 : i32
        %mul3A_970 = arith.muli %add3A_968, %mul3A_969 : i32
        %get3A_971 = arith.index_cast %mul3A_970 : i32 to index
        %get3A_972 = tpu.vector_load %arg4[%get3A_971] {strides = array<i32>} : memref<2048xi32, #tpu.memory_space<vmem>>, vector<16xi32>,
        %get3A_973 = arith.constant 0 : index
        %get3A_974 = tpu.vector_load %arg6[%get3A_973] {strides = array<i32>} : memref<16xi32, #tpu.memory_space<vmem>>, vector<16xi32>,
        %lt3A = vector.broadcast %add3A_241 : i32 to vector<16xi32>
        %lt3A_975 = arith.cmpi slt, %get3A_972, %lt3A : vector<16xi32>
        %jit3A = arith.constant 1 : i32
        %jit3A_976 = arith.constant 0 : i32
        %broadcast_in_dim3A_977 = vector.broadcast %jit3A : i32 to vector<16xi32>
        %broadcast_in_dim3A_978 = vector.broadcast %jit3A_976 : i32 to vector<16xi32>
        %select_n3A_979 = arith.select %lt3A_975, %broadcast_in_dim3A_977, %broadcast_in_dim3A_978 : vector<16xi1>, vector<16xi32>
        %add3A_980 = arith.addi %get3A_974, %select_n3A_979 : vector<16xi32>
        %swap3A_981 = arith.constant 0 : index
        %swap3A_982 = tpu.vector_load %arg6[%swap3A_981] {strides = array<i32>} : memref<16xi32, #tpu.memory_space<vmem>>, vector<16xi32>,
        tpu.vector_store %arg6[%swap3A_981], %add3A_980 {strides = array<i32>} : memref<16xi32, #tpu.memory_space<vmem>>, vector<16xi32>,
      }
      %scan3A_250 = arith.constant 128 : i32
      %get3A_251 = arith.constant 0 : index
      %get3A_252 = tpu.vector_load %arg6[%get3A_251] {strides = array<i32>} : memref<16xi32, #tpu.memory_space<vmem>>, vector<16xi32>,
      %reduce_sum3A_253 = arith.constant true
      %reduce_sum3A_254 = vector.broadcast %reduce_sum3A_253 : i1 to vector<16xi1>
      %reduce_sum3A_255 = tpu.scan <sum>, %get3A_252 masked %reduce_sum3A_254 : vector<16xi32>, vector<16xi1> -> vector<16xi32>
      %reduce_sum3A_256 = vector.extract %reduce_sum3A_255[15] : i32 from vector<16xi32>
      %le3A_257 = arith.constant 1024 : i32
      %le3A_258 = arith.cmpi sle, %reduce_sum3A_256, %le3A_257 : i32
      %get3A_259 = arith.constant 0 : i32
      %get3A_260 = arith.index_cast %get3A_259 : i32 to index
      %get3A_261 = memref.load %arg7[%get3A_260] : memref<4xi32, #tpu.memory_space<smem>>
      %select_n3A_262 = arith.select %le3A_258, %add3A_241, %get3A_261 : i32
      %swap3A_263 = arith.constant 0 : i32
      %swap3A_264 = arith.index_cast %swap3A_263 : i32 to index
      %swap3A_265 = memref.load %arg7[%swap3A_264] : memref<4xi32, #tpu.memory_space<smem>>
      memref.store %select_n3A_262, %arg7[%swap3A_264] : memref<4xi32, #tpu.memory_space<smem>>
      %get3A_266 = arith.constant 0 : i32
      %get3A_267 = arith.index_cast %get3A_266 : i32 to index
      %get3A_268 = memref.load %arg7[%get3A_267] : memref<4xi32, #tpu.memory_space<smem>>
      %add3A_269 = arith.constant 4194304 : i32
      %add3A_270 = arith.addi %get3A_268, %add3A_269 : i32
      %broadcast_in_dim3A_271 = arith.constant 0 : i32
      %broadcast_in_dim3A_272 = vector.broadcast %broadcast_in_dim3A_271 : i32 to vector<16xi32>
      %swap3A_273 = arith.constant 0 : index
      %swap3A_274 = tpu.vector_load %arg6[%swap3A_273] {strides = array<i32>} : memref<16xi32, #tpu.memory_space<vmem>>, vector<16xi32>,
      tpu.vector_store %arg6[%swap3A_273], %broadcast_in_dim3A_272 {strides = array<i32>} : memref<16xi32, #tpu.memory_space<vmem>>, vector<16xi32>,
      %scan3A_275 = arith.constant 0 : i32
      %scan3A_276 = arith.constant 128 : i32
      %scan3A_277 = arith.addi %scan3A_275, %scan3A_276 : i32
      %scan3A_278 = arith.constant 1 : i32
      scf.for %scan3A_964 = %scan3A_275 to %scan3A_277 step %scan3A_278  : i32 {
        %mul3A_965 = arith.constant 1 : i32
        %mul3A_966 = arith.muli %scan3A_964, %mul3A_965 : i32
        %add3A_967 = arith.constant 0 : i32
        %add3A_968 = arith.addi %add3A_967, %mul3A_966 : i32
        %mul3A_969 = arith.constant 16 : i32
        %mul3A_970 = arith.muli %add3A_968, %mul3A_969 : i32
        %get3A_971 = arith.index_cast %mul3A_970 : i32 to index
        %get3A_972 = tpu.vector_load %arg4[%get3A_971] {strides = array<i32>} : memref<2048xi32, #tpu.memory_space<vmem>>, vector<16xi32>,
        %get3A_973 = arith.constant 0 : index
        %get3A_974 = tpu.vector_load %arg6[%get3A_973] {strides = array<i32>} : memref<16xi32, #tpu.memory_space<vmem>>, vector<16xi32>,
        %lt3A = vector.broadcast %add3A_270 : i32 to vector<16xi32>
        %lt3A_975 = arith.cmpi slt, %get3A_972, %lt3A : vector<16xi32>
        %jit3A = arith.constant 1 : i32
        %jit3A_976 = arith.constant 0 : i32
        %broadcast_in_dim3A_977 = vector.broadcast %jit3A : i32 to vector<16xi32>
        %broadcast_in_dim3A_978 = vector.broadcast %jit3A_976 : i32 to vector<16xi32>
        %select_n3A_979 = arith.select %lt3A_975, %broadcast_in_dim3A_977, %broadcast_in_dim3A_978 : vector<16xi1>, vector<16xi32>
        %add3A_980 = arith.addi %get3A_974, %select_n3A_979 : vector<16xi32>
        %swap3A_981 = arith.constant 0 : index
        %swap3A_982 = tpu.vector_load %arg6[%swap3A_981] {strides = array<i32>} : memref<16xi32, #tpu.memory_space<vmem>>, vector<16xi32>,
        tpu.vector_store %arg6[%swap3A_981], %add3A_980 {strides = array<i32>} : memref<16xi32, #tpu.memory_space<vmem>>, vector<16xi32>,
      }
      %scan3A_279 = arith.constant 128 : i32
      %get3A_280 = arith.constant 0 : index
      %get3A_281 = tpu.vector_load %arg6[%get3A_280] {strides = array<i32>} : memref<16xi32, #tpu.memory_space<vmem>>, vector<16xi32>,
      %reduce_sum3A_282 = arith.constant true
      %reduce_sum3A_283 = vector.broadcast %reduce_sum3A_282 : i1 to vector<16xi1>
      %reduce_sum3A_284 = tpu.scan <sum>, %get3A_281 masked %reduce_sum3A_283 : vector<16xi32>, vector<16xi1> -> vector<16xi32>
      %reduce_sum3A_285 = vector.extract %reduce_sum3A_284[15] : i32 from vector<16xi32>
      %le3A_286 = arith.constant 1024 : i32
      %le3A_287 = arith.cmpi sle, %reduce_sum3A_285, %le3A_286 : i32
      %get3A_288 = arith.constant 0 : i32
      %get3A_289 = arith.index_cast %get3A_288 : i32 to index
      %get3A_290 = memref.load %arg7[%get3A_289] : memref<4xi32, #tpu.memory_space<smem>>
      %select_n3A_291 = arith.select %le3A_287, %add3A_270, %get3A_290 : i32
      %swap3A_292 = arith.constant 0 : i32
      %swap3A_293 = arith.index_cast %swap3A_292 : i32 to index
      %swap3A_294 = memref.load %arg7[%swap3A_293] : memref<4xi32, #tpu.memory_space<smem>>
      memref.store %select_n3A_291, %arg7[%swap3A_293] : memref<4xi32, #tpu.memory_space<smem>>
      %get3A_295 = arith.constant 0 : i32
      %get3A_296 = arith.index_cast %get3A_295 : i32 to index
      %get3A_297 = memref.load %arg7[%get3A_296] : memref<4xi32, #tpu.memory_space<smem>>
      %add3A_298 = arith.constant 2097152 : i32
      %add3A_299 = arith.addi %get3A_297, %add3A_298 : i32
      %broadcast_in_dim3A_300 = arith.constant 0 : i32
      %broadcast_in_dim3A_301 = vector.broadcast %broadcast_in_dim3A_300 : i32 to vector<16xi32>
      %swap3A_302 = arith.constant 0 : index
      %swap3A_303 = tpu.vector_load %arg6[%swap3A_302] {strides = array<i32>} : memref<16xi32, #tpu.memory_space<vmem>>, vector<16xi32>,
      tpu.vector_store %arg6[%swap3A_302], %broadcast_in_dim3A_301 {strides = array<i32>} : memref<16xi32, #tpu.memory_space<vmem>>, vector<16xi32>,
      %scan3A_304 = arith.constant 0 : i32
      %scan3A_305 = arith.constant 128 : i32
      %scan3A_306 = arith.addi %scan3A_304, %scan3A_305 : i32
      %scan3A_307 = arith.constant 1 : i32
      scf.for %scan3A_964 = %scan3A_304 to %scan3A_306 step %scan3A_307  : i32 {
        %mul3A_965 = arith.constant 1 : i32
        %mul3A_966 = arith.muli %scan3A_964, %mul3A_965 : i32
        %add3A_967 = arith.constant 0 : i32
        %add3A_968 = arith.addi %add3A_967, %mul3A_966 : i32
        %mul3A_969 = arith.constant 16 : i32
        %mul3A_970 = arith.muli %add3A_968, %mul3A_969 : i32
        %get3A_971 = arith.index_cast %mul3A_970 : i32 to index
        %get3A_972 = tpu.vector_load %arg4[%get3A_971] {strides = array<i32>} : memref<2048xi32, #tpu.memory_space<vmem>>, vector<16xi32>,
        %get3A_973 = arith.constant 0 : index
        %get3A_974 = tpu.vector_load %arg6[%get3A_973] {strides = array<i32>} : memref<16xi32, #tpu.memory_space<vmem>>, vector<16xi32>,
        %lt3A = vector.broadcast %add3A_299 : i32 to vector<16xi32>
        %lt3A_975 = arith.cmpi slt, %get3A_972, %lt3A : vector<16xi32>
        %jit3A = arith.constant 1 : i32
        %jit3A_976 = arith.constant 0 : i32
        %broadcast_in_dim3A_977 = vector.broadcast %jit3A : i32 to vector<16xi32>
        %broadcast_in_dim3A_978 = vector.broadcast %jit3A_976 : i32 to vector<16xi32>
        %select_n3A_979 = arith.select %lt3A_975, %broadcast_in_dim3A_977, %broadcast_in_dim3A_978 : vector<16xi1>, vector<16xi32>
        %add3A_980 = arith.addi %get3A_974, %select_n3A_979 : vector<16xi32>
        %swap3A_981 = arith.constant 0 : index
        %swap3A_982 = tpu.vector_load %arg6[%swap3A_981] {strides = array<i32>} : memref<16xi32, #tpu.memory_space<vmem>>, vector<16xi32>,
        tpu.vector_store %arg6[%swap3A_981], %add3A_980 {strides = array<i32>} : memref<16xi32, #tpu.memory_space<vmem>>, vector<16xi32>,
      }
      %scan3A_308 = arith.constant 128 : i32
      %get3A_309 = arith.constant 0 : index
      %get3A_310 = tpu.vector_load %arg6[%get3A_309] {strides = array<i32>} : memref<16xi32, #tpu.memory_space<vmem>>, vector<16xi32>,
      %reduce_sum3A_311 = arith.constant true
      %reduce_sum3A_312 = vector.broadcast %reduce_sum3A_311 : i1 to vector<16xi1>
      %reduce_sum3A_313 = tpu.scan <sum>, %get3A_310 masked %reduce_sum3A_312 : vector<16xi32>, vector<16xi1> -> vector<16xi32>
      %reduce_sum3A_314 = vector.extract %reduce_sum3A_313[15] : i32 from vector<16xi32>
      %le3A_315 = arith.constant 1024 : i32
      %le3A_316 = arith.cmpi sle, %reduce_sum3A_314, %le3A_315 : i32
      %get3A_317 = arith.constant 0 : i32
      %get3A_318 = arith.index_cast %get3A_317 : i32 to index
      %get3A_319 = memref.load %arg7[%get3A_318] : memref<4xi32, #tpu.memory_space<smem>>
      %select_n3A_320 = arith.select %le3A_316, %add3A_299, %get3A_319 : i32
      %swap3A_321 = arith.constant 0 : i32
      %swap3A_322 = arith.index_cast %swap3A_321 : i32 to index
      %swap3A_323 = memref.load %arg7[%swap3A_322] : memref<4xi32, #tpu.memory_space<smem>>
      memref.store %select_n3A_320, %arg7[%swap3A_322] : memref<4xi32, #tpu.memory_space<smem>>
      %get3A_324 = arith.constant 0 : i32
      %get3A_325 = arith.index_cast %get3A_324 : i32 to index
      %get3A_326 = memref.load %arg7[%get3A_325] : memref<4xi32, #tpu.memory_space<smem>>
      %add3A_327 = arith.constant 1048576 : i32
      %add3A_328 = arith.addi %get3A_326, %add3A_327 : i32
      %broadcast_in_dim3A_329 = arith.constant 0 : i32
      %broadcast_in_dim3A_330 = vector.broadcast %broadcast_in_dim3A_329 : i32 to vector<16xi32>
      %swap3A_331 = arith.constant 0 : index
      %swap3A_332 = tpu.vector_load %arg6[%swap3A_331] {strides = array<i32>} : memref<16xi32, #tpu.memory_space<vmem>>, vector<16xi32>,
      tpu.vector_store %arg6[%swap3A_331], %broadcast_in_dim3A_330 {strides = array<i32>} : memref<16xi32, #tpu.memory_space<vmem>>, vector<16xi32>,
      %scan3A_333 = arith.constant 0 : i32
      %scan3A_334 = arith.constant 128 : i32
      %scan3A_335 = arith.addi %scan3A_333, %scan3A_334 : i32
      %scan3A_336 = arith.constant 1 : i32
      scf.for %scan3A_964 = %scan3A_333 to %scan3A_335 step %scan3A_336  : i32 {
        %mul3A_965 = arith.constant 1 : i32
        %mul3A_966 = arith.muli %scan3A_964, %mul3A_965 : i32
        %add3A_967 = arith.constant 0 : i32
        %add3A_968 = arith.addi %add3A_967, %mul3A_966 : i32
        %mul3A_969 = arith.constant 16 : i32
        %mul3A_970 = arith.muli %add3A_968, %mul3A_969 : i32
        %get3A_971 = arith.index_cast %mul3A_970 : i32 to index
        %get3A_972 = tpu.vector_load %arg4[%get3A_971] {strides = array<i32>} : memref<2048xi32, #tpu.memory_space<vmem>>, vector<16xi32>,
        %get3A_973 = arith.constant 0 : index
        %get3A_974 = tpu.vector_load %arg6[%get3A_973] {strides = array<i32>} : memref<16xi32, #tpu.memory_space<vmem>>, vector<16xi32>,
        %lt3A = vector.broadcast %add3A_328 : i32 to vector<16xi32>
        %lt3A_975 = arith.cmpi slt, %get3A_972, %lt3A : vector<16xi32>
        %jit3A = arith.constant 1 : i32
        %jit3A_976 = arith.constant 0 : i32
        %broadcast_in_dim3A_977 = vector.broadcast %jit3A : i32 to vector<16xi32>
        %broadcast_in_dim3A_978 = vector.broadcast %jit3A_976 : i32 to vector<16xi32>
        %select_n3A_979 = arith.select %lt3A_975, %broadcast_in_dim3A_977, %broadcast_in_dim3A_978 : vector<16xi1>, vector<16xi32>
        %add3A_980 = arith.addi %get3A_974, %select_n3A_979 : vector<16xi32>
        %swap3A_981 = arith.constant 0 : index
        %swap3A_982 = tpu.vector_load %arg6[%swap3A_981] {strides = array<i32>} : memref<16xi32, #tpu.memory_space<vmem>>, vector<16xi32>,
        tpu.vector_store %arg6[%swap3A_981], %add3A_980 {strides = array<i32>} : memref<16xi32, #tpu.memory_space<vmem>>, vector<16xi32>,
      }
      %scan3A_337 = arith.constant 128 : i32
      %get3A_338 = arith.constant 0 : index
      %get3A_339 = tpu.vector_load %arg6[%get3A_338] {strides = array<i32>} : memref<16xi32, #tpu.memory_space<vmem>>, vector<16xi32>,
      %reduce_sum3A_340 = arith.constant true
      %reduce_sum3A_341 = vector.broadcast %reduce_sum3A_340 : i1 to vector<16xi1>
      %reduce_sum3A_342 = tpu.scan <sum>, %get3A_339 masked %reduce_sum3A_341 : vector<16xi32>, vector<16xi1> -> vector<16xi32>
      %reduce_sum3A_343 = vector.extract %reduce_sum3A_342[15] : i32 from vector<16xi32>
      %le3A_344 = arith.constant 1024 : i32
      %le3A_345 = arith.cmpi sle, %reduce_sum3A_343, %le3A_344 : i32
      %get3A_346 = arith.constant 0 : i32
      %get3A_347 = arith.index_cast %get3A_346 : i32 to index
      %get3A_348 = memref.load %arg7[%get3A_347] : memref<4xi32, #tpu.memory_space<smem>>
      %select_n3A_349 = arith.select %le3A_345, %add3A_328, %get3A_348 : i32
      %swap3A_350 = arith.constant 0 : i32
      %swap3A_351 = arith.index_cast %swap3A_350 : i32 to index
      %swap3A_352 = memref.load %arg7[%swap3A_351] : memref<4xi32, #tpu.memory_space<smem>>
      memref.store %select_n3A_349, %arg7[%swap3A_351] : memref<4xi32, #tpu.memory_space<smem>>
      %get3A_353 = arith.constant 0 : i32
      %get3A_354 = arith.index_cast %get3A_353 : i32 to index
      %get3A_355 = memref.load %arg7[%get3A_354] : memref<4xi32, #tpu.memory_space<smem>>
      %add3A_356 = arith.constant 524288 : i32
      %add3A_357 = arith.addi %get3A_355, %add3A_356 : i32
      %broadcast_in_dim3A_358 = arith.constant 0 : i32
      %broadcast_in_dim3A_359 = vector.broadcast %broadcast_in_dim3A_358 : i32 to vector<16xi32>
      %swap3A_360 = arith.constant 0 : index
      %swap3A_361 = tpu.vector_load %arg6[%swap3A_360] {strides = array<i32>} : memref<16xi32, #tpu.memory_space<vmem>>, vector<16xi32>,
      tpu.vector_store %arg6[%swap3A_360], %broadcast_in_dim3A_359 {strides = array<i32>} : memref<16xi32, #tpu.memory_space<vmem>>, vector<16xi32>,
      %scan3A_362 = arith.constant 0 : i32
      %scan3A_363 = arith.constant 128 : i32
      %scan3A_364 = arith.addi %scan3A_362, %scan3A_363 : i32
      %scan3A_365 = arith.constant 1 : i32
      scf.for %scan3A_964 = %scan3A_362 to %scan3A_364 step %scan3A_365  : i32 {
        %mul3A_965 = arith.constant 1 : i32
        %mul3A_966 = arith.muli %scan3A_964, %mul3A_965 : i32
        %add3A_967 = arith.constant 0 : i32
        %add3A_968 = arith.addi %add3A_967, %mul3A_966 : i32
        %mul3A_969 = arith.constant 16 : i32
        %mul3A_970 = arith.muli %add3A_968, %mul3A_969 : i32
        %get3A_971 = arith.index_cast %mul3A_970 : i32 to index
        %get3A_972 = tpu.vector_load %arg4[%get3A_971] {strides = array<i32>} : memref<2048xi32, #tpu.memory_space<vmem>>, vector<16xi32>,
        %get3A_973 = arith.constant 0 : index
        %get3A_974 = tpu.vector_load %arg6[%get3A_973] {strides = array<i32>} : memref<16xi32, #tpu.memory_space<vmem>>, vector<16xi32>,
        %lt3A = vector.broadcast %add3A_357 : i32 to vector<16xi32>
        %lt3A_975 = arith.cmpi slt, %get3A_972, %lt3A : vector<16xi32>
        %jit3A = arith.constant 1 : i32
        %jit3A_976 = arith.constant 0 : i32
        %broadcast_in_dim3A_977 = vector.broadcast %jit3A : i32 to vector<16xi32>
        %broadcast_in_dim3A_978 = vector.broadcast %jit3A_976 : i32 to vector<16xi32>
        %select_n3A_979 = arith.select %lt3A_975, %broadcast_in_dim3A_977, %broadcast_in_dim3A_978 : vector<16xi1>, vector<16xi32>
        %add3A_980 = arith.addi %get3A_974, %select_n3A_979 : vector<16xi32>
        %swap3A_981 = arith.constant 0 : index
        %swap3A_982 = tpu.vector_load %arg6[%swap3A_981] {strides = array<i32>} : memref<16xi32, #tpu.memory_space<vmem>>, vector<16xi32>,
        tpu.vector_store %arg6[%swap3A_981], %add3A_980 {strides = array<i32>} : memref<16xi32, #tpu.memory_space<vmem>>, vector<16xi32>,
      }
      %scan3A_366 = arith.constant 128 : i32
      %get3A_367 = arith.constant 0 : index
      %get3A_368 = tpu.vector_load %arg6[%get3A_367] {strides = array<i32>} : memref<16xi32, #tpu.memory_space<vmem>>, vector<16xi32>,
      %reduce_sum3A_369 = arith.constant true
      %reduce_sum3A_370 = vector.broadcast %reduce_sum3A_369 : i1 to vector<16xi1>
      %reduce_sum3A_371 = tpu.scan <sum>, %get3A_368 masked %reduce_sum3A_370 : vector<16xi32>, vector<16xi1> -> vector<16xi32>
      %reduce_sum3A_372 = vector.extract %reduce_sum3A_371[15] : i32 from vector<16xi32>
      %le3A_373 = arith.constant 1024 : i32
      %le3A_374 = arith.cmpi sle, %reduce_sum3A_372, %le3A_373 : i32
      %get3A_375 = arith.constant 0 : i32
      %get3A_376 = arith.index_cast %get3A_375 : i32 to index
      %get3A_377 = memref.load %arg7[%get3A_376] : memref<4xi32, #tpu.memory_space<smem>>
      %select_n3A_378 = arith.select %le3A_374, %add3A_357, %get3A_377 : i32
      %swap3A_379 = arith.constant 0 : i32
      %swap3A_380 = arith.index_cast %swap3A_379 : i32 to index
      %swap3A_381 = memref.load %arg7[%swap3A_380] : memref<4xi32, #tpu.memory_space<smem>>
      memref.store %select_n3A_378, %arg7[%swap3A_380] : memref<4xi32, #tpu.memory_space<smem>>
      %get3A_382 = arith.constant 0 : i32
      %get3A_383 = arith.index_cast %get3A_382 : i32 to index
      %get3A_384 = memref.load %arg7[%get3A_383] : memref<4xi32, #tpu.memory_space<smem>>
      %add3A_385 = arith.constant 262144 : i32
      %add3A_386 = arith.addi %get3A_384, %add3A_385 : i32
      %broadcast_in_dim3A_387 = arith.constant 0 : i32
      %broadcast_in_dim3A_388 = vector.broadcast %broadcast_in_dim3A_387 : i32 to vector<16xi32>
      %swap3A_389 = arith.constant 0 : index
      %swap3A_390 = tpu.vector_load %arg6[%swap3A_389] {strides = array<i32>} : memref<16xi32, #tpu.memory_space<vmem>>, vector<16xi32>,
      tpu.vector_store %arg6[%swap3A_389], %broadcast_in_dim3A_388 {strides = array<i32>} : memref<16xi32, #tpu.memory_space<vmem>>, vector<16xi32>,
      %scan3A_391 = arith.constant 0 : i32
      %scan3A_392 = arith.constant 128 : i32
      %scan3A_393 = arith.addi %scan3A_391, %scan3A_392 : i32
      %scan3A_394 = arith.constant 1 : i32
      scf.for %scan3A_964 = %scan3A_391 to %scan3A_393 step %scan3A_394  : i32 {
        %mul3A_965 = arith.constant 1 : i32
        %mul3A_966 = arith.muli %scan3A_964, %mul3A_965 : i32
        %add3A_967 = arith.constant 0 : i32
        %add3A_968 = arith.addi %add3A_967, %mul3A_966 : i32
        %mul3A_969 = arith.constant 16 : i32
        %mul3A_970 = arith.muli %add3A_968, %mul3A_969 : i32
        %get3A_971 = arith.index_cast %mul3A_970 : i32 to index
        %get3A_972 = tpu.vector_load %arg4[%get3A_971] {strides = array<i32>} : memref<2048xi32, #tpu.memory_space<vmem>>, vector<16xi32>,
        %get3A_973 = arith.constant 0 : index
        %get3A_974 = tpu.vector_load %arg6[%get3A_973] {strides = array<i32>} : memref<16xi32, #tpu.memory_space<vmem>>, vector<16xi32>,
        %lt3A = vector.broadcast %add3A_386 : i32 to vector<16xi32>
        %lt3A_975 = arith.cmpi slt, %get3A_972, %lt3A : vector<16xi32>
        %jit3A = arith.constant 1 : i32
        %jit3A_976 = arith.constant 0 : i32
        %broadcast_in_dim3A_977 = vector.broadcast %jit3A : i32 to vector<16xi32>
        %broadcast_in_dim3A_978 = vector.broadcast %jit3A_976 : i32 to vector<16xi32>
        %select_n3A_979 = arith.select %lt3A_975, %broadcast_in_dim3A_977, %broadcast_in_dim3A_978 : vector<16xi1>, vector<16xi32>
        %add3A_980 = arith.addi %get3A_974, %select_n3A_979 : vector<16xi32>
        %swap3A_981 = arith.constant 0 : index
        %swap3A_982 = tpu.vector_load %arg6[%swap3A_981] {strides = array<i32>} : memref<16xi32, #tpu.memory_space<vmem>>, vector<16xi32>,
        tpu.vector_store %arg6[%swap3A_981], %add3A_980 {strides = array<i32>} : memref<16xi32, #tpu.memory_space<vmem>>, vector<16xi32>,
      }
      %scan3A_395 = arith.constant 128 : i32
      %get3A_396 = arith.constant 0 : index
      %get3A_397 = tpu.vector_load %arg6[%get3A_396] {strides = array<i32>} : memref<16xi32, #tpu.memory_space<vmem>>, vector<16xi32>,
      %reduce_sum3A_398 = arith.constant true
      %reduce_sum3A_399 = vector.broadcast %reduce_sum3A_398 : i1 to vector<16xi1>
      %reduce_sum3A_400 = tpu.scan <sum>, %get3A_397 masked %reduce_sum3A_399 : vector<16xi32>, vector<16xi1> -> vector<16xi32>
      %reduce_sum3A_401 = vector.extract %reduce_sum3A_400[15] : i32 from vector<16xi32>
      %le3A_402 = arith.constant 1024 : i32
      %le3A_403 = arith.cmpi sle, %reduce_sum3A_401, %le3A_402 : i32
      %get3A_404 = arith.constant 0 : i32
      %get3A_405 = arith.index_cast %get3A_404 : i32 to index
      %get3A_406 = memref.load %arg7[%get3A_405] : memref<4xi32, #tpu.memory_space<smem>>
      %select_n3A_407 = arith.select %le3A_403, %add3A_386, %get3A_406 : i32
      %swap3A_408 = arith.constant 0 : i32
      %swap3A_409 = arith.index_cast %swap3A_408 : i32 to index
      %swap3A_410 = memref.load %arg7[%swap3A_409] : memref<4xi32, #tpu.memory_space<smem>>
      memref.store %select_n3A_407, %arg7[%swap3A_409] : memref<4xi32, #tpu.memory_space<smem>>
      %get3A_411 = arith.constant 0 : i32
      %get3A_412 = arith.index_cast %get3A_411 : i32 to index
      %get3A_413 = memref.load %arg7[%get3A_412] : memref<4xi32, #tpu.memory_space<smem>>
      %add3A_414 = arith.constant 131072 : i32
      %add3A_415 = arith.addi %get3A_413, %add3A_414 : i32
      %broadcast_in_dim3A_416 = arith.constant 0 : i32
      %broadcast_in_dim3A_417 = vector.broadcast %broadcast_in_dim3A_416 : i32 to vector<16xi32>
      %swap3A_418 = arith.constant 0 : index
      %swap3A_419 = tpu.vector_load %arg6[%swap3A_418] {strides = array<i32>} : memref<16xi32, #tpu.memory_space<vmem>>, vector<16xi32>,
      tpu.vector_store %arg6[%swap3A_418], %broadcast_in_dim3A_417 {strides = array<i32>} : memref<16xi32, #tpu.memory_space<vmem>>, vector<16xi32>,
      %scan3A_420 = arith.constant 0 : i32
      %scan3A_421 = arith.constant 128 : i32
      %scan3A_422 = arith.addi %scan3A_420, %scan3A_421 : i32
      %scan3A_423 = arith.constant 1 : i32
      scf.for %scan3A_964 = %scan3A_420 to %scan3A_422 step %scan3A_423  : i32 {
        %mul3A_965 = arith.constant 1 : i32
        %mul3A_966 = arith.muli %scan3A_964, %mul3A_965 : i32
        %add3A_967 = arith.constant 0 : i32
        %add3A_968 = arith.addi %add3A_967, %mul3A_966 : i32
        %mul3A_969 = arith.constant 16 : i32
        %mul3A_970 = arith.muli %add3A_968, %mul3A_969 : i32
        %get3A_971 = arith.index_cast %mul3A_970 : i32 to index
        %get3A_972 = tpu.vector_load %arg4[%get3A_971] {strides = array<i32>} : memref<2048xi32, #tpu.memory_space<vmem>>, vector<16xi32>,
        %get3A_973 = arith.constant 0 : index
        %get3A_974 = tpu.vector_load %arg6[%get3A_973] {strides = array<i32>} : memref<16xi32, #tpu.memory_space<vmem>>, vector<16xi32>,
        %lt3A = vector.broadcast %add3A_415 : i32 to vector<16xi32>
        %lt3A_975 = arith.cmpi slt, %get3A_972, %lt3A : vector<16xi32>
        %jit3A = arith.constant 1 : i32
        %jit3A_976 = arith.constant 0 : i32
        %broadcast_in_dim3A_977 = vector.broadcast %jit3A : i32 to vector<16xi32>
        %broadcast_in_dim3A_978 = vector.broadcast %jit3A_976 : i32 to vector<16xi32>
        %select_n3A_979 = arith.select %lt3A_975, %broadcast_in_dim3A_977, %broadcast_in_dim3A_978 : vector<16xi1>, vector<16xi32>
        %add3A_980 = arith.addi %get3A_974, %select_n3A_979 : vector<16xi32>
        %swap3A_981 = arith.constant 0 : index
        %swap3A_982 = tpu.vector_load %arg6[%swap3A_981] {strides = array<i32>} : memref<16xi32, #tpu.memory_space<vmem>>, vector<16xi32>,
        tpu.vector_store %arg6[%swap3A_981], %add3A_980 {strides = array<i32>} : memref<16xi32, #tpu.memory_space<vmem>>, vector<16xi32>,
      }
      %scan3A_424 = arith.constant 128 : i32
      %get3A_425 = arith.constant 0 : index
      %get3A_426 = tpu.vector_load %arg6[%get3A_425] {strides = array<i32>} : memref<16xi32, #tpu.memory_space<vmem>>, vector<16xi32>,
      %reduce_sum3A_427 = arith.constant true
      %reduce_sum3A_428 = vector.broadcast %reduce_sum3A_427 : i1 to vector<16xi1>
      %reduce_sum3A_429 = tpu.scan <sum>, %get3A_426 masked %reduce_sum3A_428 : vector<16xi32>, vector<16xi1> -> vector<16xi32>
      %reduce_sum3A_430 = vector.extract %reduce_sum3A_429[15] : i32 from vector<16xi32>
      %le3A_431 = arith.constant 1024 : i32
      %le3A_432 = arith.cmpi sle, %reduce_sum3A_430, %le3A_431 : i32
      %get3A_433 = arith.constant 0 : i32
      %get3A_434 = arith.index_cast %get3A_433 : i32 to index
      %get3A_435 = memref.load %arg7[%get3A_434] : memref<4xi32, #tpu.memory_space<smem>>
      %select_n3A_436 = arith.select %le3A_432, %add3A_415, %get3A_435 : i32
      %swap3A_437 = arith.constant 0 : i32
      %swap3A_438 = arith.index_cast %swap3A_437 : i32 to index
      %swap3A_439 = memref.load %arg7[%swap3A_438] : memref<4xi32, #tpu.memory_space<smem>>
      memref.store %select_n3A_436, %arg7[%swap3A_438] : memref<4xi32, #tpu.memory_space<smem>>
      %get3A_440 = arith.constant 0 : i32
      %get3A_441 = arith.index_cast %get3A_440 : i32 to index
      %get3A_442 = memref.load %arg7[%get3A_441] : memref<4xi32, #tpu.memory_space<smem>>
      %add3A_443 = arith.constant 65536 : i32
      %add3A_444 = arith.addi %get3A_442, %add3A_443 : i32
      %broadcast_in_dim3A_445 = arith.constant 0 : i32
      %broadcast_in_dim3A_446 = vector.broadcast %broadcast_in_dim3A_445 : i32 to vector<16xi32>
      %swap3A_447 = arith.constant 0 : index
      %swap3A_448 = tpu.vector_load %arg6[%swap3A_447] {strides = array<i32>} : memref<16xi32, #tpu.memory_space<vmem>>, vector<16xi32>,
      tpu.vector_store %arg6[%swap3A_447], %broadcast_in_dim3A_446 {strides = array<i32>} : memref<16xi32, #tpu.memory_space<vmem>>, vector<16xi32>,
      %scan3A_449 = arith.constant 0 : i32
      %scan3A_450 = arith.constant 128 : i32
      %scan3A_451 = arith.addi %scan3A_449, %scan3A_450 : i32
      %scan3A_452 = arith.constant 1 : i32
      scf.for %scan3A_964 = %scan3A_449 to %scan3A_451 step %scan3A_452  : i32 {
        %mul3A_965 = arith.constant 1 : i32
        %mul3A_966 = arith.muli %scan3A_964, %mul3A_965 : i32
        %add3A_967 = arith.constant 0 : i32
        %add3A_968 = arith.addi %add3A_967, %mul3A_966 : i32
        %mul3A_969 = arith.constant 16 : i32
        %mul3A_970 = arith.muli %add3A_968, %mul3A_969 : i32
        %get3A_971 = arith.index_cast %mul3A_970 : i32 to index
        %get3A_972 = tpu.vector_load %arg4[%get3A_971] {strides = array<i32>} : memref<2048xi32, #tpu.memory_space<vmem>>, vector<16xi32>,
        %get3A_973 = arith.constant 0 : index
        %get3A_974 = tpu.vector_load %arg6[%get3A_973] {strides = array<i32>} : memref<16xi32, #tpu.memory_space<vmem>>, vector<16xi32>,
        %lt3A = vector.broadcast %add3A_444 : i32 to vector<16xi32>
        %lt3A_975 = arith.cmpi slt, %get3A_972, %lt3A : vector<16xi32>
        %jit3A = arith.constant 1 : i32
        %jit3A_976 = arith.constant 0 : i32
        %broadcast_in_dim3A_977 = vector.broadcast %jit3A : i32 to vector<16xi32>
        %broadcast_in_dim3A_978 = vector.broadcast %jit3A_976 : i32 to vector<16xi32>
        %select_n3A_979 = arith.select %lt3A_975, %broadcast_in_dim3A_977, %broadcast_in_dim3A_978 : vector<16xi1>, vector<16xi32>
        %add3A_980 = arith.addi %get3A_974, %select_n3A_979 : vector<16xi32>
        %swap3A_981 = arith.constant 0 : index
        %swap3A_982 = tpu.vector_load %arg6[%swap3A_981] {strides = array<i32>} : memref<16xi32, #tpu.memory_space<vmem>>, vector<16xi32>,
        tpu.vector_store %arg6[%swap3A_981], %add3A_980 {strides = array<i32>} : memref<16xi32, #tpu.memory_space<vmem>>, vector<16xi32>,
      }
      %scan3A_453 = arith.constant 128 : i32
      %get3A_454 = arith.constant 0 : index
      %get3A_455 = tpu.vector_load %arg6[%get3A_454] {strides = array<i32>} : memref<16xi32, #tpu.memory_space<vmem>>, vector<16xi32>,
      %reduce_sum3A_456 = arith.constant true
      %reduce_sum3A_457 = vector.broadcast %reduce_sum3A_456 : i1 to vector<16xi1>
      %reduce_sum3A_458 = tpu.scan <sum>, %get3A_455 masked %reduce_sum3A_457 : vector<16xi32>, vector<16xi1> -> vector<16xi32>
      %reduce_sum3A_459 = vector.extract %reduce_sum3A_458[15] : i32 from vector<16xi32>
      %le3A_460 = arith.constant 1024 : i32
      %le3A_461 = arith.cmpi sle, %reduce_sum3A_459, %le3A_460 : i32
      %get3A_462 = arith.constant 0 : i32
      %get3A_463 = arith.index_cast %get3A_462 : i32 to index
      %get3A_464 = memref.load %arg7[%get3A_463] : memref<4xi32, #tpu.memory_space<smem>>
      %select_n3A_465 = arith.select %le3A_461, %add3A_444, %get3A_464 : i32
      %swap3A_466 = arith.constant 0 : i32
      %swap3A_467 = arith.index_cast %swap3A_466 : i32 to index
      %swap3A_468 = memref.load %arg7[%swap3A_467] : memref<4xi32, #tpu.memory_space<smem>>
      memref.store %select_n3A_465, %arg7[%swap3A_467] : memref<4xi32, #tpu.memory_space<smem>>
      %get3A_469 = arith.constant 0 : i32
      %get3A_470 = arith.index_cast %get3A_469 : i32 to index
      %get3A_471 = memref.load %arg7[%get3A_470] : memref<4xi32, #tpu.memory_space<smem>>
      %add3A_472 = arith.constant 32768 : i32
      %add3A_473 = arith.addi %get3A_471, %add3A_472 : i32
      %broadcast_in_dim3A_474 = arith.constant 0 : i32
      %broadcast_in_dim3A_475 = vector.broadcast %broadcast_in_dim3A_474 : i32 to vector<16xi32>
      %swap3A_476 = arith.constant 0 : index
      %swap3A_477 = tpu.vector_load %arg6[%swap3A_476] {strides = array<i32>} : memref<16xi32, #tpu.memory_space<vmem>>, vector<16xi32>,
      tpu.vector_store %arg6[%swap3A_476], %broadcast_in_dim3A_475 {strides = array<i32>} : memref<16xi32, #tpu.memory_space<vmem>>, vector<16xi32>,
      %scan3A_478 = arith.constant 0 : i32
      %scan3A_479 = arith.constant 128 : i32
      %scan3A_480 = arith.addi %scan3A_478, %scan3A_479 : i32
      %scan3A_481 = arith.constant 1 : i32
      scf.for %scan3A_964 = %scan3A_478 to %scan3A_480 step %scan3A_481  : i32 {
        %mul3A_965 = arith.constant 1 : i32
        %mul3A_966 = arith.muli %scan3A_964, %mul3A_965 : i32
        %add3A_967 = arith.constant 0 : i32
        %add3A_968 = arith.addi %add3A_967, %mul3A_966 : i32
        %mul3A_969 = arith.constant 16 : i32
        %mul3A_970 = arith.muli %add3A_968, %mul3A_969 : i32
        %get3A_971 = arith.index_cast %mul3A_970 : i32 to index
        %get3A_972 = tpu.vector_load %arg4[%get3A_971] {strides = array<i32>} : memref<2048xi32, #tpu.memory_space<vmem>>, vector<16xi32>,
        %get3A_973 = arith.constant 0 : index
        %get3A_974 = tpu.vector_load %arg6[%get3A_973] {strides = array<i32>} : memref<16xi32, #tpu.memory_space<vmem>>, vector<16xi32>,
        %lt3A = vector.broadcast %add3A_473 : i32 to vector<16xi32>
        %lt3A_975 = arith.cmpi slt, %get3A_972, %lt3A : vector<16xi32>
        %jit3A = arith.constant 1 : i32
        %jit3A_976 = arith.constant 0 : i32
        %broadcast_in_dim3A_977 = vector.broadcast %jit3A : i32 to vector<16xi32>
        %broadcast_in_dim3A_978 = vector.broadcast %jit3A_976 : i32 to vector<16xi32>
        %select_n3A_979 = arith.select %lt3A_975, %broadcast_in_dim3A_977, %broadcast_in_dim3A_978 : vector<16xi1>, vector<16xi32>
        %add3A_980 = arith.addi %get3A_974, %select_n3A_979 : vector<16xi32>
        %swap3A_981 = arith.constant 0 : index
        %swap3A_982 = tpu.vector_load %arg6[%swap3A_981] {strides = array<i32>} : memref<16xi32, #tpu.memory_space<vmem>>, vector<16xi32>,
        tpu.vector_store %arg6[%swap3A_981], %add3A_980 {strides = array<i32>} : memref<16xi32, #tpu.memory_space<vmem>>, vector<16xi32>,
      }
      %scan3A_482 = arith.constant 128 : i32
      %get3A_483 = arith.constant 0 : index
      %get3A_484 = tpu.vector_load %arg6[%get3A_483] {strides = array<i32>} : memref<16xi32, #tpu.memory_space<vmem>>, vector<16xi32>,
      %reduce_sum3A_485 = arith.constant true
      %reduce_sum3A_486 = vector.broadcast %reduce_sum3A_485 : i1 to vector<16xi1>
      %reduce_sum3A_487 = tpu.scan <sum>, %get3A_484 masked %reduce_sum3A_486 : vector<16xi32>, vector<16xi1> -> vector<16xi32>
      %reduce_sum3A_488 = vector.extract %reduce_sum3A_487[15] : i32 from vector<16xi32>
      %le3A_489 = arith.constant 1024 : i32
      %le3A_490 = arith.cmpi sle, %reduce_sum3A_488, %le3A_489 : i32
      %get3A_491 = arith.constant 0 : i32
      %get3A_492 = arith.index_cast %get3A_491 : i32 to index
      %get3A_493 = memref.load %arg7[%get3A_492] : memref<4xi32, #tpu.memory_space<smem>>
      %select_n3A_494 = arith.select %le3A_490, %add3A_473, %get3A_493 : i32
      %swap3A_495 = arith.constant 0 : i32
      %swap3A_496 = arith.index_cast %swap3A_495 : i32 to index
      %swap3A_497 = memref.load %arg7[%swap3A_496] : memref<4xi32, #tpu.memory_space<smem>>
      memref.store %select_n3A_494, %arg7[%swap3A_496] : memref<4xi32, #tpu.memory_space<smem>>
      %get3A_498 = arith.constant 0 : i32
      %get3A_499 = arith.index_cast %get3A_498 : i32 to index
      %get3A_500 = memref.load %arg7[%get3A_499] : memref<4xi32, #tpu.memory_space<smem>>
      %add3A_501 = arith.constant 16384 : i32
      %add3A_502 = arith.addi %get3A_500, %add3A_501 : i32
      %broadcast_in_dim3A_503 = arith.constant 0 : i32
      %broadcast_in_dim3A_504 = vector.broadcast %broadcast_in_dim3A_503 : i32 to vector<16xi32>
      %swap3A_505 = arith.constant 0 : index
      %swap3A_506 = tpu.vector_load %arg6[%swap3A_505] {strides = array<i32>} : memref<16xi32, #tpu.memory_space<vmem>>, vector<16xi32>,
      tpu.vector_store %arg6[%swap3A_505], %broadcast_in_dim3A_504 {strides = array<i32>} : memref<16xi32, #tpu.memory_space<vmem>>, vector<16xi32>,
      %scan3A_507 = arith.constant 0 : i32
      %scan3A_508 = arith.constant 128 : i32
      %scan3A_509 = arith.addi %scan3A_507, %scan3A_508 : i32
      %scan3A_510 = arith.constant 1 : i32
      scf.for %scan3A_964 = %scan3A_507 to %scan3A_509 step %scan3A_510  : i32 {
        %mul3A_965 = arith.constant 1 : i32
        %mul3A_966 = arith.muli %scan3A_964, %mul3A_965 : i32
        %add3A_967 = arith.constant 0 : i32
        %add3A_968 = arith.addi %add3A_967, %mul3A_966 : i32
        %mul3A_969 = arith.constant 16 : i32
        %mul3A_970 = arith.muli %add3A_968, %mul3A_969 : i32
        %get3A_971 = arith.index_cast %mul3A_970 : i32 to index
        %get3A_972 = tpu.vector_load %arg4[%get3A_971] {strides = array<i32>} : memref<2048xi32, #tpu.memory_space<vmem>>, vector<16xi32>,
        %get3A_973 = arith.constant 0 : index
        %get3A_974 = tpu.vector_load %arg6[%get3A_973] {strides = array<i32>} : memref<16xi32, #tpu.memory_space<vmem>>, vector<16xi32>,
        %lt3A = vector.broadcast %add3A_502 : i32 to vector<16xi32>
        %lt3A_975 = arith.cmpi slt, %get3A_972, %lt3A : vector<16xi32>
        %jit3A = arith.constant 1 : i32
        %jit3A_976 = arith.constant 0 : i32
        %broadcast_in_dim3A_977 = vector.broadcast %jit3A : i32 to vector<16xi32>
        %broadcast_in_dim3A_978 = vector.broadcast %jit3A_976 : i32 to vector<16xi32>
        %select_n3A_979 = arith.select %lt3A_975, %broadcast_in_dim3A_977, %broadcast_in_dim3A_978 : vector<16xi1>, vector<16xi32>
        %add3A_980 = arith.addi %get3A_974, %select_n3A_979 : vector<16xi32>
        %swap3A_981 = arith.constant 0 : index
        %swap3A_982 = tpu.vector_load %arg6[%swap3A_981] {strides = array<i32>} : memref<16xi32, #tpu.memory_space<vmem>>, vector<16xi32>,
        tpu.vector_store %arg6[%swap3A_981], %add3A_980 {strides = array<i32>} : memref<16xi32, #tpu.memory_space<vmem>>, vector<16xi32>,
      }
      %scan3A_511 = arith.constant 128 : i32
      %get3A_512 = arith.constant 0 : index
      %get3A_513 = tpu.vector_load %arg6[%get3A_512] {strides = array<i32>} : memref<16xi32, #tpu.memory_space<vmem>>, vector<16xi32>,
      %reduce_sum3A_514 = arith.constant true
      %reduce_sum3A_515 = vector.broadcast %reduce_sum3A_514 : i1 to vector<16xi1>
      %reduce_sum3A_516 = tpu.scan <sum>, %get3A_513 masked %reduce_sum3A_515 : vector<16xi32>, vector<16xi1> -> vector<16xi32>
      %reduce_sum3A_517 = vector.extract %reduce_sum3A_516[15] : i32 from vector<16xi32>
      %le3A_518 = arith.constant 1024 : i32
      %le3A_519 = arith.cmpi sle, %reduce_sum3A_517, %le3A_518 : i32
      %get3A_520 = arith.constant 0 : i32
      %get3A_521 = arith.index_cast %get3A_520 : i32 to index
      %get3A_522 = memref.load %arg7[%get3A_521] : memref<4xi32, #tpu.memory_space<smem>>
      %select_n3A_523 = arith.select %le3A_519, %add3A_502, %get3A_522 : i32
      %swap3A_524 = arith.constant 0 : i32
      %swap3A_525 = arith.index_cast %swap3A_524 : i32 to index
      %swap3A_526 = memref.load %arg7[%swap3A_525] : memref<4xi32, #tpu.memory_space<smem>>
      memref.store %select_n3A_523, %arg7[%swap3A_525] : memref<4xi32, #tpu.memory_space<smem>>
      %get3A_527 = arith.constant 0 : i32
      %get3A_528 = arith.index_cast %get3A_527 : i32 to index
      %get3A_529 = memref.load %arg7[%get3A_528] : memref<4xi32, #tpu.memory_space<smem>>
      %add3A_530 = arith.constant 8192 : i32
      %add3A_531 = arith.addi %get3A_529, %add3A_530 : i32
      %broadcast_in_dim3A_532 = arith.constant 0 : i32
      %broadcast_in_dim3A_533 = vector.broadcast %broadcast_in_dim3A_532 : i32 to vector<16xi32>
      %swap3A_534 = arith.constant 0 : index
      %swap3A_535 = tpu.vector_load %arg6[%swap3A_534] {strides = array<i32>} : memref<16xi32, #tpu.memory_space<vmem>>, vector<16xi32>,
      tpu.vector_store %arg6[%swap3A_534], %broadcast_in_dim3A_533 {strides = array<i32>} : memref<16xi32, #tpu.memory_space<vmem>>, vector<16xi32>,
      %scan3A_536 = arith.constant 0 : i32
      %scan3A_537 = arith.constant 128 : i32
      %scan3A_538 = arith.addi %scan3A_536, %scan3A_537 : i32
      %scan3A_539 = arith.constant 1 : i32
      scf.for %scan3A_964 = %scan3A_536 to %scan3A_538 step %scan3A_539  : i32 {
        %mul3A_965 = arith.constant 1 : i32
        %mul3A_966 = arith.muli %scan3A_964, %mul3A_965 : i32
        %add3A_967 = arith.constant 0 : i32
        %add3A_968 = arith.addi %add3A_967, %mul3A_966 : i32
        %mul3A_969 = arith.constant 16 : i32
        %mul3A_970 = arith.muli %add3A_968, %mul3A_969 : i32
        %get3A_971 = arith.index_cast %mul3A_970 : i32 to index
        %get3A_972 = tpu.vector_load %arg4[%get3A_971] {strides = array<i32>} : memref<2048xi32, #tpu.memory_space<vmem>>, vector<16xi32>,
        %get3A_973 = arith.constant 0 : index
        %get3A_974 = tpu.vector_load %arg6[%get3A_973] {strides = array<i32>} : memref<16xi32, #tpu.memory_space<vmem>>, vector<16xi32>,
        %lt3A = vector.broadcast %add3A_531 : i32 to vector<16xi32>
        %lt3A_975 = arith.cmpi slt, %get3A_972, %lt3A : vector<16xi32>
        %jit3A = arith.constant 1 : i32
        %jit3A_976 = arith.constant 0 : i32
        %broadcast_in_dim3A_977 = vector.broadcast %jit3A : i32 to vector<16xi32>
        %broadcast_in_dim3A_978 = vector.broadcast %jit3A_976 : i32 to vector<16xi32>
        %select_n3A_979 = arith.select %lt3A_975, %broadcast_in_dim3A_977, %broadcast_in_dim3A_978 : vector<16xi1>, vector<16xi32>
        %add3A_980 = arith.addi %get3A_974, %select_n3A_979 : vector<16xi32>
        %swap3A_981 = arith.constant 0 : index
        %swap3A_982 = tpu.vector_load %arg6[%swap3A_981] {strides = array<i32>} : memref<16xi32, #tpu.memory_space<vmem>>, vector<16xi32>,
        tpu.vector_store %arg6[%swap3A_981], %add3A_980 {strides = array<i32>} : memref<16xi32, #tpu.memory_space<vmem>>, vector<16xi32>,
      }
      %scan3A_540 = arith.constant 128 : i32
      %get3A_541 = arith.constant 0 : index
      %get3A_542 = tpu.vector_load %arg6[%get3A_541] {strides = array<i32>} : memref<16xi32, #tpu.memory_space<vmem>>, vector<16xi32>,
      %reduce_sum3A_543 = arith.constant true
      %reduce_sum3A_544 = vector.broadcast %reduce_sum3A_543 : i1 to vector<16xi1>
      %reduce_sum3A_545 = tpu.scan <sum>, %get3A_542 masked %reduce_sum3A_544 : vector<16xi32>, vector<16xi1> -> vector<16xi32>
      %reduce_sum3A_546 = vector.extract %reduce_sum3A_545[15] : i32 from vector<16xi32>
      %le3A_547 = arith.constant 1024 : i32
      %le3A_548 = arith.cmpi sle, %reduce_sum3A_546, %le3A_547 : i32
      %get3A_549 = arith.constant 0 : i32
      %get3A_550 = arith.index_cast %get3A_549 : i32 to index
      %get3A_551 = memref.load %arg7[%get3A_550] : memref<4xi32, #tpu.memory_space<smem>>
      %select_n3A_552 = arith.select %le3A_548, %add3A_531, %get3A_551 : i32
      %swap3A_553 = arith.constant 0 : i32
      %swap3A_554 = arith.index_cast %swap3A_553 : i32 to index
      %swap3A_555 = memref.load %arg7[%swap3A_554] : memref<4xi32, #tpu.memory_space<smem>>
      memref.store %select_n3A_552, %arg7[%swap3A_554] : memref<4xi32, #tpu.memory_space<smem>>
      %get3A_556 = arith.constant 0 : i32
      %get3A_557 = arith.index_cast %get3A_556 : i32 to index
      %get3A_558 = memref.load %arg7[%get3A_557] : memref<4xi32, #tpu.memory_space<smem>>
      %add3A_559 = arith.constant 4096 : i32
      %add3A_560 = arith.addi %get3A_558, %add3A_559 : i32
      %broadcast_in_dim3A_561 = arith.constant 0 : i32
      %broadcast_in_dim3A_562 = vector.broadcast %broadcast_in_dim3A_561 : i32 to vector<16xi32>
      %swap3A_563 = arith.constant 0 : index
      %swap3A_564 = tpu.vector_load %arg6[%swap3A_563] {strides = array<i32>} : memref<16xi32, #tpu.memory_space<vmem>>, vector<16xi32>,
      tpu.vector_store %arg6[%swap3A_563], %broadcast_in_dim3A_562 {strides = array<i32>} : memref<16xi32, #tpu.memory_space<vmem>>, vector<16xi32>,
      %scan3A_565 = arith.constant 0 : i32
      %scan3A_566 = arith.constant 128 : i32
      %scan3A_567 = arith.addi %scan3A_565, %scan3A_566 : i32
      %scan3A_568 = arith.constant 1 : i32
      scf.for %scan3A_964 = %scan3A_565 to %scan3A_567 step %scan3A_568  : i32 {
        %mul3A_965 = arith.constant 1 : i32
        %mul3A_966 = arith.muli %scan3A_964, %mul3A_965 : i32
        %add3A_967 = arith.constant 0 : i32
        %add3A_968 = arith.addi %add3A_967, %mul3A_966 : i32
        %mul3A_969 = arith.constant 16 : i32
        %mul3A_970 = arith.muli %add3A_968, %mul3A_969 : i32
        %get3A_971 = arith.index_cast %mul3A_970 : i32 to index
        %get3A_972 = tpu.vector_load %arg4[%get3A_971] {strides = array<i32>} : memref<2048xi32, #tpu.memory_space<vmem>>, vector<16xi32>,
        %get3A_973 = arith.constant 0 : index
        %get3A_974 = tpu.vector_load %arg6[%get3A_973] {strides = array<i32>} : memref<16xi32, #tpu.memory_space<vmem>>, vector<16xi32>,
        %lt3A = vector.broadcast %add3A_560 : i32 to vector<16xi32>
        %lt3A_975 = arith.cmpi slt, %get3A_972, %lt3A : vector<16xi32>
        %jit3A = arith.constant 1 : i32
        %jit3A_976 = arith.constant 0 : i32
        %broadcast_in_dim3A_977 = vector.broadcast %jit3A : i32 to vector<16xi32>
        %broadcast_in_dim3A_978 = vector.broadcast %jit3A_976 : i32 to vector<16xi32>
        %select_n3A_979 = arith.select %lt3A_975, %broadcast_in_dim3A_977, %broadcast_in_dim3A_978 : vector<16xi1>, vector<16xi32>
        %add3A_980 = arith.addi %get3A_974, %select_n3A_979 : vector<16xi32>
        %swap3A_981 = arith.constant 0 : index
        %swap3A_982 = tpu.vector_load %arg6[%swap3A_981] {strides = array<i32>} : memref<16xi32, #tpu.memory_space<vmem>>, vector<16xi32>,
        tpu.vector_store %arg6[%swap3A_981], %add3A_980 {strides = array<i32>} : memref<16xi32, #tpu.memory_space<vmem>>, vector<16xi32>,
      }
      %scan3A_569 = arith.constant 128 : i32
      %get3A_570 = arith.constant 0 : index
      %get3A_571 = tpu.vector_load %arg6[%get3A_570] {strides = array<i32>} : memref<16xi32, #tpu.memory_space<vmem>>, vector<16xi32>,
      %reduce_sum3A_572 = arith.constant true
      %reduce_sum3A_573 = vector.broadcast %reduce_sum3A_572 : i1 to vector<16xi1>
      %reduce_sum3A_574 = tpu.scan <sum>, %get3A_571 masked %reduce_sum3A_573 : vector<16xi32>, vector<16xi1> -> vector<16xi32>
      %reduce_sum3A_575 = vector.extract %reduce_sum3A_574[15] : i32 from vector<16xi32>
      %le3A_576 = arith.constant 1024 : i32
      %le3A_577 = arith.cmpi sle, %reduce_sum3A_575, %le3A_576 : i32
      %get3A_578 = arith.constant 0 : i32
      %get3A_579 = arith.index_cast %get3A_578 : i32 to index
      %get3A_580 = memref.load %arg7[%get3A_579] : memref<4xi32, #tpu.memory_space<smem>>
      %select_n3A_581 = arith.select %le3A_577, %add3A_560, %get3A_580 : i32
      %swap3A_582 = arith.constant 0 : i32
      %swap3A_583 = arith.index_cast %swap3A_582 : i32 to index
      %swap3A_584 = memref.load %arg7[%swap3A_583] : memref<4xi32, #tpu.memory_space<smem>>
      memref.store %select_n3A_581, %arg7[%swap3A_583] : memref<4xi32, #tpu.memory_space<smem>>
      %get3A_585 = arith.constant 0 : i32
      %get3A_586 = arith.index_cast %get3A_585 : i32 to index
      %get3A_587 = memref.load %arg7[%get3A_586] : memref<4xi32, #tpu.memory_space<smem>>
      %add3A_588 = arith.constant 2048 : i32
      %add3A_589 = arith.addi %get3A_587, %add3A_588 : i32
      %broadcast_in_dim3A_590 = arith.constant 0 : i32
      %broadcast_in_dim3A_591 = vector.broadcast %broadcast_in_dim3A_590 : i32 to vector<16xi32>
      %swap3A_592 = arith.constant 0 : index
      %swap3A_593 = tpu.vector_load %arg6[%swap3A_592] {strides = array<i32>} : memref<16xi32, #tpu.memory_space<vmem>>, vector<16xi32>,
      tpu.vector_store %arg6[%swap3A_592], %broadcast_in_dim3A_591 {strides = array<i32>} : memref<16xi32, #tpu.memory_space<vmem>>, vector<16xi32>,
      %scan3A_594 = arith.constant 0 : i32
      %scan3A_595 = arith.constant 128 : i32
      %scan3A_596 = arith.addi %scan3A_594, %scan3A_595 : i32
      %scan3A_597 = arith.constant 1 : i32
      scf.for %scan3A_964 = %scan3A_594 to %scan3A_596 step %scan3A_597  : i32 {
        %mul3A_965 = arith.constant 1 : i32
        %mul3A_966 = arith.muli %scan3A_964, %mul3A_965 : i32
        %add3A_967 = arith.constant 0 : i32
        %add3A_968 = arith.addi %add3A_967, %mul3A_966 : i32
        %mul3A_969 = arith.constant 16 : i32
        %mul3A_970 = arith.muli %add3A_968, %mul3A_969 : i32
        %get3A_971 = arith.index_cast %mul3A_970 : i32 to index
        %get3A_972 = tpu.vector_load %arg4[%get3A_971] {strides = array<i32>} : memref<2048xi32, #tpu.memory_space<vmem>>, vector<16xi32>,
        %get3A_973 = arith.constant 0 : index
        %get3A_974 = tpu.vector_load %arg6[%get3A_973] {strides = array<i32>} : memref<16xi32, #tpu.memory_space<vmem>>, vector<16xi32>,
        %lt3A = vector.broadcast %add3A_589 : i32 to vector<16xi32>
        %lt3A_975 = arith.cmpi slt, %get3A_972, %lt3A : vector<16xi32>
        %jit3A = arith.constant 1 : i32
        %jit3A_976 = arith.constant 0 : i32
        %broadcast_in_dim3A_977 = vector.broadcast %jit3A : i32 to vector<16xi32>
        %broadcast_in_dim3A_978 = vector.broadcast %jit3A_976 : i32 to vector<16xi32>
        %select_n3A_979 = arith.select %lt3A_975, %broadcast_in_dim3A_977, %broadcast_in_dim3A_978 : vector<16xi1>, vector<16xi32>
        %add3A_980 = arith.addi %get3A_974, %select_n3A_979 : vector<16xi32>
        %swap3A_981 = arith.constant 0 : index
        %swap3A_982 = tpu.vector_load %arg6[%swap3A_981] {strides = array<i32>} : memref<16xi32, #tpu.memory_space<vmem>>, vector<16xi32>,
        tpu.vector_store %arg6[%swap3A_981], %add3A_980 {strides = array<i32>} : memref<16xi32, #tpu.memory_space<vmem>>, vector<16xi32>,
      }
      %scan3A_598 = arith.constant 128 : i32
      %get3A_599 = arith.constant 0 : index
      %get3A_600 = tpu.vector_load %arg6[%get3A_599] {strides = array<i32>} : memref<16xi32, #tpu.memory_space<vmem>>, vector<16xi32>,
      %reduce_sum3A_601 = arith.constant true
      %reduce_sum3A_602 = vector.broadcast %reduce_sum3A_601 : i1 to vector<16xi1>
      %reduce_sum3A_603 = tpu.scan <sum>, %get3A_600 masked %reduce_sum3A_602 : vector<16xi32>, vector<16xi1> -> vector<16xi32>
      %reduce_sum3A_604 = vector.extract %reduce_sum3A_603[15] : i32 from vector<16xi32>
      %le3A_605 = arith.constant 1024 : i32
      %le3A_606 = arith.cmpi sle, %reduce_sum3A_604, %le3A_605 : i32
      %get3A_607 = arith.constant 0 : i32
      %get3A_608 = arith.index_cast %get3A_607 : i32 to index
      %get3A_609 = memref.load %arg7[%get3A_608] : memref<4xi32, #tpu.memory_space<smem>>
      %select_n3A_610 = arith.select %le3A_606, %add3A_589, %get3A_609 : i32
      %swap3A_611 = arith.constant 0 : i32
      %swap3A_612 = arith.index_cast %swap3A_611 : i32 to index
      %swap3A_613 = memref.load %arg7[%swap3A_612] : memref<4xi32, #tpu.memory_space<smem>>
      memref.store %select_n3A_610, %arg7[%swap3A_612] : memref<4xi32, #tpu.memory_space<smem>>
      %get3A_614 = arith.constant 0 : i32
      %get3A_615 = arith.index_cast %get3A_614 : i32 to index
      %get3A_616 = memref.load %arg7[%get3A_615] : memref<4xi32, #tpu.memory_space<smem>>
      %add3A_617 = arith.constant 1024 : i32
      %add3A_618 = arith.addi %get3A_616, %add3A_617 : i32
      %broadcast_in_dim3A_619 = arith.constant 0 : i32
      %broadcast_in_dim3A_620 = vector.broadcast %broadcast_in_dim3A_619 : i32 to vector<16xi32>
      %swap3A_621 = arith.constant 0 : index
      %swap3A_622 = tpu.vector_load %arg6[%swap3A_621] {strides = array<i32>} : memref<16xi32, #tpu.memory_space<vmem>>, vector<16xi32>,
      tpu.vector_store %arg6[%swap3A_621], %broadcast_in_dim3A_620 {strides = array<i32>} : memref<16xi32, #tpu.memory_space<vmem>>, vector<16xi32>,
      %scan3A_623 = arith.constant 0 : i32
      %scan3A_624 = arith.constant 128 : i32
      %scan3A_625 = arith.addi %scan3A_623, %scan3A_624 : i32
      %scan3A_626 = arith.constant 1 : i32
      scf.for %scan3A_964 = %scan3A_623 to %scan3A_625 step %scan3A_626  : i32 {
        %mul3A_965 = arith.constant 1 : i32
        %mul3A_966 = arith.muli %scan3A_964, %mul3A_965 : i32
        %add3A_967 = arith.constant 0 : i32
        %add3A_968 = arith.addi %add3A_967, %mul3A_966 : i32
        %mul3A_969 = arith.constant 16 : i32
        %mul3A_970 = arith.muli %add3A_968, %mul3A_969 : i32
        %get3A_971 = arith.index_cast %mul3A_970 : i32 to index
        %get3A_972 = tpu.vector_load %arg4[%get3A_971] {strides = array<i32>} : memref<2048xi32, #tpu.memory_space<vmem>>, vector<16xi32>,
        %get3A_973 = arith.constant 0 : index
        %get3A_974 = tpu.vector_load %arg6[%get3A_973] {strides = array<i32>} : memref<16xi32, #tpu.memory_space<vmem>>, vector<16xi32>,
        %lt3A = vector.broadcast %add3A_618 : i32 to vector<16xi32>
        %lt3A_975 = arith.cmpi slt, %get3A_972, %lt3A : vector<16xi32>
        %jit3A = arith.constant 1 : i32
        %jit3A_976 = arith.constant 0 : i32
        %broadcast_in_dim3A_977 = vector.broadcast %jit3A : i32 to vector<16xi32>
        %broadcast_in_dim3A_978 = vector.broadcast %jit3A_976 : i32 to vector<16xi32>
        %select_n3A_979 = arith.select %lt3A_975, %broadcast_in_dim3A_977, %broadcast_in_dim3A_978 : vector<16xi1>, vector<16xi32>
        %add3A_980 = arith.addi %get3A_974, %select_n3A_979 : vector<16xi32>
        %swap3A_981 = arith.constant 0 : index
        %swap3A_982 = tpu.vector_load %arg6[%swap3A_981] {strides = array<i32>} : memref<16xi32, #tpu.memory_space<vmem>>, vector<16xi32>,
        tpu.vector_store %arg6[%swap3A_981], %add3A_980 {strides = array<i32>} : memref<16xi32, #tpu.memory_space<vmem>>, vector<16xi32>,
      }
      %scan3A_627 = arith.constant 128 : i32
      %get3A_628 = arith.constant 0 : index
      %get3A_629 = tpu.vector_load %arg6[%get3A_628] {strides = array<i32>} : memref<16xi32, #tpu.memory_space<vmem>>, vector<16xi32>,
      %reduce_sum3A_630 = arith.constant true
      %reduce_sum3A_631 = vector.broadcast %reduce_sum3A_630 : i1 to vector<16xi1>
      %reduce_sum3A_632 = tpu.scan <sum>, %get3A_629 masked %reduce_sum3A_631 : vector<16xi32>, vector<16xi1> -> vector<16xi32>
      %reduce_sum3A_633 = vector.extract %reduce_sum3A_632[15] : i32 from vector<16xi32>
      %le3A_634 = arith.constant 1024 : i32
      %le3A_635 = arith.cmpi sle, %reduce_sum3A_633, %le3A_634 : i32
      %get3A_636 = arith.constant 0 : i32
      %get3A_637 = arith.index_cast %get3A_636 : i32 to index
      %get3A_638 = memref.load %arg7[%get3A_637] : memref<4xi32, #tpu.memory_space<smem>>
      %select_n3A_639 = arith.select %le3A_635, %add3A_618, %get3A_638 : i32
      %swap3A_640 = arith.constant 0 : i32
      %swap3A_641 = arith.index_cast %swap3A_640 : i32 to index
      %swap3A_642 = memref.load %arg7[%swap3A_641] : memref<4xi32, #tpu.memory_space<smem>>
      memref.store %select_n3A_639, %arg7[%swap3A_641] : memref<4xi32, #tpu.memory_space<smem>>
      %get3A_643 = arith.constant 0 : i32
      %get3A_644 = arith.index_cast %get3A_643 : i32 to index
      %get3A_645 = memref.load %arg7[%get3A_644] : memref<4xi32, #tpu.memory_space<smem>>
      %add3A_646 = arith.constant 512 : i32
      %add3A_647 = arith.addi %get3A_645, %add3A_646 : i32
      %broadcast_in_dim3A_648 = arith.constant 0 : i32
      %broadcast_in_dim3A_649 = vector.broadcast %broadcast_in_dim3A_648 : i32 to vector<16xi32>
      %swap3A_650 = arith.constant 0 : index
      %swap3A_651 = tpu.vector_load %arg6[%swap3A_650] {strides = array<i32>} : memref<16xi32, #tpu.memory_space<vmem>>, vector<16xi32>,
      tpu.vector_store %arg6[%swap3A_650], %broadcast_in_dim3A_649 {strides = array<i32>} : memref<16xi32, #tpu.memory_space<vmem>>, vector<16xi32>,
      %scan3A_652 = arith.constant 0 : i32
      %scan3A_653 = arith.constant 128 : i32
      %scan3A_654 = arith.addi %scan3A_652, %scan3A_653 : i32
      %scan3A_655 = arith.constant 1 : i32
      scf.for %scan3A_964 = %scan3A_652 to %scan3A_654 step %scan3A_655  : i32 {
        %mul3A_965 = arith.constant 1 : i32
        %mul3A_966 = arith.muli %scan3A_964, %mul3A_965 : i32
        %add3A_967 = arith.constant 0 : i32
        %add3A_968 = arith.addi %add3A_967, %mul3A_966 : i32
        %mul3A_969 = arith.constant 16 : i32
        %mul3A_970 = arith.muli %add3A_968, %mul3A_969 : i32
        %get3A_971 = arith.index_cast %mul3A_970 : i32 to index
        %get3A_972 = tpu.vector_load %arg4[%get3A_971] {strides = array<i32>} : memref<2048xi32, #tpu.memory_space<vmem>>, vector<16xi32>,
        %get3A_973 = arith.constant 0 : index
        %get3A_974 = tpu.vector_load %arg6[%get3A_973] {strides = array<i32>} : memref<16xi32, #tpu.memory_space<vmem>>, vector<16xi32>,
        %lt3A = vector.broadcast %add3A_647 : i32 to vector<16xi32>
        %lt3A_975 = arith.cmpi slt, %get3A_972, %lt3A : vector<16xi32>
        %jit3A = arith.constant 1 : i32
        %jit3A_976 = arith.constant 0 : i32
        %broadcast_in_dim3A_977 = vector.broadcast %jit3A : i32 to vector<16xi32>
        %broadcast_in_dim3A_978 = vector.broadcast %jit3A_976 : i32 to vector<16xi32>
        %select_n3A_979 = arith.select %lt3A_975, %broadcast_in_dim3A_977, %broadcast_in_dim3A_978 : vector<16xi1>, vector<16xi32>
        %add3A_980 = arith.addi %get3A_974, %select_n3A_979 : vector<16xi32>
        %swap3A_981 = arith.constant 0 : index
        %swap3A_982 = tpu.vector_load %arg6[%swap3A_981] {strides = array<i32>} : memref<16xi32, #tpu.memory_space<vmem>>, vector<16xi32>,
        tpu.vector_store %arg6[%swap3A_981], %add3A_980 {strides = array<i32>} : memref<16xi32, #tpu.memory_space<vmem>>, vector<16xi32>,
      }
      %scan3A_656 = arith.constant 128 : i32
      %get3A_657 = arith.constant 0 : index
      %get3A_658 = tpu.vector_load %arg6[%get3A_657] {strides = array<i32>} : memref<16xi32, #tpu.memory_space<vmem>>, vector<16xi32>,
      %reduce_sum3A_659 = arith.constant true
      %reduce_sum3A_660 = vector.broadcast %reduce_sum3A_659 : i1 to vector<16xi1>
      %reduce_sum3A_661 = tpu.scan <sum>, %get3A_658 masked %reduce_sum3A_660 : vector<16xi32>, vector<16xi1> -> vector<16xi32>
      %reduce_sum3A_662 = vector.extract %reduce_sum3A_661[15] : i32 from vector<16xi32>
      %le3A_663 = arith.constant 1024 : i32
      %le3A_664 = arith.cmpi sle, %reduce_sum3A_662, %le3A_663 : i32
      %get3A_665 = arith.constant 0 : i32
      %get3A_666 = arith.index_cast %get3A_665 : i32 to index
      %get3A_667 = memref.load %arg7[%get3A_666] : memref<4xi32, #tpu.memory_space<smem>>
      %select_n3A_668 = arith.select %le3A_664, %add3A_647, %get3A_667 : i32
      %swap3A_669 = arith.constant 0 : i32
      %swap3A_670 = arith.index_cast %swap3A_669 : i32 to index
      %swap3A_671 = memref.load %arg7[%swap3A_670] : memref<4xi32, #tpu.memory_space<smem>>
      memref.store %select_n3A_668, %arg7[%swap3A_670] : memref<4xi32, #tpu.memory_space<smem>>
      %get3A_672 = arith.constant 0 : i32
      %get3A_673 = arith.index_cast %get3A_672 : i32 to index
      %get3A_674 = memref.load %arg7[%get3A_673] : memref<4xi32, #tpu.memory_space<smem>>
      %add3A_675 = arith.constant 256 : i32
      %add3A_676 = arith.addi %get3A_674, %add3A_675 : i32
      %broadcast_in_dim3A_677 = arith.constant 0 : i32
      %broadcast_in_dim3A_678 = vector.broadcast %broadcast_in_dim3A_677 : i32 to vector<16xi32>
      %swap3A_679 = arith.constant 0 : index
      %swap3A_680 = tpu.vector_load %arg6[%swap3A_679] {strides = array<i32>} : memref<16xi32, #tpu.memory_space<vmem>>, vector<16xi32>,
      tpu.vector_store %arg6[%swap3A_679], %broadcast_in_dim3A_678 {strides = array<i32>} : memref<16xi32, #tpu.memory_space<vmem>>, vector<16xi32>,
      %scan3A_681 = arith.constant 0 : i32
      %scan3A_682 = arith.constant 128 : i32
      %scan3A_683 = arith.addi %scan3A_681, %scan3A_682 : i32
      %scan3A_684 = arith.constant 1 : i32
      scf.for %scan3A_964 = %scan3A_681 to %scan3A_683 step %scan3A_684  : i32 {
        %mul3A_965 = arith.constant 1 : i32
        %mul3A_966 = arith.muli %scan3A_964, %mul3A_965 : i32
        %add3A_967 = arith.constant 0 : i32
        %add3A_968 = arith.addi %add3A_967, %mul3A_966 : i32
        %mul3A_969 = arith.constant 16 : i32
        %mul3A_970 = arith.muli %add3A_968, %mul3A_969 : i32
        %get3A_971 = arith.index_cast %mul3A_970 : i32 to index
        %get3A_972 = tpu.vector_load %arg4[%get3A_971] {strides = array<i32>} : memref<2048xi32, #tpu.memory_space<vmem>>, vector<16xi32>,
        %get3A_973 = arith.constant 0 : index
        %get3A_974 = tpu.vector_load %arg6[%get3A_973] {strides = array<i32>} : memref<16xi32, #tpu.memory_space<vmem>>, vector<16xi32>,
        %lt3A = vector.broadcast %add3A_676 : i32 to vector<16xi32>
        %lt3A_975 = arith.cmpi slt, %get3A_972, %lt3A : vector<16xi32>
        %jit3A = arith.constant 1 : i32
        %jit3A_976 = arith.constant 0 : i32
        %broadcast_in_dim3A_977 = vector.broadcast %jit3A : i32 to vector<16xi32>
        %broadcast_in_dim3A_978 = vector.broadcast %jit3A_976 : i32 to vector<16xi32>
        %select_n3A_979 = arith.select %lt3A_975, %broadcast_in_dim3A_977, %broadcast_in_dim3A_978 : vector<16xi1>, vector<16xi32>
        %add3A_980 = arith.addi %get3A_974, %select_n3A_979 : vector<16xi32>
        %swap3A_981 = arith.constant 0 : index
        %swap3A_982 = tpu.vector_load %arg6[%swap3A_981] {strides = array<i32>} : memref<16xi32, #tpu.memory_space<vmem>>, vector<16xi32>,
        tpu.vector_store %arg6[%swap3A_981], %add3A_980 {strides = array<i32>} : memref<16xi32, #tpu.memory_space<vmem>>, vector<16xi32>,
      }
      %scan3A_685 = arith.constant 128 : i32
      %get3A_686 = arith.constant 0 : index
      %get3A_687 = tpu.vector_load %arg6[%get3A_686] {strides = array<i32>} : memref<16xi32, #tpu.memory_space<vmem>>, vector<16xi32>,
      %reduce_sum3A_688 = arith.constant true
      %reduce_sum3A_689 = vector.broadcast %reduce_sum3A_688 : i1 to vector<16xi1>
      %reduce_sum3A_690 = tpu.scan <sum>, %get3A_687 masked %reduce_sum3A_689 : vector<16xi32>, vector<16xi1> -> vector<16xi32>
      %reduce_sum3A_691 = vector.extract %reduce_sum3A_690[15] : i32 from vector<16xi32>
      %le3A_692 = arith.constant 1024 : i32
      %le3A_693 = arith.cmpi sle, %reduce_sum3A_691, %le3A_692 : i32
      %get3A_694 = arith.constant 0 : i32
      %get3A_695 = arith.index_cast %get3A_694 : i32 to index
      %get3A_696 = memref.load %arg7[%get3A_695] : memref<4xi32, #tpu.memory_space<smem>>
      %select_n3A_697 = arith.select %le3A_693, %add3A_676, %get3A_696 : i32
      %swap3A_698 = arith.constant 0 : i32
      %swap3A_699 = arith.index_cast %swap3A_698 : i32 to index
      %swap3A_700 = memref.load %arg7[%swap3A_699] : memref<4xi32, #tpu.memory_space<smem>>
      memref.store %select_n3A_697, %arg7[%swap3A_699] : memref<4xi32, #tpu.memory_space<smem>>
      %get3A_701 = arith.constant 0 : i32
      %get3A_702 = arith.index_cast %get3A_701 : i32 to index
      %get3A_703 = memref.load %arg7[%get3A_702] : memref<4xi32, #tpu.memory_space<smem>>
      %add3A_704 = arith.constant 128 : i32
      %add3A_705 = arith.addi %get3A_703, %add3A_704 : i32
      %broadcast_in_dim3A_706 = arith.constant 0 : i32
      %broadcast_in_dim3A_707 = vector.broadcast %broadcast_in_dim3A_706 : i32 to vector<16xi32>
      %swap3A_708 = arith.constant 0 : index
      %swap3A_709 = tpu.vector_load %arg6[%swap3A_708] {strides = array<i32>} : memref<16xi32, #tpu.memory_space<vmem>>, vector<16xi32>,
      tpu.vector_store %arg6[%swap3A_708], %broadcast_in_dim3A_707 {strides = array<i32>} : memref<16xi32, #tpu.memory_space<vmem>>, vector<16xi32>,
      %scan3A_710 = arith.constant 0 : i32
      %scan3A_711 = arith.constant 128 : i32
      %scan3A_712 = arith.addi %scan3A_710, %scan3A_711 : i32
      %scan3A_713 = arith.constant 1 : i32
      scf.for %scan3A_964 = %scan3A_710 to %scan3A_712 step %scan3A_713  : i32 {
        %mul3A_965 = arith.constant 1 : i32
        %mul3A_966 = arith.muli %scan3A_964, %mul3A_965 : i32
        %add3A_967 = arith.constant 0 : i32
        %add3A_968 = arith.addi %add3A_967, %mul3A_966 : i32
        %mul3A_969 = arith.constant 16 : i32
        %mul3A_970 = arith.muli %add3A_968, %mul3A_969 : i32
        %get3A_971 = arith.index_cast %mul3A_970 : i32 to index
        %get3A_972 = tpu.vector_load %arg4[%get3A_971] {strides = array<i32>} : memref<2048xi32, #tpu.memory_space<vmem>>, vector<16xi32>,
        %get3A_973 = arith.constant 0 : index
        %get3A_974 = tpu.vector_load %arg6[%get3A_973] {strides = array<i32>} : memref<16xi32, #tpu.memory_space<vmem>>, vector<16xi32>,
        %lt3A = vector.broadcast %add3A_705 : i32 to vector<16xi32>
        %lt3A_975 = arith.cmpi slt, %get3A_972, %lt3A : vector<16xi32>
        %jit3A = arith.constant 1 : i32
        %jit3A_976 = arith.constant 0 : i32
        %broadcast_in_dim3A_977 = vector.broadcast %jit3A : i32 to vector<16xi32>
        %broadcast_in_dim3A_978 = vector.broadcast %jit3A_976 : i32 to vector<16xi32>
        %select_n3A_979 = arith.select %lt3A_975, %broadcast_in_dim3A_977, %broadcast_in_dim3A_978 : vector<16xi1>, vector<16xi32>
        %add3A_980 = arith.addi %get3A_974, %select_n3A_979 : vector<16xi32>
        %swap3A_981 = arith.constant 0 : index
        %swap3A_982 = tpu.vector_load %arg6[%swap3A_981] {strides = array<i32>} : memref<16xi32, #tpu.memory_space<vmem>>, vector<16xi32>,
        tpu.vector_store %arg6[%swap3A_981], %add3A_980 {strides = array<i32>} : memref<16xi32, #tpu.memory_space<vmem>>, vector<16xi32>,
      }
      %scan3A_714 = arith.constant 128 : i32
      %get3A_715 = arith.constant 0 : index
      %get3A_716 = tpu.vector_load %arg6[%get3A_715] {strides = array<i32>} : memref<16xi32, #tpu.memory_space<vmem>>, vector<16xi32>,
      %reduce_sum3A_717 = arith.constant true
      %reduce_sum3A_718 = vector.broadcast %reduce_sum3A_717 : i1 to vector<16xi1>
      %reduce_sum3A_719 = tpu.scan <sum>, %get3A_716 masked %reduce_sum3A_718 : vector<16xi32>, vector<16xi1> -> vector<16xi32>
      %reduce_sum3A_720 = vector.extract %reduce_sum3A_719[15] : i32 from vector<16xi32>
      %le3A_721 = arith.constant 1024 : i32
      %le3A_722 = arith.cmpi sle, %reduce_sum3A_720, %le3A_721 : i32
      %get3A_723 = arith.constant 0 : i32
      %get3A_724 = arith.index_cast %get3A_723 : i32 to index
      %get3A_725 = memref.load %arg7[%get3A_724] : memref<4xi32, #tpu.memory_space<smem>>
      %select_n3A_726 = arith.select %le3A_722, %add3A_705, %get3A_725 : i32
      %swap3A_727 = arith.constant 0 : i32
      %swap3A_728 = arith.index_cast %swap3A_727 : i32 to index
      %swap3A_729 = memref.load %arg7[%swap3A_728] : memref<4xi32, #tpu.memory_space<smem>>
      memref.store %select_n3A_726, %arg7[%swap3A_728] : memref<4xi32, #tpu.memory_space<smem>>
      %get3A_730 = arith.constant 0 : i32
      %get3A_731 = arith.index_cast %get3A_730 : i32 to index
      %get3A_732 = memref.load %arg7[%get3A_731] : memref<4xi32, #tpu.memory_space<smem>>
      %add3A_733 = arith.constant 64 : i32
      %add3A_734 = arith.addi %get3A_732, %add3A_733 : i32
      %broadcast_in_dim3A_735 = arith.constant 0 : i32
      %broadcast_in_dim3A_736 = vector.broadcast %broadcast_in_dim3A_735 : i32 to vector<16xi32>
      %swap3A_737 = arith.constant 0 : index
      %swap3A_738 = tpu.vector_load %arg6[%swap3A_737] {strides = array<i32>} : memref<16xi32, #tpu.memory_space<vmem>>, vector<16xi32>,
      tpu.vector_store %arg6[%swap3A_737], %broadcast_in_dim3A_736 {strides = array<i32>} : memref<16xi32, #tpu.memory_space<vmem>>, vector<16xi32>,
      %scan3A_739 = arith.constant 0 : i32
      %scan3A_740 = arith.constant 128 : i32
      %scan3A_741 = arith.addi %scan3A_739, %scan3A_740 : i32
      %scan3A_742 = arith.constant 1 : i32
      scf.for %scan3A_964 = %scan3A_739 to %scan3A_741 step %scan3A_742  : i32 {
        %mul3A_965 = arith.constant 1 : i32
        %mul3A_966 = arith.muli %scan3A_964, %mul3A_965 : i32
        %add3A_967 = arith.constant 0 : i32
        %add3A_968 = arith.addi %add3A_967, %mul3A_966 : i32
        %mul3A_969 = arith.constant 16 : i32
        %mul3A_970 = arith.muli %add3A_968, %mul3A_969 : i32
        %get3A_971 = arith.index_cast %mul3A_970 : i32 to index
        %get3A_972 = tpu.vector_load %arg4[%get3A_971] {strides = array<i32>} : memref<2048xi32, #tpu.memory_space<vmem>>, vector<16xi32>,
        %get3A_973 = arith.constant 0 : index
        %get3A_974 = tpu.vector_load %arg6[%get3A_973] {strides = array<i32>} : memref<16xi32, #tpu.memory_space<vmem>>, vector<16xi32>,
        %lt3A = vector.broadcast %add3A_734 : i32 to vector<16xi32>
        %lt3A_975 = arith.cmpi slt, %get3A_972, %lt3A : vector<16xi32>
        %jit3A = arith.constant 1 : i32
        %jit3A_976 = arith.constant 0 : i32
        %broadcast_in_dim3A_977 = vector.broadcast %jit3A : i32 to vector<16xi32>
        %broadcast_in_dim3A_978 = vector.broadcast %jit3A_976 : i32 to vector<16xi32>
        %select_n3A_979 = arith.select %lt3A_975, %broadcast_in_dim3A_977, %broadcast_in_dim3A_978 : vector<16xi1>, vector<16xi32>
        %add3A_980 = arith.addi %get3A_974, %select_n3A_979 : vector<16xi32>
        %swap3A_981 = arith.constant 0 : index
        %swap3A_982 = tpu.vector_load %arg6[%swap3A_981] {strides = array<i32>} : memref<16xi32, #tpu.memory_space<vmem>>, vector<16xi32>,
        tpu.vector_store %arg6[%swap3A_981], %add3A_980 {strides = array<i32>} : memref<16xi32, #tpu.memory_space<vmem>>, vector<16xi32>,
      }
      %scan3A_743 = arith.constant 128 : i32
      %get3A_744 = arith.constant 0 : index
      %get3A_745 = tpu.vector_load %arg6[%get3A_744] {strides = array<i32>} : memref<16xi32, #tpu.memory_space<vmem>>, vector<16xi32>,
      %reduce_sum3A_746 = arith.constant true
      %reduce_sum3A_747 = vector.broadcast %reduce_sum3A_746 : i1 to vector<16xi1>
      %reduce_sum3A_748 = tpu.scan <sum>, %get3A_745 masked %reduce_sum3A_747 : vector<16xi32>, vector<16xi1> -> vector<16xi32>
      %reduce_sum3A_749 = vector.extract %reduce_sum3A_748[15] : i32 from vector<16xi32>
      %le3A_750 = arith.constant 1024 : i32
      %le3A_751 = arith.cmpi sle, %reduce_sum3A_749, %le3A_750 : i32
      %get3A_752 = arith.constant 0 : i32
      %get3A_753 = arith.index_cast %get3A_752 : i32 to index
      %get3A_754 = memref.load %arg7[%get3A_753] : memref<4xi32, #tpu.memory_space<smem>>
      %select_n3A_755 = arith.select %le3A_751, %add3A_734, %get3A_754 : i32
      %swap3A_756 = arith.constant 0 : i32
      %swap3A_757 = arith.index_cast %swap3A_756 : i32 to index
      %swap3A_758 = memref.load %arg7[%swap3A_757] : memref<4xi32, #tpu.memory_space<smem>>
      memref.store %select_n3A_755, %arg7[%swap3A_757] : memref<4xi32, #tpu.memory_space<smem>>
      %get3A_759 = arith.constant 0 : i32
      %get3A_760 = arith.index_cast %get3A_759 : i32 to index
      %get3A_761 = memref.load %arg7[%get3A_760] : memref<4xi32, #tpu.memory_space<smem>>
      %add3A_762 = arith.constant 32 : i32
      %add3A_763 = arith.addi %get3A_761, %add3A_762 : i32
      %broadcast_in_dim3A_764 = arith.constant 0 : i32
      %broadcast_in_dim3A_765 = vector.broadcast %broadcast_in_dim3A_764 : i32 to vector<16xi32>
      %swap3A_766 = arith.constant 0 : index
      %swap3A_767 = tpu.vector_load %arg6[%swap3A_766] {strides = array<i32>} : memref<16xi32, #tpu.memory_space<vmem>>, vector<16xi32>,
      tpu.vector_store %arg6[%swap3A_766], %broadcast_in_dim3A_765 {strides = array<i32>} : memref<16xi32, #tpu.memory_space<vmem>>, vector<16xi32>,
      %scan3A_768 = arith.constant 0 : i32
      %scan3A_769 = arith.constant 128 : i32
      %scan3A_770 = arith.addi %scan3A_768, %scan3A_769 : i32
      %scan3A_771 = arith.constant 1 : i32
      scf.for %scan3A_964 = %scan3A_768 to %scan3A_770 step %scan3A_771  : i32 {
        %mul3A_965 = arith.constant 1 : i32
        %mul3A_966 = arith.muli %scan3A_964, %mul3A_965 : i32
        %add3A_967 = arith.constant 0 : i32
        %add3A_968 = arith.addi %add3A_967, %mul3A_966 : i32
        %mul3A_969 = arith.constant 16 : i32
        %mul3A_970 = arith.muli %add3A_968, %mul3A_969 : i32
        %get3A_971 = arith.index_cast %mul3A_970 : i32 to index
        %get3A_972 = tpu.vector_load %arg4[%get3A_971] {strides = array<i32>} : memref<2048xi32, #tpu.memory_space<vmem>>, vector<16xi32>,
        %get3A_973 = arith.constant 0 : index
        %get3A_974 = tpu.vector_load %arg6[%get3A_973] {strides = array<i32>} : memref<16xi32, #tpu.memory_space<vmem>>, vector<16xi32>,
        %lt3A = vector.broadcast %add3A_763 : i32 to vector<16xi32>
        %lt3A_975 = arith.cmpi slt, %get3A_972, %lt3A : vector<16xi32>
        %jit3A = arith.constant 1 : i32
        %jit3A_976 = arith.constant 0 : i32
        %broadcast_in_dim3A_977 = vector.broadcast %jit3A : i32 to vector<16xi32>
        %broadcast_in_dim3A_978 = vector.broadcast %jit3A_976 : i32 to vector<16xi32>
        %select_n3A_979 = arith.select %lt3A_975, %broadcast_in_dim3A_977, %broadcast_in_dim3A_978 : vector<16xi1>, vector<16xi32>
        %add3A_980 = arith.addi %get3A_974, %select_n3A_979 : vector<16xi32>
        %swap3A_981 = arith.constant 0 : index
        %swap3A_982 = tpu.vector_load %arg6[%swap3A_981] {strides = array<i32>} : memref<16xi32, #tpu.memory_space<vmem>>, vector<16xi32>,
        tpu.vector_store %arg6[%swap3A_981], %add3A_980 {strides = array<i32>} : memref<16xi32, #tpu.memory_space<vmem>>, vector<16xi32>,
      }
      %scan3A_772 = arith.constant 128 : i32
      %get3A_773 = arith.constant 0 : index
      %get3A_774 = tpu.vector_load %arg6[%get3A_773] {strides = array<i32>} : memref<16xi32, #tpu.memory_space<vmem>>, vector<16xi32>,
      %reduce_sum3A_775 = arith.constant true
      %reduce_sum3A_776 = vector.broadcast %reduce_sum3A_775 : i1 to vector<16xi1>
      %reduce_sum3A_777 = tpu.scan <sum>, %get3A_774 masked %reduce_sum3A_776 : vector<16xi32>, vector<16xi1> -> vector<16xi32>
      %reduce_sum3A_778 = vector.extract %reduce_sum3A_777[15] : i32 from vector<16xi32>
      %le3A_779 = arith.constant 1024 : i32
      %le3A_780 = arith.cmpi sle, %reduce_sum3A_778, %le3A_779 : i32
      %get3A_781 = arith.constant 0 : i32
      %get3A_782 = arith.index_cast %get3A_781 : i32 to index
      %get3A_783 = memref.load %arg7[%get3A_782] : memref<4xi32, #tpu.memory_space<smem>>
      %select_n3A_784 = arith.select %le3A_780, %add3A_763, %get3A_783 : i32
      %swap3A_785 = arith.constant 0 : i32
      %swap3A_786 = arith.index_cast %swap3A_785 : i32 to index
      %swap3A_787 = memref.load %arg7[%swap3A_786] : memref<4xi32, #tpu.memory_space<smem>>
      memref.store %select_n3A_784, %arg7[%swap3A_786] : memref<4xi32, #tpu.memory_space<smem>>
      %get3A_788 = arith.constant 0 : i32
      %get3A_789 = arith.index_cast %get3A_788 : i32 to index
      %get3A_790 = memref.load %arg7[%get3A_789] : memref<4xi32, #tpu.memory_space<smem>>
      %add3A_791 = arith.constant 16 : i32
      %add3A_792 = arith.addi %get3A_790, %add3A_791 : i32
      %broadcast_in_dim3A_793 = arith.constant 0 : i32
      %broadcast_in_dim3A_794 = vector.broadcast %broadcast_in_dim3A_793 : i32 to vector<16xi32>
      %swap3A_795 = arith.constant 0 : index
      %swap3A_796 = tpu.vector_load %arg6[%swap3A_795] {strides = array<i32>} : memref<16xi32, #tpu.memory_space<vmem>>, vector<16xi32>,
      tpu.vector_store %arg6[%swap3A_795], %broadcast_in_dim3A_794 {strides = array<i32>} : memref<16xi32, #tpu.memory_space<vmem>>, vector<16xi32>,
      %scan3A_797 = arith.constant 0 : i32
      %scan3A_798 = arith.constant 128 : i32
      %scan3A_799 = arith.addi %scan3A_797, %scan3A_798 : i32
      %scan3A_800 = arith.constant 1 : i32
      scf.for %scan3A_964 = %scan3A_797 to %scan3A_799 step %scan3A_800  : i32 {
        %mul3A_965 = arith.constant 1 : i32
        %mul3A_966 = arith.muli %scan3A_964, %mul3A_965 : i32
        %add3A_967 = arith.constant 0 : i32
        %add3A_968 = arith.addi %add3A_967, %mul3A_966 : i32
        %mul3A_969 = arith.constant 16 : i32
        %mul3A_970 = arith.muli %add3A_968, %mul3A_969 : i32
        %get3A_971 = arith.index_cast %mul3A_970 : i32 to index
        %get3A_972 = tpu.vector_load %arg4[%get3A_971] {strides = array<i32>} : memref<2048xi32, #tpu.memory_space<vmem>>, vector<16xi32>,
        %get3A_973 = arith.constant 0 : index
        %get3A_974 = tpu.vector_load %arg6[%get3A_973] {strides = array<i32>} : memref<16xi32, #tpu.memory_space<vmem>>, vector<16xi32>,
        %lt3A = vector.broadcast %add3A_792 : i32 to vector<16xi32>
        %lt3A_975 = arith.cmpi slt, %get3A_972, %lt3A : vector<16xi32>
        %jit3A = arith.constant 1 : i32
        %jit3A_976 = arith.constant 0 : i32
        %broadcast_in_dim3A_977 = vector.broadcast %jit3A : i32 to vector<16xi32>
        %broadcast_in_dim3A_978 = vector.broadcast %jit3A_976 : i32 to vector<16xi32>
        %select_n3A_979 = arith.select %lt3A_975, %broadcast_in_dim3A_977, %broadcast_in_dim3A_978 : vector<16xi1>, vector<16xi32>
        %add3A_980 = arith.addi %get3A_974, %select_n3A_979 : vector<16xi32>
        %swap3A_981 = arith.constant 0 : index
        %swap3A_982 = tpu.vector_load %arg6[%swap3A_981] {strides = array<i32>} : memref<16xi32, #tpu.memory_space<vmem>>, vector<16xi32>,
        tpu.vector_store %arg6[%swap3A_981], %add3A_980 {strides = array<i32>} : memref<16xi32, #tpu.memory_space<vmem>>, vector<16xi32>,
      }
      %scan3A_801 = arith.constant 128 : i32
      %get3A_802 = arith.constant 0 : index
      %get3A_803 = tpu.vector_load %arg6[%get3A_802] {strides = array<i32>} : memref<16xi32, #tpu.memory_space<vmem>>, vector<16xi32>,
      %reduce_sum3A_804 = arith.constant true
      %reduce_sum3A_805 = vector.broadcast %reduce_sum3A_804 : i1 to vector<16xi1>
      %reduce_sum3A_806 = tpu.scan <sum>, %get3A_803 masked %reduce_sum3A_805 : vector<16xi32>, vector<16xi1> -> vector<16xi32>
      %reduce_sum3A_807 = vector.extract %reduce_sum3A_806[15] : i32 from vector<16xi32>
      %le3A_808 = arith.constant 1024 : i32
      %le3A_809 = arith.cmpi sle, %reduce_sum3A_807, %le3A_808 : i32
      %get3A_810 = arith.constant 0 : i32
      %get3A_811 = arith.index_cast %get3A_810 : i32 to index
      %get3A_812 = memref.load %arg7[%get3A_811] : memref<4xi32, #tpu.memory_space<smem>>
      %select_n3A_813 = arith.select %le3A_809, %add3A_792, %get3A_812 : i32
      %swap3A_814 = arith.constant 0 : i32
      %swap3A_815 = arith.index_cast %swap3A_814 : i32 to index
      %swap3A_816 = memref.load %arg7[%swap3A_815] : memref<4xi32, #tpu.memory_space<smem>>
      memref.store %select_n3A_813, %arg7[%swap3A_815] : memref<4xi32, #tpu.memory_space<smem>>
      %get3A_817 = arith.constant 0 : i32
      %get3A_818 = arith.index_cast %get3A_817 : i32 to index
      %get3A_819 = memref.load %arg7[%get3A_818] : memref<4xi32, #tpu.memory_space<smem>>
      %add3A_820 = arith.constant 8 : i32
      %add3A_821 = arith.addi %get3A_819, %add3A_820 : i32
      %broadcast_in_dim3A_822 = arith.constant 0 : i32
      %broadcast_in_dim3A_823 = vector.broadcast %broadcast_in_dim3A_822 : i32 to vector<16xi32>
      %swap3A_824 = arith.constant 0 : index
      %swap3A_825 = tpu.vector_load %arg6[%swap3A_824] {strides = array<i32>} : memref<16xi32, #tpu.memory_space<vmem>>, vector<16xi32>,
      tpu.vector_store %arg6[%swap3A_824], %broadcast_in_dim3A_823 {strides = array<i32>} : memref<16xi32, #tpu.memory_space<vmem>>, vector<16xi32>,
      %scan3A_826 = arith.constant 0 : i32
      %scan3A_827 = arith.constant 128 : i32
      %scan3A_828 = arith.addi %scan3A_826, %scan3A_827 : i32
      %scan3A_829 = arith.constant 1 : i32
      scf.for %scan3A_964 = %scan3A_826 to %scan3A_828 step %scan3A_829  : i32 {
        %mul3A_965 = arith.constant 1 : i32
        %mul3A_966 = arith.muli %scan3A_964, %mul3A_965 : i32
        %add3A_967 = arith.constant 0 : i32
        %add3A_968 = arith.addi %add3A_967, %mul3A_966 : i32
        %mul3A_969 = arith.constant 16 : i32
        %mul3A_970 = arith.muli %add3A_968, %mul3A_969 : i32
        %get3A_971 = arith.index_cast %mul3A_970 : i32 to index
        %get3A_972 = tpu.vector_load %arg4[%get3A_971] {strides = array<i32>} : memref<2048xi32, #tpu.memory_space<vmem>>, vector<16xi32>,
        %get3A_973 = arith.constant 0 : index
        %get3A_974 = tpu.vector_load %arg6[%get3A_973] {strides = array<i32>} : memref<16xi32, #tpu.memory_space<vmem>>, vector<16xi32>,
        %lt3A = vector.broadcast %add3A_821 : i32 to vector<16xi32>
        %lt3A_975 = arith.cmpi slt, %get3A_972, %lt3A : vector<16xi32>
        %jit3A = arith.constant 1 : i32
        %jit3A_976 = arith.constant 0 : i32
        %broadcast_in_dim3A_977 = vector.broadcast %jit3A : i32 to vector<16xi32>
        %broadcast_in_dim3A_978 = vector.broadcast %jit3A_976 : i32 to vector<16xi32>
        %select_n3A_979 = arith.select %lt3A_975, %broadcast_in_dim3A_977, %broadcast_in_dim3A_978 : vector<16xi1>, vector<16xi32>
        %add3A_980 = arith.addi %get3A_974, %select_n3A_979 : vector<16xi32>
        %swap3A_981 = arith.constant 0 : index
        %swap3A_982 = tpu.vector_load %arg6[%swap3A_981] {strides = array<i32>} : memref<16xi32, #tpu.memory_space<vmem>>, vector<16xi32>,
        tpu.vector_store %arg6[%swap3A_981], %add3A_980 {strides = array<i32>} : memref<16xi32, #tpu.memory_space<vmem>>, vector<16xi32>,
      }
      %scan3A_830 = arith.constant 128 : i32
      %get3A_831 = arith.constant 0 : index
      %get3A_832 = tpu.vector_load %arg6[%get3A_831] {strides = array<i32>} : memref<16xi32, #tpu.memory_space<vmem>>, vector<16xi32>,
      %reduce_sum3A_833 = arith.constant true
      %reduce_sum3A_834 = vector.broadcast %reduce_sum3A_833 : i1 to vector<16xi1>
      %reduce_sum3A_835 = tpu.scan <sum>, %get3A_832 masked %reduce_sum3A_834 : vector<16xi32>, vector<16xi1> -> vector<16xi32>
      %reduce_sum3A_836 = vector.extract %reduce_sum3A_835[15] : i32 from vector<16xi32>
      %le3A_837 = arith.constant 1024 : i32
      %le3A_838 = arith.cmpi sle, %reduce_sum3A_836, %le3A_837 : i32
      %get3A_839 = arith.constant 0 : i32
      %get3A_840 = arith.index_cast %get3A_839 : i32 to index
      %get3A_841 = memref.load %arg7[%get3A_840] : memref<4xi32, #tpu.memory_space<smem>>
      %select_n3A_842 = arith.select %le3A_838, %add3A_821, %get3A_841 : i32
      %swap3A_843 = arith.constant 0 : i32
      %swap3A_844 = arith.index_cast %swap3A_843 : i32 to index
      %swap3A_845 = memref.load %arg7[%swap3A_844] : memref<4xi32, #tpu.memory_space<smem>>
      memref.store %select_n3A_842, %arg7[%swap3A_844] : memref<4xi32, #tpu.memory_space<smem>>
      %get3A_846 = arith.constant 0 : i32
      %get3A_847 = arith.index_cast %get3A_846 : i32 to index
      %get3A_848 = memref.load %arg7[%get3A_847] : memref<4xi32, #tpu.memory_space<smem>>
      %add3A_849 = arith.constant 4 : i32
      %add3A_850 = arith.addi %get3A_848, %add3A_849 : i32
      %broadcast_in_dim3A_851 = arith.constant 0 : i32
      %broadcast_in_dim3A_852 = vector.broadcast %broadcast_in_dim3A_851 : i32 to vector<16xi32>
      %swap3A_853 = arith.constant 0 : index
      %swap3A_854 = tpu.vector_load %arg6[%swap3A_853] {strides = array<i32>} : memref<16xi32, #tpu.memory_space<vmem>>, vector<16xi32>,
      tpu.vector_store %arg6[%swap3A_853], %broadcast_in_dim3A_852 {strides = array<i32>} : memref<16xi32, #tpu.memory_space<vmem>>, vector<16xi32>,
      %scan3A_855 = arith.constant 0 : i32
      %scan3A_856 = arith.constant 128 : i32
      %scan3A_857 = arith.addi %scan3A_855, %scan3A_856 : i32
      %scan3A_858 = arith.constant 1 : i32
      scf.for %scan3A_964 = %scan3A_855 to %scan3A_857 step %scan3A_858  : i32 {
        %mul3A_965 = arith.constant 1 : i32
        %mul3A_966 = arith.muli %scan3A_964, %mul3A_965 : i32
        %add3A_967 = arith.constant 0 : i32
        %add3A_968 = arith.addi %add3A_967, %mul3A_966 : i32
        %mul3A_969 = arith.constant 16 : i32
        %mul3A_970 = arith.muli %add3A_968, %mul3A_969 : i32
        %get3A_971 = arith.index_cast %mul3A_970 : i32 to index
        %get3A_972 = tpu.vector_load %arg4[%get3A_971] {strides = array<i32>} : memref<2048xi32, #tpu.memory_space<vmem>>, vector<16xi32>,
        %get3A_973 = arith.constant 0 : index
        %get3A_974 = tpu.vector_load %arg6[%get3A_973] {strides = array<i32>} : memref<16xi32, #tpu.memory_space<vmem>>, vector<16xi32>,
        %lt3A = vector.broadcast %add3A_850 : i32 to vector<16xi32>
        %lt3A_975 = arith.cmpi slt, %get3A_972, %lt3A : vector<16xi32>
        %jit3A = arith.constant 1 : i32
        %jit3A_976 = arith.constant 0 : i32
        %broadcast_in_dim3A_977 = vector.broadcast %jit3A : i32 to vector<16xi32>
        %broadcast_in_dim3A_978 = vector.broadcast %jit3A_976 : i32 to vector<16xi32>
        %select_n3A_979 = arith.select %lt3A_975, %broadcast_in_dim3A_977, %broadcast_in_dim3A_978 : vector<16xi1>, vector<16xi32>
        %add3A_980 = arith.addi %get3A_974, %select_n3A_979 : vector<16xi32>
        %swap3A_981 = arith.constant 0 : index
        %swap3A_982 = tpu.vector_load %arg6[%swap3A_981] {strides = array<i32>} : memref<16xi32, #tpu.memory_space<vmem>>, vector<16xi32>,
        tpu.vector_store %arg6[%swap3A_981], %add3A_980 {strides = array<i32>} : memref<16xi32, #tpu.memory_space<vmem>>, vector<16xi32>,
      }
      %scan3A_859 = arith.constant 128 : i32
      %get3A_860 = arith.constant 0 : index
      %get3A_861 = tpu.vector_load %arg6[%get3A_860] {strides = array<i32>} : memref<16xi32, #tpu.memory_space<vmem>>, vector<16xi32>,
      %reduce_sum3A_862 = arith.constant true
      %reduce_sum3A_863 = vector.broadcast %reduce_sum3A_862 : i1 to vector<16xi1>
      %reduce_sum3A_864 = tpu.scan <sum>, %get3A_861 masked %reduce_sum3A_863 : vector<16xi32>, vector<16xi1> -> vector<16xi32>
      %reduce_sum3A_865 = vector.extract %reduce_sum3A_864[15] : i32 from vector<16xi32>
      %le3A_866 = arith.constant 1024 : i32
      %le3A_867 = arith.cmpi sle, %reduce_sum3A_865, %le3A_866 : i32
      %get3A_868 = arith.constant 0 : i32
      %get3A_869 = arith.index_cast %get3A_868 : i32 to index
      %get3A_870 = memref.load %arg7[%get3A_869] : memref<4xi32, #tpu.memory_space<smem>>
      %select_n3A_871 = arith.select %le3A_867, %add3A_850, %get3A_870 : i32
      %swap3A_872 = arith.constant 0 : i32
      %swap3A_873 = arith.index_cast %swap3A_872 : i32 to index
      %swap3A_874 = memref.load %arg7[%swap3A_873] : memref<4xi32, #tpu.memory_space<smem>>
      memref.store %select_n3A_871, %arg7[%swap3A_873] : memref<4xi32, #tpu.memory_space<smem>>
      %get3A_875 = arith.constant 0 : i32
      %get3A_876 = arith.index_cast %get3A_875 : i32 to index
      %get3A_877 = memref.load %arg7[%get3A_876] : memref<4xi32, #tpu.memory_space<smem>>
      %add3A_878 = arith.constant 2 : i32
      %add3A_879 = arith.addi %get3A_877, %add3A_878 : i32
      %broadcast_in_dim3A_880 = arith.constant 0 : i32
      %broadcast_in_dim3A_881 = vector.broadcast %broadcast_in_dim3A_880 : i32 to vector<16xi32>
      %swap3A_882 = arith.constant 0 : index
      %swap3A_883 = tpu.vector_load %arg6[%swap3A_882] {strides = array<i32>} : memref<16xi32, #tpu.memory_space<vmem>>, vector<16xi32>,
      tpu.vector_store %arg6[%swap3A_882], %broadcast_in_dim3A_881 {strides = array<i32>} : memref<16xi32, #tpu.memory_space<vmem>>, vector<16xi32>,
      %scan3A_884 = arith.constant 0 : i32
      %scan3A_885 = arith.constant 128 : i32
      %scan3A_886 = arith.addi %scan3A_884, %scan3A_885 : i32
      %scan3A_887 = arith.constant 1 : i32
      scf.for %scan3A_964 = %scan3A_884 to %scan3A_886 step %scan3A_887  : i32 {
        %mul3A_965 = arith.constant 1 : i32
        %mul3A_966 = arith.muli %scan3A_964, %mul3A_965 : i32
        %add3A_967 = arith.constant 0 : i32
        %add3A_968 = arith.addi %add3A_967, %mul3A_966 : i32
        %mul3A_969 = arith.constant 16 : i32
        %mul3A_970 = arith.muli %add3A_968, %mul3A_969 : i32
        %get3A_971 = arith.index_cast %mul3A_970 : i32 to index
        %get3A_972 = tpu.vector_load %arg4[%get3A_971] {strides = array<i32>} : memref<2048xi32, #tpu.memory_space<vmem>>, vector<16xi32>,
        %get3A_973 = arith.constant 0 : index
        %get3A_974 = tpu.vector_load %arg6[%get3A_973] {strides = array<i32>} : memref<16xi32, #tpu.memory_space<vmem>>, vector<16xi32>,
        %lt3A = vector.broadcast %add3A_879 : i32 to vector<16xi32>
        %lt3A_975 = arith.cmpi slt, %get3A_972, %lt3A : vector<16xi32>
        %jit3A = arith.constant 1 : i32
        %jit3A_976 = arith.constant 0 : i32
        %broadcast_in_dim3A_977 = vector.broadcast %jit3A : i32 to vector<16xi32>
        %broadcast_in_dim3A_978 = vector.broadcast %jit3A_976 : i32 to vector<16xi32>
        %select_n3A_979 = arith.select %lt3A_975, %broadcast_in_dim3A_977, %broadcast_in_dim3A_978 : vector<16xi1>, vector<16xi32>
        %add3A_980 = arith.addi %get3A_974, %select_n3A_979 : vector<16xi32>
        %swap3A_981 = arith.constant 0 : index
        %swap3A_982 = tpu.vector_load %arg6[%swap3A_981] {strides = array<i32>} : memref<16xi32, #tpu.memory_space<vmem>>, vector<16xi32>,
        tpu.vector_store %arg6[%swap3A_981], %add3A_980 {strides = array<i32>} : memref<16xi32, #tpu.memory_space<vmem>>, vector<16xi32>,
      }
      %scan3A_888 = arith.constant 128 : i32
      %get3A_889 = arith.constant 0 : index
      %get3A_890 = tpu.vector_load %arg6[%get3A_889] {strides = array<i32>} : memref<16xi32, #tpu.memory_space<vmem>>, vector<16xi32>,
      %reduce_sum3A_891 = arith.constant true
      %reduce_sum3A_892 = vector.broadcast %reduce_sum3A_891 : i1 to vector<16xi1>
      %reduce_sum3A_893 = tpu.scan <sum>, %get3A_890 masked %reduce_sum3A_892 : vector<16xi32>, vector<16xi1> -> vector<16xi32>
      %reduce_sum3A_894 = vector.extract %reduce_sum3A_893[15] : i32 from vector<16xi32>
      %le3A_895 = arith.constant 1024 : i32
      %le3A_896 = arith.cmpi sle, %reduce_sum3A_894, %le3A_895 : i32
      %get3A_897 = arith.constant 0 : i32
      %get3A_898 = arith.index_cast %get3A_897 : i32 to index
      %get3A_899 = memref.load %arg7[%get3A_898] : memref<4xi32, #tpu.memory_space<smem>>
      %select_n3A_900 = arith.select %le3A_896, %add3A_879, %get3A_899 : i32
      %swap3A_901 = arith.constant 0 : i32
      %swap3A_902 = arith.index_cast %swap3A_901 : i32 to index
      %swap3A_903 = memref.load %arg7[%swap3A_902] : memref<4xi32, #tpu.memory_space<smem>>
      memref.store %select_n3A_900, %arg7[%swap3A_902] : memref<4xi32, #tpu.memory_space<smem>>
      %get3A_904 = arith.constant 0 : i32
      %get3A_905 = arith.index_cast %get3A_904 : i32 to index
      %get3A_906 = memref.load %arg7[%get3A_905] : memref<4xi32, #tpu.memory_space<smem>>
      %add3A_907 = arith.constant 1 : i32
      %add3A_908 = arith.addi %get3A_906, %add3A_907 : i32
      %broadcast_in_dim3A_909 = arith.constant 0 : i32
      %broadcast_in_dim3A_910 = vector.broadcast %broadcast_in_dim3A_909 : i32 to vector<16xi32>
      %swap3A_911 = arith.constant 0 : index
      %swap3A_912 = tpu.vector_load %arg6[%swap3A_911] {strides = array<i32>} : memref<16xi32, #tpu.memory_space<vmem>>, vector<16xi32>,
      tpu.vector_store %arg6[%swap3A_911], %broadcast_in_dim3A_910 {strides = array<i32>} : memref<16xi32, #tpu.memory_space<vmem>>, vector<16xi32>,
      %scan3A_913 = arith.constant 0 : i32
      %scan3A_914 = arith.constant 128 : i32
      %scan3A_915 = arith.addi %scan3A_913, %scan3A_914 : i32
      %scan3A_916 = arith.constant 1 : i32
      scf.for %scan3A_964 = %scan3A_913 to %scan3A_915 step %scan3A_916  : i32 {
        %mul3A_965 = arith.constant 1 : i32
        %mul3A_966 = arith.muli %scan3A_964, %mul3A_965 : i32
        %add3A_967 = arith.constant 0 : i32
        %add3A_968 = arith.addi %add3A_967, %mul3A_966 : i32
        %mul3A_969 = arith.constant 16 : i32
        %mul3A_970 = arith.muli %add3A_968, %mul3A_969 : i32
        %get3A_971 = arith.index_cast %mul3A_970 : i32 to index
        %get3A_972 = tpu.vector_load %arg4[%get3A_971] {strides = array<i32>} : memref<2048xi32, #tpu.memory_space<vmem>>, vector<16xi32>,
        %get3A_973 = arith.constant 0 : index
        %get3A_974 = tpu.vector_load %arg6[%get3A_973] {strides = array<i32>} : memref<16xi32, #tpu.memory_space<vmem>>, vector<16xi32>,
        %lt3A = vector.broadcast %add3A_908 : i32 to vector<16xi32>
        %lt3A_975 = arith.cmpi slt, %get3A_972, %lt3A : vector<16xi32>
        %jit3A = arith.constant 1 : i32
        %jit3A_976 = arith.constant 0 : i32
        %broadcast_in_dim3A_977 = vector.broadcast %jit3A : i32 to vector<16xi32>
        %broadcast_in_dim3A_978 = vector.broadcast %jit3A_976 : i32 to vector<16xi32>
        %select_n3A_979 = arith.select %lt3A_975, %broadcast_in_dim3A_977, %broadcast_in_dim3A_978 : vector<16xi1>, vector<16xi32>
        %add3A_980 = arith.addi %get3A_974, %select_n3A_979 : vector<16xi32>
        %swap3A_981 = arith.constant 0 : index
        %swap3A_982 = tpu.vector_load %arg6[%swap3A_981] {strides = array<i32>} : memref<16xi32, #tpu.memory_space<vmem>>, vector<16xi32>,
        tpu.vector_store %arg6[%swap3A_981], %add3A_980 {strides = array<i32>} : memref<16xi32, #tpu.memory_space<vmem>>, vector<16xi32>,
      }
      %scan3A_917 = arith.constant 128 : i32
      %get3A_918 = arith.constant 0 : index
      %get3A_919 = tpu.vector_load %arg6[%get3A_918] {strides = array<i32>} : memref<16xi32, #tpu.memory_space<vmem>>, vector<16xi32>,
      %reduce_sum3A_920 = arith.constant true
      %reduce_sum3A_921 = vector.broadcast %reduce_sum3A_920 : i1 to vector<16xi1>
      %reduce_sum3A_922 = tpu.scan <sum>, %get3A_919 masked %reduce_sum3A_921 : vector<16xi32>, vector<16xi1> -> vector<16xi32>
      %reduce_sum3A_923 = vector.extract %reduce_sum3A_922[15] : i32 from vector<16xi32>
      %le3A_924 = arith.constant 1024 : i32
      %le3A_925 = arith.cmpi sle, %reduce_sum3A_923, %le3A_924 : i32
      %get3A_926 = arith.constant 0 : i32
      %get3A_927 = arith.index_cast %get3A_926 : i32 to index
      %get3A_928 = memref.load %arg7[%get3A_927] : memref<4xi32, #tpu.memory_space<smem>>
      %select_n3A_929 = arith.select %le3A_925, %add3A_908, %get3A_928 : i32
      %swap3A_930 = arith.constant 0 : i32
      %swap3A_931 = arith.index_cast %swap3A_930 : i32 to index
      %swap3A_932 = memref.load %arg7[%swap3A_931] : memref<4xi32, #tpu.memory_space<smem>>
      memref.store %select_n3A_929, %arg7[%swap3A_931] : memref<4xi32, #tpu.memory_space<smem>>
      %get3A_933 = arith.constant 0 : i32
      %get3A_934 = arith.index_cast %get3A_933 : i32 to index
      %get3A_935 = memref.load %arg7[%get3A_934] : memref<4xi32, #tpu.memory_space<smem>>
      %broadcast_in_dim3A_936 = arith.constant 0 : i32
      %broadcast_in_dim3A_937 = vector.broadcast %broadcast_in_dim3A_936 : i32 to vector<16xi32>
      %swap3A_938 = arith.constant 0 : index
      %swap3A_939 = tpu.vector_load %arg6[%swap3A_938] {strides = array<i32>} : memref<16xi32, #tpu.memory_space<vmem>>, vector<16xi32>,
      tpu.vector_store %arg6[%swap3A_938], %broadcast_in_dim3A_937 {strides = array<i32>} : memref<16xi32, #tpu.memory_space<vmem>>, vector<16xi32>,
      %scan3A_940 = arith.constant 0 : i32
      %scan3A_941 = arith.constant 128 : i32
      %scan3A_942 = arith.addi %scan3A_940, %scan3A_941 : i32
      %scan3A_943 = arith.constant 1 : i32
      scf.for %scan3A_964 = %scan3A_940 to %scan3A_942 step %scan3A_943  : i32 {
        %mul3A_965 = arith.constant 1 : i32
        %mul3A_966 = arith.muli %scan3A_964, %mul3A_965 : i32
        %add3A_967 = arith.constant 0 : i32
        %add3A_968 = arith.addi %add3A_967, %mul3A_966 : i32
        %mul3A_969 = arith.constant 16 : i32
        %mul3A_970 = arith.muli %add3A_968, %mul3A_969 : i32
        %get3A_971 = arith.index_cast %mul3A_970 : i32 to index
        %get3A_972 = tpu.vector_load %arg4[%get3A_971] {strides = array<i32>} : memref<2048xi32, #tpu.memory_space<vmem>>, vector<16xi32>,
        %get3A_973 = arith.constant 0 : index
        %get3A_974 = tpu.vector_load %arg6[%get3A_973] {strides = array<i32>} : memref<16xi32, #tpu.memory_space<vmem>>, vector<16xi32>,
        %gt3A = vector.broadcast %get3A_935 : i32 to vector<16xi32>
        %gt3A_975 = arith.cmpi sgt, %get3A_972, %gt3A : vector<16xi32>
        %jit3A = arith.constant 1 : i32
        %jit3A_976 = arith.constant 0 : i32
        %broadcast_in_dim3A_977 = vector.broadcast %jit3A : i32 to vector<16xi32>
        %broadcast_in_dim3A_978 = vector.broadcast %jit3A_976 : i32 to vector<16xi32>
        %select_n3A_979 = arith.select %gt3A_975, %broadcast_in_dim3A_977, %broadcast_in_dim3A_978 : vector<16xi1>, vector<16xi32>
        %add3A_980 = arith.addi %get3A_974, %select_n3A_979 : vector<16xi32>
        %swap3A_981 = arith.constant 0 : index
        %swap3A_982 = tpu.vector_load %arg6[%swap3A_981] {strides = array<i32>} : memref<16xi32, #tpu.memory_space<vmem>>, vector<16xi32>,
        tpu.vector_store %arg6[%swap3A_981], %add3A_980 {strides = array<i32>} : memref<16xi32, #tpu.memory_space<vmem>>, vector<16xi32>,
      }
      %scan3A_944 = arith.constant 128 : i32
      %get3A_945 = arith.constant 0 : index
      %get3A_946 = tpu.vector_load %arg6[%get3A_945] {strides = array<i32>} : memref<16xi32, #tpu.memory_space<vmem>>, vector<16xi32>,
      %reduce_sum3A_947 = arith.constant true
      %reduce_sum3A_948 = vector.broadcast %reduce_sum3A_947 : i1 to vector<16xi1>
      %reduce_sum3A_949 = tpu.scan <sum>, %get3A_946 masked %reduce_sum3A_948 : vector<16xi32>, vector<16xi1> -> vector<16xi32>
      %reduce_sum3A_950 = vector.extract %reduce_sum3A_949[15] : i32 from vector<16xi32>
      %sub3A = arith.constant 1024 : i32
      %sub3A_951 = arith.subi %sub3A, %reduce_sum3A_950 : i32
      %swap3A_952 = arith.constant 2 : i32
      %swap3A_953 = arith.index_cast %swap3A_952 : i32 to index
      %swap3A_954 = memref.load %arg7[%swap3A_953] : memref<4xi32, #tpu.memory_space<smem>>
      memref.store %sub3A_951, %arg7[%swap3A_953] : memref<4xi32, #tpu.memory_space<smem>>
      %swap3A_955 = arith.constant 0 : i32
      %swap3A_956 = arith.constant 1 : i32
      %swap3A_957 = arith.index_cast %swap3A_956 : i32 to index
      %swap3A_958 = memref.load %arg7[%swap3A_957] : memref<4xi32, #tpu.memory_space<smem>>
      memref.store %swap3A_955, %arg7[%swap3A_957] : memref<4xi32, #tpu.memory_space<smem>>
      %scan3A_959 = arith.constant 0 : i32
      %scan3A_960 = arith.constant 128 : i32
      %scan3A_961 = arith.addi %scan3A_959, %scan3A_960 : i32
      %scan3A_962 = arith.constant 1 : i32
      scf.for %scan3A_964 = %scan3A_959 to %scan3A_961 step %scan3A_962  : i32 {
        %mul3A_965 = arith.constant 1 : i32
        %mul3A_966 = arith.muli %scan3A_964, %mul3A_965 : i32
        %add3A_967 = arith.constant 0 : i32
        %add3A_968 = arith.addi %add3A_967, %mul3A_966 : i32
        %mul3A_969 = arith.constant 16 : i32
        %mul3A_970 = arith.muli %add3A_968, %mul3A_969 : i32
        %get3A_971 = arith.index_cast %mul3A_970 : i32 to index
        %get3A_972 = tpu.vector_load %arg4[%get3A_971] {strides = array<i32>} : memref<2048xi32, #tpu.memory_space<vmem>>, vector<16xi32>,
        %eq3A_973 = vector.broadcast %get3A_935 : i32 to vector<16xi32>
        %eq3A_974 = arith.cmpi eq, %get3A_972, %eq3A_973 : vector<16xi32>
        %jit3A = arith.constant 1 : i32
        %jit3A_975 = arith.constant 0 : i32
        %broadcast_in_dim3A_976 = vector.broadcast %jit3A : i32 to vector<16xi32>
        %broadcast_in_dim3A_977 = vector.broadcast %jit3A_975 : i32 to vector<16xi32>
        %select_n3A_978 = arith.select %eq3A_974, %broadcast_in_dim3A_976, %broadcast_in_dim3A_977 : vector<16xi1>, vector<16xi32>
        %broadcast_in_dim3A_979 = arith.constant true
        %broadcast_in_dim3A_980 = vector.broadcast %broadcast_in_dim3A_979 : i1 to vector<16xi1>
        %masked_cumsum3A = tpu.scan <sum>, %select_n3A_978 masked %broadcast_in_dim3A_980 : vector<16xi32>, vector<16xi1> -> vector<16xi32>
        %sub3A_981 = arith.subi %masked_cumsum3A, %select_n3A_978 : vector<16xi32>
        %get3A_982 = arith.constant 1 : i32
        %get3A_983 = arith.index_cast %get3A_982 : i32 to index
        %get3A_984 = memref.load %arg7[%get3A_983] : memref<4xi32, #tpu.memory_space<smem>>
        %add3A_985 = vector.broadcast %get3A_984 : i32 to vector<16xi32>
        %add3A_986 = arith.addi %sub3A_981, %add3A_985 : vector<16xi32>
        %gt3A = vector.broadcast %get3A_935 : i32 to vector<16xi32>
        %gt3A_987 = arith.cmpi sgt, %get3A_972, %gt3A : vector<16xi32>
        %get3A_988 = arith.constant 2 : i32
        %get3A_989 = arith.index_cast %get3A_988 : i32 to index
        %get3A_990 = memref.load %arg7[%get3A_989] : memref<4xi32, #tpu.memory_space<smem>>
        %lt3A = vector.broadcast %get3A_990 : i32 to vector<16xi32>
        %lt3A_991 = arith.cmpi slt, %add3A_986, %lt3A : vector<16xi32>
        %and3A = arith.andi %eq3A_974, %lt3A_991 : vector<16xi1>
        %or3A = arith.ori %gt3A_987, %and3A : vector<16xi1>
        %jit3A_992 = arith.constant 0.000000e+00 : f32
        %jit3A_993 = arith.constant 2.000000e+00 : f32
        %broadcast_in_dim3A_994 = vector.broadcast %jit3A_992 : f32 to vector<16xf32>
        %broadcast_in_dim3A_995 = vector.broadcast %jit3A_993 : f32 to vector<16xf32>
        %select_n3A_996 = arith.select %or3A, %broadcast_in_dim3A_994, %broadcast_in_dim3A_995 : vector<16xi1>, vector<16xf32>
        %mul3A_997 = arith.constant 16 : i32
        %mul3A_998 = arith.muli %add3A_968, %mul3A_997 : i32
        %swap3A_999 = arith.index_cast %mul3A_998 : i32 to index
        %swap3A_1000 = tpu.vector_load %arg5[%swap3A_999] {strides = array<i32>} : memref<2048xf32, #tpu.memory_space<vmem>>, vector<16xf32>,
        tpu.vector_store %arg5[%swap3A_999], %select_n3A_996 {strides = array<i32>} : memref<2048xf32, #tpu.memory_space<vmem>>, vector<16xf32>,
        %get3A_1001 = arith.constant 1 : i32
        %get3A_1002 = arith.index_cast %get3A_1001 : i32 to index
        %get3A_1003 = memref.load %arg7[%get3A_1002] : memref<4xi32, #tpu.memory_space<smem>>
        %reduce_sum3A_1004 = arith.constant true
        %reduce_sum3A_1005 = vector.broadcast %reduce_sum3A_1004 : i1 to vector<16xi1>
        %reduce_sum3A_1006 = tpu.scan <sum>, %select_n3A_978 masked %reduce_sum3A_1005 : vector<16xi32>, vector<16xi1> -> vector<16xi32>
        %reduce_sum3A_1007 = vector.extract %reduce_sum3A_1006[15] : i32 from vector<16xi32>
        %add3A_1008 = arith.addi %get3A_1003, %reduce_sum3A_1007 : i32
        %swap3A_1009 = arith.constant 1 : i32
        %swap3A_1010 = arith.index_cast %swap3A_1009 : i32 to index
        %swap3A_1011 = memref.load %arg7[%swap3A_1010] : memref<4xi32, #tpu.memory_space<smem>>
        memref.store %add3A_1008, %arg7[%swap3A_1010] : memref<4xi32, #tpu.memory_space<smem>>
      }
      %scan3A_963 = arith.constant 128 : i32
      tpu.enqueue_dma source(%arg5 : memref<2048xf32, #tpu.memory_space<vmem>>) target(%arg3 : memref<2048xf32, #tpu.memory_space<hbm>>) target_semaphore(%arg8 : memref<!tpu.dma_semaphore, #tpu.memory_space<semaphore_mem>>)
      tpu.wait_dma2 semaphore(%arg8 : memref<!tpu.dma_semaphore, #tpu.memory_space<semaphore_mem>>) src(%arg5 : memref<2048xf32, #tpu.memory_space<vmem>>) dst(%arg3 : memref<2048xf32, #tpu.memory_space<hbm>>)
    } else {
    }
    return
  }
}

module attributes {stable_mosaic.version = 14 : i64} {
  func.func @_cvar_kernel(%arg0: i32, %arg1: memref<16384x128xf32, #tpu.memory_space<vmem>>, %arg2: memref<1x128xf32, #tpu.memory_space<vmem>>) attributes {dimension_semantics = [#tpu.dimension_semantics<arbitrary>], iteration_bounds = array<i64: 16>, scalar_prefetch = 0 : i64, scratch_operands = 0 : i64, tpu.core_type = #tpu.core_type<tc>, window_params = [{transform_indices = @transform_0, window_bounds = array<i64: 16384, 128>}, {transform_indices = @transform_1, window_bounds = array<i64: 1, 128>}]} {
    %get3A = arith.constant 0 : index
    %get3A_0 = arith.constant 0 : index
    %get3A_1 = vector.load %arg1[%get3A, %get3A_0] : memref<16384x128xf32, #tpu.memory_space<vmem>>, vector<16384x128xf32>
    %reduce_sum3A = arith.constant dense<0.000000e+00> : vector<128xf32>
    %reduce_sum3A_2 = vector.multi_reduction <add>, %get3A_1, %reduce_sum3A [0] : vector<16384x128xf32> to vector<128xf32>
    %broadcast_in_dim3A = vector.shape_cast %reduce_sum3A_2 : vector<128xf32> to vector<1x128xf32>
    %mul3A = arith.mulf %get3A_1, %get3A_1 : vector<16384x128xf32>
    %reduce_sum3A_3 = arith.constant dense<0.000000e+00> : vector<128xf32>
    %reduce_sum3A_4 = vector.multi_reduction <add>, %mul3A, %reduce_sum3A_3 [0] : vector<16384x128xf32> to vector<128xf32>
    %broadcast_in_dim3A_5 = vector.shape_cast %reduce_sum3A_4 : vector<128xf32> to vector<1x128xf32>
    %mul3A_6 = arith.constant 6.10351563E-5 : f32
    %mul3A_7 = vector.broadcast %mul3A_6 : f32 to vector<1x128xf32>
    %mul3A_8 = arith.mulf %broadcast_in_dim3A_5, %mul3A_7 : vector<1x128xf32>
    %mul3A_9 = arith.constant 6.10351563E-5 : f32
    %mul3A_10 = vector.broadcast %mul3A_9 : f32 to vector<1x128xf32>
    %mul3A_11 = arith.mulf %broadcast_in_dim3A, %mul3A_10 : vector<1x128xf32>
    %integer_pow3A = arith.mulf %mul3A_11, %mul3A_11 : vector<1x128xf32>
    %sub3A = arith.subf %mul3A_8, %integer_pow3A : vector<1x128xf32>
    %max3A = arith.constant 0.000000e+00 : f32
    %max3A_12 = vector.broadcast %max3A : f32 to vector<1x128xf32>
    %max3A_13 = arith.maximumf %sub3A, %max3A_12 : vector<1x128xf32>
    %sqrt3A = math.sqrt %max3A_13 : vector<1x128xf32>
    %bitcast_convert_type3A = tpu.bitcast %get3A_1 : vector<16384x128xf32> -> vector<16384x128xi32>
    %shift_right_arithmetic3A = arith.constant 31 : i32
    %shift_right_arithmetic3A_14 = vector.broadcast %shift_right_arithmetic3A : i32 to vector<16384x128xi32>
    %shift_right_arithmetic3A_15 = arith.shrsi %bitcast_convert_type3A, %shift_right_arithmetic3A_14 : vector<16384x128xi32>
    %and3A = arith.constant 2147483647 : i32
    %and3A_16 = vector.broadcast %and3A : i32 to vector<16384x128xi32>
    %and3A_17 = arith.andi %shift_right_arithmetic3A_15, %and3A_16 : vector<16384x128xi32>
    %xor3A = arith.xori %bitcast_convert_type3A, %and3A_17 : vector<16384x128xi32>
    %broadcast_in_dim3A_18 = arith.constant 1.000000e+00 : bf16
    %broadcast_in_dim3A_19 = vector.broadcast %broadcast_in_dim3A_18 : bf16 to vector<1x16384xbf16>
    %broadcast_in_dim3A_20 = arith.constant -2147483648 : i32
    %broadcast_in_dim3A_21 = vector.broadcast %broadcast_in_dim3A_20 : i32 to vector<1x128xi32>
    %add3A = arith.constant -2147483648 : i32
    %add3A_22 = vector.broadcast %add3A : i32 to vector<1x128xi32>
    %add3A_23 = arith.addi %broadcast_in_dim3A_21, %add3A_22 : vector<1x128xi32>
    %lt3A = vector.broadcast %add3A_23 : vector<1x128xi32> to vector<16384x128xi32>
    %lt3A_24 = arith.cmpi slt, %xor3A, %lt3A : vector<16384x128xi32>
    %convert_element_type3A = arith.extui %lt3A_24 : vector<16384x128xi1> to vector<16384x128xi32>
    %convert_element_type3A_25 = arith.sitofp %convert_element_type3A : vector<16384x128xi32> to vector<16384x128xf32>
    %convert_element_type3A_26 = arith.truncf %convert_element_type3A_25 : vector<16384x128xf32> to vector<16384x128xbf16>
    %dot_general3A = arith.constant dense<0.000000e+00> : vector<1x128xf32>
    %dot_general3A_27 = tpu.matmul %broadcast_in_dim3A_19, %convert_element_type3A_26, %dot_general3A {dimension_numbers = #tpu.dot_dimension_numbers<[1], [0], [0], [1], [0, 0, 1, 1], [], []>, transpose_lhs_hint = false} : vector<1x16384xbf16>, vector<16384x128xbf16>, vector<1x128xf32> -> vector<1x128xf32>
    %le3A = arith.constant 8.191000e+03 : f32
    %le3A_28 = vector.broadcast %le3A : f32 to vector<1x128xf32>
    %le3A_29 = arith.cmpf ole, %dot_general3A_27, %le3A_28 : vector<1x128xf32>
    %select_n3A = arith.select %le3A_29, %add3A_23, %broadcast_in_dim3A_21 : vector<1x128xi1>, vector<1x128xi32>
    %add3A_30 = arith.constant 1073741824 : i32
    %add3A_31 = vector.broadcast %add3A_30 : i32 to vector<1x128xi32>
    %add3A_32 = arith.addi %select_n3A, %add3A_31 : vector<1x128xi32>
    %lt3A_33 = vector.broadcast %add3A_32 : vector<1x128xi32> to vector<16384x128xi32>
    %lt3A_34 = arith.cmpi slt, %xor3A, %lt3A_33 : vector<16384x128xi32>
    %convert_element_type3A_35 = arith.extui %lt3A_34 : vector<16384x128xi1> to vector<16384x128xi32>
    %convert_element_type3A_36 = arith.sitofp %convert_element_type3A_35 : vector<16384x128xi32> to vector<16384x128xf32>
    %convert_element_type3A_37 = arith.truncf %convert_element_type3A_36 : vector<16384x128xf32> to vector<16384x128xbf16>
    %dot_general3A_38 = arith.constant dense<0.000000e+00> : vector<1x128xf32>
    %dot_general3A_39 = tpu.matmul %broadcast_in_dim3A_19, %convert_element_type3A_37, %dot_general3A_38 {dimension_numbers = #tpu.dot_dimension_numbers<[1], [0], [0], [1], [0, 0, 1, 1], [], []>, transpose_lhs_hint = false} : vector<1x16384xbf16>, vector<16384x128xbf16>, vector<1x128xf32> -> vector<1x128xf32>
    %le3A_40 = arith.constant 8.191000e+03 : f32
    %le3A_41 = vector.broadcast %le3A_40 : f32 to vector<1x128xf32>
    %le3A_42 = arith.cmpf ole, %dot_general3A_39, %le3A_41 : vector<1x128xf32>
    %select_n3A_43 = arith.select %le3A_42, %add3A_32, %select_n3A : vector<1x128xi1>, vector<1x128xi32>
    %add3A_44 = arith.constant 536870912 : i32
    %add3A_45 = vector.broadcast %add3A_44 : i32 to vector<1x128xi32>
    %add3A_46 = arith.addi %select_n3A_43, %add3A_45 : vector<1x128xi32>
    %lt3A_47 = vector.broadcast %add3A_46 : vector<1x128xi32> to vector<16384x128xi32>
    %lt3A_48 = arith.cmpi slt, %xor3A, %lt3A_47 : vector<16384x128xi32>
    %convert_element_type3A_49 = arith.extui %lt3A_48 : vector<16384x128xi1> to vector<16384x128xi32>
    %convert_element_type3A_50 = arith.sitofp %convert_element_type3A_49 : vector<16384x128xi32> to vector<16384x128xf32>
    %convert_element_type3A_51 = arith.truncf %convert_element_type3A_50 : vector<16384x128xf32> to vector<16384x128xbf16>
    %dot_general3A_52 = arith.constant dense<0.000000e+00> : vector<1x128xf32>
    %dot_general3A_53 = tpu.matmul %broadcast_in_dim3A_19, %convert_element_type3A_51, %dot_general3A_52 {dimension_numbers = #tpu.dot_dimension_numbers<[1], [0], [0], [1], [0, 0, 1, 1], [], []>, transpose_lhs_hint = false} : vector<1x16384xbf16>, vector<16384x128xbf16>, vector<1x128xf32> -> vector<1x128xf32>
    %le3A_54 = arith.constant 8.191000e+03 : f32
    %le3A_55 = vector.broadcast %le3A_54 : f32 to vector<1x128xf32>
    %le3A_56 = arith.cmpf ole, %dot_general3A_53, %le3A_55 : vector<1x128xf32>
    %select_n3A_57 = arith.select %le3A_56, %add3A_46, %select_n3A_43 : vector<1x128xi1>, vector<1x128xi32>
    %add3A_58 = arith.constant 268435456 : i32
    %add3A_59 = vector.broadcast %add3A_58 : i32 to vector<1x128xi32>
    %add3A_60 = arith.addi %select_n3A_57, %add3A_59 : vector<1x128xi32>
    %lt3A_61 = vector.broadcast %add3A_60 : vector<1x128xi32> to vector<16384x128xi32>
    %lt3A_62 = arith.cmpi slt, %xor3A, %lt3A_61 : vector<16384x128xi32>
    %convert_element_type3A_63 = arith.extui %lt3A_62 : vector<16384x128xi1> to vector<16384x128xi32>
    %convert_element_type3A_64 = arith.sitofp %convert_element_type3A_63 : vector<16384x128xi32> to vector<16384x128xf32>
    %convert_element_type3A_65 = arith.truncf %convert_element_type3A_64 : vector<16384x128xf32> to vector<16384x128xbf16>
    %dot_general3A_66 = arith.constant dense<0.000000e+00> : vector<1x128xf32>
    %dot_general3A_67 = tpu.matmul %broadcast_in_dim3A_19, %convert_element_type3A_65, %dot_general3A_66 {dimension_numbers = #tpu.dot_dimension_numbers<[1], [0], [0], [1], [0, 0, 1, 1], [], []>, transpose_lhs_hint = false} : vector<1x16384xbf16>, vector<16384x128xbf16>, vector<1x128xf32> -> vector<1x128xf32>
    %le3A_68 = arith.constant 8.191000e+03 : f32
    %le3A_69 = vector.broadcast %le3A_68 : f32 to vector<1x128xf32>
    %le3A_70 = arith.cmpf ole, %dot_general3A_67, %le3A_69 : vector<1x128xf32>
    %select_n3A_71 = arith.select %le3A_70, %add3A_60, %select_n3A_57 : vector<1x128xi1>, vector<1x128xi32>
    %add3A_72 = arith.constant 134217728 : i32
    %add3A_73 = vector.broadcast %add3A_72 : i32 to vector<1x128xi32>
    %add3A_74 = arith.addi %select_n3A_71, %add3A_73 : vector<1x128xi32>
    %lt3A_75 = vector.broadcast %add3A_74 : vector<1x128xi32> to vector<16384x128xi32>
    %lt3A_76 = arith.cmpi slt, %xor3A, %lt3A_75 : vector<16384x128xi32>
    %convert_element_type3A_77 = arith.extui %lt3A_76 : vector<16384x128xi1> to vector<16384x128xi32>
    %convert_element_type3A_78 = arith.sitofp %convert_element_type3A_77 : vector<16384x128xi32> to vector<16384x128xf32>
    %convert_element_type3A_79 = arith.truncf %convert_element_type3A_78 : vector<16384x128xf32> to vector<16384x128xbf16>
    %dot_general3A_80 = arith.constant dense<0.000000e+00> : vector<1x128xf32>
    %dot_general3A_81 = tpu.matmul %broadcast_in_dim3A_19, %convert_element_type3A_79, %dot_general3A_80 {dimension_numbers = #tpu.dot_dimension_numbers<[1], [0], [0], [1], [0, 0, 1, 1], [], []>, transpose_lhs_hint = false} : vector<1x16384xbf16>, vector<16384x128xbf16>, vector<1x128xf32> -> vector<1x128xf32>
    %le3A_82 = arith.constant 8.191000e+03 : f32
    %le3A_83 = vector.broadcast %le3A_82 : f32 to vector<1x128xf32>
    %le3A_84 = arith.cmpf ole, %dot_general3A_81, %le3A_83 : vector<1x128xf32>
    %select_n3A_85 = arith.select %le3A_84, %add3A_74, %select_n3A_71 : vector<1x128xi1>, vector<1x128xi32>
    %add3A_86 = arith.constant 67108864 : i32
    %add3A_87 = vector.broadcast %add3A_86 : i32 to vector<1x128xi32>
    %add3A_88 = arith.addi %select_n3A_85, %add3A_87 : vector<1x128xi32>
    %lt3A_89 = vector.broadcast %add3A_88 : vector<1x128xi32> to vector<16384x128xi32>
    %lt3A_90 = arith.cmpi slt, %xor3A, %lt3A_89 : vector<16384x128xi32>
    %convert_element_type3A_91 = arith.extui %lt3A_90 : vector<16384x128xi1> to vector<16384x128xi32>
    %convert_element_type3A_92 = arith.sitofp %convert_element_type3A_91 : vector<16384x128xi32> to vector<16384x128xf32>
    %convert_element_type3A_93 = arith.truncf %convert_element_type3A_92 : vector<16384x128xf32> to vector<16384x128xbf16>
    %dot_general3A_94 = arith.constant dense<0.000000e+00> : vector<1x128xf32>
    %dot_general3A_95 = tpu.matmul %broadcast_in_dim3A_19, %convert_element_type3A_93, %dot_general3A_94 {dimension_numbers = #tpu.dot_dimension_numbers<[1], [0], [0], [1], [0, 0, 1, 1], [], []>, transpose_lhs_hint = false} : vector<1x16384xbf16>, vector<16384x128xbf16>, vector<1x128xf32> -> vector<1x128xf32>
    %le3A_96 = arith.constant 8.191000e+03 : f32
    %le3A_97 = vector.broadcast %le3A_96 : f32 to vector<1x128xf32>
    %le3A_98 = arith.cmpf ole, %dot_general3A_95, %le3A_97 : vector<1x128xf32>
    %select_n3A_99 = arith.select %le3A_98, %add3A_88, %select_n3A_85 : vector<1x128xi1>, vector<1x128xi32>
    %add3A_100 = arith.constant 33554432 : i32
    %add3A_101 = vector.broadcast %add3A_100 : i32 to vector<1x128xi32>
    %add3A_102 = arith.addi %select_n3A_99, %add3A_101 : vector<1x128xi32>
    %lt3A_103 = vector.broadcast %add3A_102 : vector<1x128xi32> to vector<16384x128xi32>
    %lt3A_104 = arith.cmpi slt, %xor3A, %lt3A_103 : vector<16384x128xi32>
    %convert_element_type3A_105 = arith.extui %lt3A_104 : vector<16384x128xi1> to vector<16384x128xi32>
    %convert_element_type3A_106 = arith.sitofp %convert_element_type3A_105 : vector<16384x128xi32> to vector<16384x128xf32>
    %convert_element_type3A_107 = arith.truncf %convert_element_type3A_106 : vector<16384x128xf32> to vector<16384x128xbf16>
    %dot_general3A_108 = arith.constant dense<0.000000e+00> : vector<1x128xf32>
    %dot_general3A_109 = tpu.matmul %broadcast_in_dim3A_19, %convert_element_type3A_107, %dot_general3A_108 {dimension_numbers = #tpu.dot_dimension_numbers<[1], [0], [0], [1], [0, 0, 1, 1], [], []>, transpose_lhs_hint = false} : vector<1x16384xbf16>, vector<16384x128xbf16>, vector<1x128xf32> -> vector<1x128xf32>
    %le3A_110 = arith.constant 8.191000e+03 : f32
    %le3A_111 = vector.broadcast %le3A_110 : f32 to vector<1x128xf32>
    %le3A_112 = arith.cmpf ole, %dot_general3A_109, %le3A_111 : vector<1x128xf32>
    %select_n3A_113 = arith.select %le3A_112, %add3A_102, %select_n3A_99 : vector<1x128xi1>, vector<1x128xi32>
    %add3A_114 = arith.constant 16777216 : i32
    %add3A_115 = vector.broadcast %add3A_114 : i32 to vector<1x128xi32>
    %add3A_116 = arith.addi %select_n3A_113, %add3A_115 : vector<1x128xi32>
    %lt3A_117 = vector.broadcast %add3A_116 : vector<1x128xi32> to vector<16384x128xi32>
    %lt3A_118 = arith.cmpi slt, %xor3A, %lt3A_117 : vector<16384x128xi32>
    %convert_element_type3A_119 = arith.extui %lt3A_118 : vector<16384x128xi1> to vector<16384x128xi32>
    %convert_element_type3A_120 = arith.sitofp %convert_element_type3A_119 : vector<16384x128xi32> to vector<16384x128xf32>
    %convert_element_type3A_121 = arith.truncf %convert_element_type3A_120 : vector<16384x128xf32> to vector<16384x128xbf16>
    %dot_general3A_122 = arith.constant dense<0.000000e+00> : vector<1x128xf32>
    %dot_general3A_123 = tpu.matmul %broadcast_in_dim3A_19, %convert_element_type3A_121, %dot_general3A_122 {dimension_numbers = #tpu.dot_dimension_numbers<[1], [0], [0], [1], [0, 0, 1, 1], [], []>, transpose_lhs_hint = false} : vector<1x16384xbf16>, vector<16384x128xbf16>, vector<1x128xf32> -> vector<1x128xf32>
    %le3A_124 = arith.constant 8.191000e+03 : f32
    %le3A_125 = vector.broadcast %le3A_124 : f32 to vector<1x128xf32>
    %le3A_126 = arith.cmpf ole, %dot_general3A_123, %le3A_125 : vector<1x128xf32>
    %select_n3A_127 = arith.select %le3A_126, %add3A_116, %select_n3A_113 : vector<1x128xi1>, vector<1x128xi32>
    %add3A_128 = arith.constant 8388608 : i32
    %add3A_129 = vector.broadcast %add3A_128 : i32 to vector<1x128xi32>
    %add3A_130 = arith.addi %select_n3A_127, %add3A_129 : vector<1x128xi32>
    %lt3A_131 = vector.broadcast %add3A_130 : vector<1x128xi32> to vector<16384x128xi32>
    %lt3A_132 = arith.cmpi slt, %xor3A, %lt3A_131 : vector<16384x128xi32>
    %convert_element_type3A_133 = arith.extui %lt3A_132 : vector<16384x128xi1> to vector<16384x128xi32>
    %convert_element_type3A_134 = arith.sitofp %convert_element_type3A_133 : vector<16384x128xi32> to vector<16384x128xf32>
    %convert_element_type3A_135 = arith.truncf %convert_element_type3A_134 : vector<16384x128xf32> to vector<16384x128xbf16>
    %dot_general3A_136 = arith.constant dense<0.000000e+00> : vector<1x128xf32>
    %dot_general3A_137 = tpu.matmul %broadcast_in_dim3A_19, %convert_element_type3A_135, %dot_general3A_136 {dimension_numbers = #tpu.dot_dimension_numbers<[1], [0], [0], [1], [0, 0, 1, 1], [], []>, transpose_lhs_hint = false} : vector<1x16384xbf16>, vector<16384x128xbf16>, vector<1x128xf32> -> vector<1x128xf32>
    %le3A_138 = arith.constant 8.191000e+03 : f32
    %le3A_139 = vector.broadcast %le3A_138 : f32 to vector<1x128xf32>
    %le3A_140 = arith.cmpf ole, %dot_general3A_137, %le3A_139 : vector<1x128xf32>
    %select_n3A_141 = arith.select %le3A_140, %add3A_130, %select_n3A_127 : vector<1x128xi1>, vector<1x128xi32>
    %add3A_142 = arith.constant 4194304 : i32
    %add3A_143 = vector.broadcast %add3A_142 : i32 to vector<1x128xi32>
    %add3A_144 = arith.addi %select_n3A_141, %add3A_143 : vector<1x128xi32>
    %lt3A_145 = vector.broadcast %add3A_144 : vector<1x128xi32> to vector<16384x128xi32>
    %lt3A_146 = arith.cmpi slt, %xor3A, %lt3A_145 : vector<16384x128xi32>
    %convert_element_type3A_147 = arith.extui %lt3A_146 : vector<16384x128xi1> to vector<16384x128xi32>
    %convert_element_type3A_148 = arith.sitofp %convert_element_type3A_147 : vector<16384x128xi32> to vector<16384x128xf32>
    %convert_element_type3A_149 = arith.truncf %convert_element_type3A_148 : vector<16384x128xf32> to vector<16384x128xbf16>
    %dot_general3A_150 = arith.constant dense<0.000000e+00> : vector<1x128xf32>
    %dot_general3A_151 = tpu.matmul %broadcast_in_dim3A_19, %convert_element_type3A_149, %dot_general3A_150 {dimension_numbers = #tpu.dot_dimension_numbers<[1], [0], [0], [1], [0, 0, 1, 1], [], []>, transpose_lhs_hint = false} : vector<1x16384xbf16>, vector<16384x128xbf16>, vector<1x128xf32> -> vector<1x128xf32>
    %le3A_152 = arith.constant 8.191000e+03 : f32
    %le3A_153 = vector.broadcast %le3A_152 : f32 to vector<1x128xf32>
    %le3A_154 = arith.cmpf ole, %dot_general3A_151, %le3A_153 : vector<1x128xf32>
    %select_n3A_155 = arith.select %le3A_154, %add3A_144, %select_n3A_141 : vector<1x128xi1>, vector<1x128xi32>
    %add3A_156 = arith.constant 2097152 : i32
    %add3A_157 = vector.broadcast %add3A_156 : i32 to vector<1x128xi32>
    %add3A_158 = arith.addi %select_n3A_155, %add3A_157 : vector<1x128xi32>
    %lt3A_159 = vector.broadcast %add3A_158 : vector<1x128xi32> to vector<16384x128xi32>
    %lt3A_160 = arith.cmpi slt, %xor3A, %lt3A_159 : vector<16384x128xi32>
    %convert_element_type3A_161 = arith.extui %lt3A_160 : vector<16384x128xi1> to vector<16384x128xi32>
    %convert_element_type3A_162 = arith.sitofp %convert_element_type3A_161 : vector<16384x128xi32> to vector<16384x128xf32>
    %convert_element_type3A_163 = arith.truncf %convert_element_type3A_162 : vector<16384x128xf32> to vector<16384x128xbf16>
    %dot_general3A_164 = arith.constant dense<0.000000e+00> : vector<1x128xf32>
    %dot_general3A_165 = tpu.matmul %broadcast_in_dim3A_19, %convert_element_type3A_163, %dot_general3A_164 {dimension_numbers = #tpu.dot_dimension_numbers<[1], [0], [0], [1], [0, 0, 1, 1], [], []>, transpose_lhs_hint = false} : vector<1x16384xbf16>, vector<16384x128xbf16>, vector<1x128xf32> -> vector<1x128xf32>
    %le3A_166 = arith.constant 8.191000e+03 : f32
    %le3A_167 = vector.broadcast %le3A_166 : f32 to vector<1x128xf32>
    %le3A_168 = arith.cmpf ole, %dot_general3A_165, %le3A_167 : vector<1x128xf32>
    %select_n3A_169 = arith.select %le3A_168, %add3A_158, %select_n3A_155 : vector<1x128xi1>, vector<1x128xi32>
    %add3A_170 = arith.constant 1048576 : i32
    %add3A_171 = vector.broadcast %add3A_170 : i32 to vector<1x128xi32>
    %add3A_172 = arith.addi %select_n3A_169, %add3A_171 : vector<1x128xi32>
    %lt3A_173 = vector.broadcast %add3A_172 : vector<1x128xi32> to vector<16384x128xi32>
    %lt3A_174 = arith.cmpi slt, %xor3A, %lt3A_173 : vector<16384x128xi32>
    %convert_element_type3A_175 = arith.extui %lt3A_174 : vector<16384x128xi1> to vector<16384x128xi32>
    %convert_element_type3A_176 = arith.sitofp %convert_element_type3A_175 : vector<16384x128xi32> to vector<16384x128xf32>
    %convert_element_type3A_177 = arith.truncf %convert_element_type3A_176 : vector<16384x128xf32> to vector<16384x128xbf16>
    %dot_general3A_178 = arith.constant dense<0.000000e+00> : vector<1x128xf32>
    %dot_general3A_179 = tpu.matmul %broadcast_in_dim3A_19, %convert_element_type3A_177, %dot_general3A_178 {dimension_numbers = #tpu.dot_dimension_numbers<[1], [0], [0], [1], [0, 0, 1, 1], [], []>, transpose_lhs_hint = false} : vector<1x16384xbf16>, vector<16384x128xbf16>, vector<1x128xf32> -> vector<1x128xf32>
    %le3A_180 = arith.constant 8.191000e+03 : f32
    %le3A_181 = vector.broadcast %le3A_180 : f32 to vector<1x128xf32>
    %le3A_182 = arith.cmpf ole, %dot_general3A_179, %le3A_181 : vector<1x128xf32>
    %select_n3A_183 = arith.select %le3A_182, %add3A_172, %select_n3A_169 : vector<1x128xi1>, vector<1x128xi32>
    %add3A_184 = arith.constant 524288 : i32
    %add3A_185 = vector.broadcast %add3A_184 : i32 to vector<1x128xi32>
    %add3A_186 = arith.addi %select_n3A_183, %add3A_185 : vector<1x128xi32>
    %lt3A_187 = vector.broadcast %add3A_186 : vector<1x128xi32> to vector<16384x128xi32>
    %lt3A_188 = arith.cmpi slt, %xor3A, %lt3A_187 : vector<16384x128xi32>
    %convert_element_type3A_189 = arith.extui %lt3A_188 : vector<16384x128xi1> to vector<16384x128xi32>
    %convert_element_type3A_190 = arith.sitofp %convert_element_type3A_189 : vector<16384x128xi32> to vector<16384x128xf32>
    %convert_element_type3A_191 = arith.truncf %convert_element_type3A_190 : vector<16384x128xf32> to vector<16384x128xbf16>
    %dot_general3A_192 = arith.constant dense<0.000000e+00> : vector<1x128xf32>
    %dot_general3A_193 = tpu.matmul %broadcast_in_dim3A_19, %convert_element_type3A_191, %dot_general3A_192 {dimension_numbers = #tpu.dot_dimension_numbers<[1], [0], [0], [1], [0, 0, 1, 1], [], []>, transpose_lhs_hint = false} : vector<1x16384xbf16>, vector<16384x128xbf16>, vector<1x128xf32> -> vector<1x128xf32>
    %le3A_194 = arith.constant 8.191000e+03 : f32
    %le3A_195 = vector.broadcast %le3A_194 : f32 to vector<1x128xf32>
    %le3A_196 = arith.cmpf ole, %dot_general3A_193, %le3A_195 : vector<1x128xf32>
    %select_n3A_197 = arith.select %le3A_196, %add3A_186, %select_n3A_183 : vector<1x128xi1>, vector<1x128xi32>
    %add3A_198 = arith.constant 262144 : i32
    %add3A_199 = vector.broadcast %add3A_198 : i32 to vector<1x128xi32>
    %add3A_200 = arith.addi %select_n3A_197, %add3A_199 : vector<1x128xi32>
    %lt3A_201 = vector.broadcast %add3A_200 : vector<1x128xi32> to vector<16384x128xi32>
    %lt3A_202 = arith.cmpi slt, %xor3A, %lt3A_201 : vector<16384x128xi32>
    %convert_element_type3A_203 = arith.extui %lt3A_202 : vector<16384x128xi1> to vector<16384x128xi32>
    %convert_element_type3A_204 = arith.sitofp %convert_element_type3A_203 : vector<16384x128xi32> to vector<16384x128xf32>
    %convert_element_type3A_205 = arith.truncf %convert_element_type3A_204 : vector<16384x128xf32> to vector<16384x128xbf16>
    %dot_general3A_206 = arith.constant dense<0.000000e+00> : vector<1x128xf32>
    %dot_general3A_207 = tpu.matmul %broadcast_in_dim3A_19, %convert_element_type3A_205, %dot_general3A_206 {dimension_numbers = #tpu.dot_dimension_numbers<[1], [0], [0], [1], [0, 0, 1, 1], [], []>, transpose_lhs_hint = false} : vector<1x16384xbf16>, vector<16384x128xbf16>, vector<1x128xf32> -> vector<1x128xf32>
    %le3A_208 = arith.constant 8.191000e+03 : f32
    %le3A_209 = vector.broadcast %le3A_208 : f32 to vector<1x128xf32>
    %le3A_210 = arith.cmpf ole, %dot_general3A_207, %le3A_209 : vector<1x128xf32>
    %select_n3A_211 = arith.select %le3A_210, %add3A_200, %select_n3A_197 : vector<1x128xi1>, vector<1x128xi32>
    %add3A_212 = arith.constant 131072 : i32
    %add3A_213 = vector.broadcast %add3A_212 : i32 to vector<1x128xi32>
    %add3A_214 = arith.addi %select_n3A_211, %add3A_213 : vector<1x128xi32>
    %lt3A_215 = vector.broadcast %add3A_214 : vector<1x128xi32> to vector<16384x128xi32>
    %lt3A_216 = arith.cmpi slt, %xor3A, %lt3A_215 : vector<16384x128xi32>
    %convert_element_type3A_217 = arith.extui %lt3A_216 : vector<16384x128xi1> to vector<16384x128xi32>
    %convert_element_type3A_218 = arith.sitofp %convert_element_type3A_217 : vector<16384x128xi32> to vector<16384x128xf32>
    %convert_element_type3A_219 = arith.truncf %convert_element_type3A_218 : vector<16384x128xf32> to vector<16384x128xbf16>
    %dot_general3A_220 = arith.constant dense<0.000000e+00> : vector<1x128xf32>
    %dot_general3A_221 = tpu.matmul %broadcast_in_dim3A_19, %convert_element_type3A_219, %dot_general3A_220 {dimension_numbers = #tpu.dot_dimension_numbers<[1], [0], [0], [1], [0, 0, 1, 1], [], []>, transpose_lhs_hint = false} : vector<1x16384xbf16>, vector<16384x128xbf16>, vector<1x128xf32> -> vector<1x128xf32>
    %le3A_222 = arith.constant 8.191000e+03 : f32
    %le3A_223 = vector.broadcast %le3A_222 : f32 to vector<1x128xf32>
    %le3A_224 = arith.cmpf ole, %dot_general3A_221, %le3A_223 : vector<1x128xf32>
    %select_n3A_225 = arith.select %le3A_224, %add3A_214, %select_n3A_211 : vector<1x128xi1>, vector<1x128xi32>
    %add3A_226 = arith.constant 65536 : i32
    %add3A_227 = vector.broadcast %add3A_226 : i32 to vector<1x128xi32>
    %add3A_228 = arith.addi %select_n3A_225, %add3A_227 : vector<1x128xi32>
    %lt3A_229 = vector.broadcast %add3A_228 : vector<1x128xi32> to vector<16384x128xi32>
    %lt3A_230 = arith.cmpi slt, %xor3A, %lt3A_229 : vector<16384x128xi32>
    %convert_element_type3A_231 = arith.extui %lt3A_230 : vector<16384x128xi1> to vector<16384x128xi32>
    %convert_element_type3A_232 = arith.sitofp %convert_element_type3A_231 : vector<16384x128xi32> to vector<16384x128xf32>
    %convert_element_type3A_233 = arith.truncf %convert_element_type3A_232 : vector<16384x128xf32> to vector<16384x128xbf16>
    %dot_general3A_234 = arith.constant dense<0.000000e+00> : vector<1x128xf32>
    %dot_general3A_235 = tpu.matmul %broadcast_in_dim3A_19, %convert_element_type3A_233, %dot_general3A_234 {dimension_numbers = #tpu.dot_dimension_numbers<[1], [0], [0], [1], [0, 0, 1, 1], [], []>, transpose_lhs_hint = false} : vector<1x16384xbf16>, vector<16384x128xbf16>, vector<1x128xf32> -> vector<1x128xf32>
    %le3A_236 = arith.constant 8.191000e+03 : f32
    %le3A_237 = vector.broadcast %le3A_236 : f32 to vector<1x128xf32>
    %le3A_238 = arith.cmpf ole, %dot_general3A_235, %le3A_237 : vector<1x128xf32>
    %select_n3A_239 = arith.select %le3A_238, %add3A_228, %select_n3A_225 : vector<1x128xi1>, vector<1x128xi32>
    %add3A_240 = arith.constant 32768 : i32
    %add3A_241 = vector.broadcast %add3A_240 : i32 to vector<1x128xi32>
    %add3A_242 = arith.addi %select_n3A_239, %add3A_241 : vector<1x128xi32>
    %lt3A_243 = vector.broadcast %add3A_242 : vector<1x128xi32> to vector<16384x128xi32>
    %lt3A_244 = arith.cmpi slt, %xor3A, %lt3A_243 : vector<16384x128xi32>
    %convert_element_type3A_245 = arith.extui %lt3A_244 : vector<16384x128xi1> to vector<16384x128xi32>
    %convert_element_type3A_246 = arith.sitofp %convert_element_type3A_245 : vector<16384x128xi32> to vector<16384x128xf32>
    %convert_element_type3A_247 = arith.truncf %convert_element_type3A_246 : vector<16384x128xf32> to vector<16384x128xbf16>
    %dot_general3A_248 = arith.constant dense<0.000000e+00> : vector<1x128xf32>
    %dot_general3A_249 = tpu.matmul %broadcast_in_dim3A_19, %convert_element_type3A_247, %dot_general3A_248 {dimension_numbers = #tpu.dot_dimension_numbers<[1], [0], [0], [1], [0, 0, 1, 1], [], []>, transpose_lhs_hint = false} : vector<1x16384xbf16>, vector<16384x128xbf16>, vector<1x128xf32> -> vector<1x128xf32>
    %le3A_250 = arith.constant 8.191000e+03 : f32
    %le3A_251 = vector.broadcast %le3A_250 : f32 to vector<1x128xf32>
    %le3A_252 = arith.cmpf ole, %dot_general3A_249, %le3A_251 : vector<1x128xf32>
    %select_n3A_253 = arith.select %le3A_252, %add3A_242, %select_n3A_239 : vector<1x128xi1>, vector<1x128xi32>
    %add3A_254 = arith.constant 16384 : i32
    %add3A_255 = vector.broadcast %add3A_254 : i32 to vector<1x128xi32>
    %add3A_256 = arith.addi %select_n3A_253, %add3A_255 : vector<1x128xi32>
    %lt3A_257 = vector.broadcast %add3A_256 : vector<1x128xi32> to vector<16384x128xi32>
    %lt3A_258 = arith.cmpi slt, %xor3A, %lt3A_257 : vector<16384x128xi32>
    %convert_element_type3A_259 = arith.extui %lt3A_258 : vector<16384x128xi1> to vector<16384x128xi32>
    %convert_element_type3A_260 = arith.sitofp %convert_element_type3A_259 : vector<16384x128xi32> to vector<16384x128xf32>
    %convert_element_type3A_261 = arith.truncf %convert_element_type3A_260 : vector<16384x128xf32> to vector<16384x128xbf16>
    %dot_general3A_262 = arith.constant dense<0.000000e+00> : vector<1x128xf32>
    %dot_general3A_263 = tpu.matmul %broadcast_in_dim3A_19, %convert_element_type3A_261, %dot_general3A_262 {dimension_numbers = #tpu.dot_dimension_numbers<[1], [0], [0], [1], [0, 0, 1, 1], [], []>, transpose_lhs_hint = false} : vector<1x16384xbf16>, vector<16384x128xbf16>, vector<1x128xf32> -> vector<1x128xf32>
    %le3A_264 = arith.constant 8.191000e+03 : f32
    %le3A_265 = vector.broadcast %le3A_264 : f32 to vector<1x128xf32>
    %le3A_266 = arith.cmpf ole, %dot_general3A_263, %le3A_265 : vector<1x128xf32>
    %select_n3A_267 = arith.select %le3A_266, %add3A_256, %select_n3A_253 : vector<1x128xi1>, vector<1x128xi32>
    %add3A_268 = arith.constant 8192 : i32
    %add3A_269 = vector.broadcast %add3A_268 : i32 to vector<1x128xi32>
    %add3A_270 = arith.addi %select_n3A_267, %add3A_269 : vector<1x128xi32>
    %lt3A_271 = vector.broadcast %add3A_270 : vector<1x128xi32> to vector<16384x128xi32>
    %lt3A_272 = arith.cmpi slt, %xor3A, %lt3A_271 : vector<16384x128xi32>
    %convert_element_type3A_273 = arith.extui %lt3A_272 : vector<16384x128xi1> to vector<16384x128xi32>
    %convert_element_type3A_274 = arith.sitofp %convert_element_type3A_273 : vector<16384x128xi32> to vector<16384x128xf32>
    %convert_element_type3A_275 = arith.truncf %convert_element_type3A_274 : vector<16384x128xf32> to vector<16384x128xbf16>
    %dot_general3A_276 = arith.constant dense<0.000000e+00> : vector<1x128xf32>
    %dot_general3A_277 = tpu.matmul %broadcast_in_dim3A_19, %convert_element_type3A_275, %dot_general3A_276 {dimension_numbers = #tpu.dot_dimension_numbers<[1], [0], [0], [1], [0, 0, 1, 1], [], []>, transpose_lhs_hint = false} : vector<1x16384xbf16>, vector<16384x128xbf16>, vector<1x128xf32> -> vector<1x128xf32>
    %le3A_278 = arith.constant 8.191000e+03 : f32
    %le3A_279 = vector.broadcast %le3A_278 : f32 to vector<1x128xf32>
    %le3A_280 = arith.cmpf ole, %dot_general3A_277, %le3A_279 : vector<1x128xf32>
    %select_n3A_281 = arith.select %le3A_280, %add3A_270, %select_n3A_267 : vector<1x128xi1>, vector<1x128xi32>
    %add3A_282 = arith.constant 4096 : i32
    %add3A_283 = vector.broadcast %add3A_282 : i32 to vector<1x128xi32>
    %add3A_284 = arith.addi %select_n3A_281, %add3A_283 : vector<1x128xi32>
    %lt3A_285 = vector.broadcast %add3A_284 : vector<1x128xi32> to vector<16384x128xi32>
    %lt3A_286 = arith.cmpi slt, %xor3A, %lt3A_285 : vector<16384x128xi32>
    %convert_element_type3A_287 = arith.extui %lt3A_286 : vector<16384x128xi1> to vector<16384x128xi32>
    %convert_element_type3A_288 = arith.sitofp %convert_element_type3A_287 : vector<16384x128xi32> to vector<16384x128xf32>
    %convert_element_type3A_289 = arith.truncf %convert_element_type3A_288 : vector<16384x128xf32> to vector<16384x128xbf16>
    %dot_general3A_290 = arith.constant dense<0.000000e+00> : vector<1x128xf32>
    %dot_general3A_291 = tpu.matmul %broadcast_in_dim3A_19, %convert_element_type3A_289, %dot_general3A_290 {dimension_numbers = #tpu.dot_dimension_numbers<[1], [0], [0], [1], [0, 0, 1, 1], [], []>, transpose_lhs_hint = false} : vector<1x16384xbf16>, vector<16384x128xbf16>, vector<1x128xf32> -> vector<1x128xf32>
    %le3A_292 = arith.constant 8.191000e+03 : f32
    %le3A_293 = vector.broadcast %le3A_292 : f32 to vector<1x128xf32>
    %le3A_294 = arith.cmpf ole, %dot_general3A_291, %le3A_293 : vector<1x128xf32>
    %select_n3A_295 = arith.select %le3A_294, %add3A_284, %select_n3A_281 : vector<1x128xi1>, vector<1x128xi32>
    %add3A_296 = arith.constant 2048 : i32
    %add3A_297 = vector.broadcast %add3A_296 : i32 to vector<1x128xi32>
    %add3A_298 = arith.addi %select_n3A_295, %add3A_297 : vector<1x128xi32>
    %lt3A_299 = vector.broadcast %add3A_298 : vector<1x128xi32> to vector<16384x128xi32>
    %lt3A_300 = arith.cmpi slt, %xor3A, %lt3A_299 : vector<16384x128xi32>
    %convert_element_type3A_301 = arith.extui %lt3A_300 : vector<16384x128xi1> to vector<16384x128xi32>
    %convert_element_type3A_302 = arith.sitofp %convert_element_type3A_301 : vector<16384x128xi32> to vector<16384x128xf32>
    %convert_element_type3A_303 = arith.truncf %convert_element_type3A_302 : vector<16384x128xf32> to vector<16384x128xbf16>
    %dot_general3A_304 = arith.constant dense<0.000000e+00> : vector<1x128xf32>
    %dot_general3A_305 = tpu.matmul %broadcast_in_dim3A_19, %convert_element_type3A_303, %dot_general3A_304 {dimension_numbers = #tpu.dot_dimension_numbers<[1], [0], [0], [1], [0, 0, 1, 1], [], []>, transpose_lhs_hint = false} : vector<1x16384xbf16>, vector<16384x128xbf16>, vector<1x128xf32> -> vector<1x128xf32>
    %le3A_306 = arith.constant 8.191000e+03 : f32
    %le3A_307 = vector.broadcast %le3A_306 : f32 to vector<1x128xf32>
    %le3A_308 = arith.cmpf ole, %dot_general3A_305, %le3A_307 : vector<1x128xf32>
    %select_n3A_309 = arith.select %le3A_308, %add3A_298, %select_n3A_295 : vector<1x128xi1>, vector<1x128xi32>
    %add3A_310 = arith.constant 1024 : i32
    %add3A_311 = vector.broadcast %add3A_310 : i32 to vector<1x128xi32>
    %add3A_312 = arith.addi %select_n3A_309, %add3A_311 : vector<1x128xi32>
    %lt3A_313 = vector.broadcast %add3A_312 : vector<1x128xi32> to vector<16384x128xi32>
    %lt3A_314 = arith.cmpi slt, %xor3A, %lt3A_313 : vector<16384x128xi32>
    %convert_element_type3A_315 = arith.extui %lt3A_314 : vector<16384x128xi1> to vector<16384x128xi32>
    %convert_element_type3A_316 = arith.sitofp %convert_element_type3A_315 : vector<16384x128xi32> to vector<16384x128xf32>
    %convert_element_type3A_317 = arith.truncf %convert_element_type3A_316 : vector<16384x128xf32> to vector<16384x128xbf16>
    %dot_general3A_318 = arith.constant dense<0.000000e+00> : vector<1x128xf32>
    %dot_general3A_319 = tpu.matmul %broadcast_in_dim3A_19, %convert_element_type3A_317, %dot_general3A_318 {dimension_numbers = #tpu.dot_dimension_numbers<[1], [0], [0], [1], [0, 0, 1, 1], [], []>, transpose_lhs_hint = false} : vector<1x16384xbf16>, vector<16384x128xbf16>, vector<1x128xf32> -> vector<1x128xf32>
    %le3A_320 = arith.constant 8.191000e+03 : f32
    %le3A_321 = vector.broadcast %le3A_320 : f32 to vector<1x128xf32>
    %le3A_322 = arith.cmpf ole, %dot_general3A_319, %le3A_321 : vector<1x128xf32>
    %select_n3A_323 = arith.select %le3A_322, %add3A_312, %select_n3A_309 : vector<1x128xi1>, vector<1x128xi32>
    %add3A_324 = arith.constant 512 : i32
    %add3A_325 = vector.broadcast %add3A_324 : i32 to vector<1x128xi32>
    %add3A_326 = arith.addi %select_n3A_323, %add3A_325 : vector<1x128xi32>
    %lt3A_327 = vector.broadcast %add3A_326 : vector<1x128xi32> to vector<16384x128xi32>
    %lt3A_328 = arith.cmpi slt, %xor3A, %lt3A_327 : vector<16384x128xi32>
    %convert_element_type3A_329 = arith.extui %lt3A_328 : vector<16384x128xi1> to vector<16384x128xi32>
    %convert_element_type3A_330 = arith.sitofp %convert_element_type3A_329 : vector<16384x128xi32> to vector<16384x128xf32>
    %convert_element_type3A_331 = arith.truncf %convert_element_type3A_330 : vector<16384x128xf32> to vector<16384x128xbf16>
    %dot_general3A_332 = arith.constant dense<0.000000e+00> : vector<1x128xf32>
    %dot_general3A_333 = tpu.matmul %broadcast_in_dim3A_19, %convert_element_type3A_331, %dot_general3A_332 {dimension_numbers = #tpu.dot_dimension_numbers<[1], [0], [0], [1], [0, 0, 1, 1], [], []>, transpose_lhs_hint = false} : vector<1x16384xbf16>, vector<16384x128xbf16>, vector<1x128xf32> -> vector<1x128xf32>
    %le3A_334 = arith.constant 8.191000e+03 : f32
    %le3A_335 = vector.broadcast %le3A_334 : f32 to vector<1x128xf32>
    %le3A_336 = arith.cmpf ole, %dot_general3A_333, %le3A_335 : vector<1x128xf32>
    %select_n3A_337 = arith.select %le3A_336, %add3A_326, %select_n3A_323 : vector<1x128xi1>, vector<1x128xi32>
    %add3A_338 = arith.constant 256 : i32
    %add3A_339 = vector.broadcast %add3A_338 : i32 to vector<1x128xi32>
    %add3A_340 = arith.addi %select_n3A_337, %add3A_339 : vector<1x128xi32>
    %lt3A_341 = vector.broadcast %add3A_340 : vector<1x128xi32> to vector<16384x128xi32>
    %lt3A_342 = arith.cmpi slt, %xor3A, %lt3A_341 : vector<16384x128xi32>
    %convert_element_type3A_343 = arith.extui %lt3A_342 : vector<16384x128xi1> to vector<16384x128xi32>
    %convert_element_type3A_344 = arith.sitofp %convert_element_type3A_343 : vector<16384x128xi32> to vector<16384x128xf32>
    %convert_element_type3A_345 = arith.truncf %convert_element_type3A_344 : vector<16384x128xf32> to vector<16384x128xbf16>
    %dot_general3A_346 = arith.constant dense<0.000000e+00> : vector<1x128xf32>
    %dot_general3A_347 = tpu.matmul %broadcast_in_dim3A_19, %convert_element_type3A_345, %dot_general3A_346 {dimension_numbers = #tpu.dot_dimension_numbers<[1], [0], [0], [1], [0, 0, 1, 1], [], []>, transpose_lhs_hint = false} : vector<1x16384xbf16>, vector<16384x128xbf16>, vector<1x128xf32> -> vector<1x128xf32>
    %le3A_348 = arith.constant 8.191000e+03 : f32
    %le3A_349 = vector.broadcast %le3A_348 : f32 to vector<1x128xf32>
    %le3A_350 = arith.cmpf ole, %dot_general3A_347, %le3A_349 : vector<1x128xf32>
    %select_n3A_351 = arith.select %le3A_350, %add3A_340, %select_n3A_337 : vector<1x128xi1>, vector<1x128xi32>
    %add3A_352 = arith.constant 128 : i32
    %add3A_353 = vector.broadcast %add3A_352 : i32 to vector<1x128xi32>
    %add3A_354 = arith.addi %select_n3A_351, %add3A_353 : vector<1x128xi32>
    %lt3A_355 = vector.broadcast %add3A_354 : vector<1x128xi32> to vector<16384x128xi32>
    %lt3A_356 = arith.cmpi slt, %xor3A, %lt3A_355 : vector<16384x128xi32>
    %convert_element_type3A_357 = arith.extui %lt3A_356 : vector<16384x128xi1> to vector<16384x128xi32>
    %convert_element_type3A_358 = arith.sitofp %convert_element_type3A_357 : vector<16384x128xi32> to vector<16384x128xf32>
    %convert_element_type3A_359 = arith.truncf %convert_element_type3A_358 : vector<16384x128xf32> to vector<16384x128xbf16>
    %dot_general3A_360 = arith.constant dense<0.000000e+00> : vector<1x128xf32>
    %dot_general3A_361 = tpu.matmul %broadcast_in_dim3A_19, %convert_element_type3A_359, %dot_general3A_360 {dimension_numbers = #tpu.dot_dimension_numbers<[1], [0], [0], [1], [0, 0, 1, 1], [], []>, transpose_lhs_hint = false} : vector<1x16384xbf16>, vector<16384x128xbf16>, vector<1x128xf32> -> vector<1x128xf32>
    %le3A_362 = arith.constant 8.191000e+03 : f32
    %le3A_363 = vector.broadcast %le3A_362 : f32 to vector<1x128xf32>
    %le3A_364 = arith.cmpf ole, %dot_general3A_361, %le3A_363 : vector<1x128xf32>
    %select_n3A_365 = arith.select %le3A_364, %add3A_354, %select_n3A_351 : vector<1x128xi1>, vector<1x128xi32>
    %add3A_366 = arith.constant 64 : i32
    %add3A_367 = vector.broadcast %add3A_366 : i32 to vector<1x128xi32>
    %add3A_368 = arith.addi %select_n3A_365, %add3A_367 : vector<1x128xi32>
    %lt3A_369 = vector.broadcast %add3A_368 : vector<1x128xi32> to vector<16384x128xi32>
    %lt3A_370 = arith.cmpi slt, %xor3A, %lt3A_369 : vector<16384x128xi32>
    %convert_element_type3A_371 = arith.extui %lt3A_370 : vector<16384x128xi1> to vector<16384x128xi32>
    %convert_element_type3A_372 = arith.sitofp %convert_element_type3A_371 : vector<16384x128xi32> to vector<16384x128xf32>
    %convert_element_type3A_373 = arith.truncf %convert_element_type3A_372 : vector<16384x128xf32> to vector<16384x128xbf16>
    %dot_general3A_374 = arith.constant dense<0.000000e+00> : vector<1x128xf32>
    %dot_general3A_375 = tpu.matmul %broadcast_in_dim3A_19, %convert_element_type3A_373, %dot_general3A_374 {dimension_numbers = #tpu.dot_dimension_numbers<[1], [0], [0], [1], [0, 0, 1, 1], [], []>, transpose_lhs_hint = false} : vector<1x16384xbf16>, vector<16384x128xbf16>, vector<1x128xf32> -> vector<1x128xf32>
    %le3A_376 = arith.constant 8.191000e+03 : f32
    %le3A_377 = vector.broadcast %le3A_376 : f32 to vector<1x128xf32>
    %le3A_378 = arith.cmpf ole, %dot_general3A_375, %le3A_377 : vector<1x128xf32>
    %select_n3A_379 = arith.select %le3A_378, %add3A_368, %select_n3A_365 : vector<1x128xi1>, vector<1x128xi32>
    %add3A_380 = arith.constant 32 : i32
    %add3A_381 = vector.broadcast %add3A_380 : i32 to vector<1x128xi32>
    %add3A_382 = arith.addi %select_n3A_379, %add3A_381 : vector<1x128xi32>
    %lt3A_383 = vector.broadcast %add3A_382 : vector<1x128xi32> to vector<16384x128xi32>
    %lt3A_384 = arith.cmpi slt, %xor3A, %lt3A_383 : vector<16384x128xi32>
    %convert_element_type3A_385 = arith.extui %lt3A_384 : vector<16384x128xi1> to vector<16384x128xi32>
    %convert_element_type3A_386 = arith.sitofp %convert_element_type3A_385 : vector<16384x128xi32> to vector<16384x128xf32>
    %convert_element_type3A_387 = arith.truncf %convert_element_type3A_386 : vector<16384x128xf32> to vector<16384x128xbf16>
    %dot_general3A_388 = arith.constant dense<0.000000e+00> : vector<1x128xf32>
    %dot_general3A_389 = tpu.matmul %broadcast_in_dim3A_19, %convert_element_type3A_387, %dot_general3A_388 {dimension_numbers = #tpu.dot_dimension_numbers<[1], [0], [0], [1], [0, 0, 1, 1], [], []>, transpose_lhs_hint = false} : vector<1x16384xbf16>, vector<16384x128xbf16>, vector<1x128xf32> -> vector<1x128xf32>
    %le3A_390 = arith.constant 8.191000e+03 : f32
    %le3A_391 = vector.broadcast %le3A_390 : f32 to vector<1x128xf32>
    %le3A_392 = arith.cmpf ole, %dot_general3A_389, %le3A_391 : vector<1x128xf32>
    %select_n3A_393 = arith.select %le3A_392, %add3A_382, %select_n3A_379 : vector<1x128xi1>, vector<1x128xi32>
    %add3A_394 = arith.constant 16 : i32
    %add3A_395 = vector.broadcast %add3A_394 : i32 to vector<1x128xi32>
    %add3A_396 = arith.addi %select_n3A_393, %add3A_395 : vector<1x128xi32>
    %lt3A_397 = vector.broadcast %add3A_396 : vector<1x128xi32> to vector<16384x128xi32>
    %lt3A_398 = arith.cmpi slt, %xor3A, %lt3A_397 : vector<16384x128xi32>
    %convert_element_type3A_399 = arith.extui %lt3A_398 : vector<16384x128xi1> to vector<16384x128xi32>
    %convert_element_type3A_400 = arith.sitofp %convert_element_type3A_399 : vector<16384x128xi32> to vector<16384x128xf32>
    %convert_element_type3A_401 = arith.truncf %convert_element_type3A_400 : vector<16384x128xf32> to vector<16384x128xbf16>
    %dot_general3A_402 = arith.constant dense<0.000000e+00> : vector<1x128xf32>
    %dot_general3A_403 = tpu.matmul %broadcast_in_dim3A_19, %convert_element_type3A_401, %dot_general3A_402 {dimension_numbers = #tpu.dot_dimension_numbers<[1], [0], [0], [1], [0, 0, 1, 1], [], []>, transpose_lhs_hint = false} : vector<1x16384xbf16>, vector<16384x128xbf16>, vector<1x128xf32> -> vector<1x128xf32>
    %le3A_404 = arith.constant 8.191000e+03 : f32
    %le3A_405 = vector.broadcast %le3A_404 : f32 to vector<1x128xf32>
    %le3A_406 = arith.cmpf ole, %dot_general3A_403, %le3A_405 : vector<1x128xf32>
    %select_n3A_407 = arith.select %le3A_406, %add3A_396, %select_n3A_393 : vector<1x128xi1>, vector<1x128xi32>
    %add3A_408 = arith.constant 8 : i32
    %add3A_409 = vector.broadcast %add3A_408 : i32 to vector<1x128xi32>
    %add3A_410 = arith.addi %select_n3A_407, %add3A_409 : vector<1x128xi32>
    %lt3A_411 = vector.broadcast %add3A_410 : vector<1x128xi32> to vector<16384x128xi32>
    %lt3A_412 = arith.cmpi slt, %xor3A, %lt3A_411 : vector<16384x128xi32>
    %convert_element_type3A_413 = arith.extui %lt3A_412 : vector<16384x128xi1> to vector<16384x128xi32>
    %convert_element_type3A_414 = arith.sitofp %convert_element_type3A_413 : vector<16384x128xi32> to vector<16384x128xf32>
    %convert_element_type3A_415 = arith.truncf %convert_element_type3A_414 : vector<16384x128xf32> to vector<16384x128xbf16>
    %dot_general3A_416 = arith.constant dense<0.000000e+00> : vector<1x128xf32>
    %dot_general3A_417 = tpu.matmul %broadcast_in_dim3A_19, %convert_element_type3A_415, %dot_general3A_416 {dimension_numbers = #tpu.dot_dimension_numbers<[1], [0], [0], [1], [0, 0, 1, 1], [], []>, transpose_lhs_hint = false} : vector<1x16384xbf16>, vector<16384x128xbf16>, vector<1x128xf32> -> vector<1x128xf32>
    %le3A_418 = arith.constant 8.191000e+03 : f32
    %le3A_419 = vector.broadcast %le3A_418 : f32 to vector<1x128xf32>
    %le3A_420 = arith.cmpf ole, %dot_general3A_417, %le3A_419 : vector<1x128xf32>
    %select_n3A_421 = arith.select %le3A_420, %add3A_410, %select_n3A_407 : vector<1x128xi1>, vector<1x128xi32>
    %add3A_422 = arith.constant 4 : i32
    %add3A_423 = vector.broadcast %add3A_422 : i32 to vector<1x128xi32>
    %add3A_424 = arith.addi %select_n3A_421, %add3A_423 : vector<1x128xi32>
    %lt3A_425 = vector.broadcast %add3A_424 : vector<1x128xi32> to vector<16384x128xi32>
    %lt3A_426 = arith.cmpi slt, %xor3A, %lt3A_425 : vector<16384x128xi32>
    %convert_element_type3A_427 = arith.extui %lt3A_426 : vector<16384x128xi1> to vector<16384x128xi32>
    %convert_element_type3A_428 = arith.sitofp %convert_element_type3A_427 : vector<16384x128xi32> to vector<16384x128xf32>
    %convert_element_type3A_429 = arith.truncf %convert_element_type3A_428 : vector<16384x128xf32> to vector<16384x128xbf16>
    %dot_general3A_430 = arith.constant dense<0.000000e+00> : vector<1x128xf32>
    %dot_general3A_431 = tpu.matmul %broadcast_in_dim3A_19, %convert_element_type3A_429, %dot_general3A_430 {dimension_numbers = #tpu.dot_dimension_numbers<[1], [0], [0], [1], [0, 0, 1, 1], [], []>, transpose_lhs_hint = false} : vector<1x16384xbf16>, vector<16384x128xbf16>, vector<1x128xf32> -> vector<1x128xf32>
    %le3A_432 = arith.constant 8.191000e+03 : f32
    %le3A_433 = vector.broadcast %le3A_432 : f32 to vector<1x128xf32>
    %le3A_434 = arith.cmpf ole, %dot_general3A_431, %le3A_433 : vector<1x128xf32>
    %select_n3A_435 = arith.select %le3A_434, %add3A_424, %select_n3A_421 : vector<1x128xi1>, vector<1x128xi32>
    %add3A_436 = arith.constant 2 : i32
    %add3A_437 = vector.broadcast %add3A_436 : i32 to vector<1x128xi32>
    %add3A_438 = arith.addi %select_n3A_435, %add3A_437 : vector<1x128xi32>
    %lt3A_439 = vector.broadcast %add3A_438 : vector<1x128xi32> to vector<16384x128xi32>
    %lt3A_440 = arith.cmpi slt, %xor3A, %lt3A_439 : vector<16384x128xi32>
    %convert_element_type3A_441 = arith.extui %lt3A_440 : vector<16384x128xi1> to vector<16384x128xi32>
    %convert_element_type3A_442 = arith.sitofp %convert_element_type3A_441 : vector<16384x128xi32> to vector<16384x128xf32>
    %convert_element_type3A_443 = arith.truncf %convert_element_type3A_442 : vector<16384x128xf32> to vector<16384x128xbf16>
    %dot_general3A_444 = arith.constant dense<0.000000e+00> : vector<1x128xf32>
    %dot_general3A_445 = tpu.matmul %broadcast_in_dim3A_19, %convert_element_type3A_443, %dot_general3A_444 {dimension_numbers = #tpu.dot_dimension_numbers<[1], [0], [0], [1], [0, 0, 1, 1], [], []>, transpose_lhs_hint = false} : vector<1x16384xbf16>, vector<16384x128xbf16>, vector<1x128xf32> -> vector<1x128xf32>
    %le3A_446 = arith.constant 8.191000e+03 : f32
    %le3A_447 = vector.broadcast %le3A_446 : f32 to vector<1x128xf32>
    %le3A_448 = arith.cmpf ole, %dot_general3A_445, %le3A_447 : vector<1x128xf32>
    %select_n3A_449 = arith.select %le3A_448, %add3A_438, %select_n3A_435 : vector<1x128xi1>, vector<1x128xi32>
    %add3A_450 = arith.constant 1 : i32
    %add3A_451 = vector.broadcast %add3A_450 : i32 to vector<1x128xi32>
    %add3A_452 = arith.addi %select_n3A_449, %add3A_451 : vector<1x128xi32>
    %lt3A_453 = vector.broadcast %add3A_452 : vector<1x128xi32> to vector<16384x128xi32>
    %lt3A_454 = arith.cmpi slt, %xor3A, %lt3A_453 : vector<16384x128xi32>
    %convert_element_type3A_455 = arith.extui %lt3A_454 : vector<16384x128xi1> to vector<16384x128xi32>
    %convert_element_type3A_456 = arith.sitofp %convert_element_type3A_455 : vector<16384x128xi32> to vector<16384x128xf32>
    %convert_element_type3A_457 = arith.truncf %convert_element_type3A_456 : vector<16384x128xf32> to vector<16384x128xbf16>
    %dot_general3A_458 = arith.constant dense<0.000000e+00> : vector<1x128xf32>
    %dot_general3A_459 = tpu.matmul %broadcast_in_dim3A_19, %convert_element_type3A_457, %dot_general3A_458 {dimension_numbers = #tpu.dot_dimension_numbers<[1], [0], [0], [1], [0, 0, 1, 1], [], []>, transpose_lhs_hint = false} : vector<1x16384xbf16>, vector<16384x128xbf16>, vector<1x128xf32> -> vector<1x128xf32>
    %le3A_460 = arith.constant 8.191000e+03 : f32
    %le3A_461 = vector.broadcast %le3A_460 : f32 to vector<1x128xf32>
    %le3A_462 = arith.cmpf ole, %dot_general3A_459, %le3A_461 : vector<1x128xf32>
    %select_n3A_463 = arith.select %le3A_462, %add3A_452, %select_n3A_449 : vector<1x128xi1>, vector<1x128xi32>
    %shift_right_arithmetic3A_464 = arith.constant 31 : i32
    %shift_right_arithmetic3A_465 = vector.broadcast %shift_right_arithmetic3A_464 : i32 to vector<1x128xi32>
    %shift_right_arithmetic3A_466 = arith.shrsi %select_n3A_463, %shift_right_arithmetic3A_465 : vector<1x128xi32>
    %and3A_467 = arith.constant 2147483647 : i32
    %and3A_468 = vector.broadcast %and3A_467 : i32 to vector<1x128xi32>
    %and3A_469 = arith.andi %shift_right_arithmetic3A_466, %and3A_468 : vector<1x128xi32>
    %xor3A_470 = arith.xori %select_n3A_463, %and3A_469 : vector<1x128xi32>
    %bitcast_convert_type3A_471 = tpu.bitcast %xor3A_470 : vector<1x128xi32> -> vector<1x128xf32>
    %abs3A = math.absf %bitcast_convert_type3A_471 : vector<1x128xf32>
    %add3A_472 = arith.constant 9.99999993E-9 : f32
    %add3A_473 = vector.broadcast %add3A_472 : f32 to vector<1x128xf32>
    %add3A_474 = arith.addf %abs3A, %add3A_473 : vector<1x128xf32>
    %div3A = arith.divf %sqrt3A, %add3A_474 : vector<1x128xf32>
    %swap3A = arith.constant 0 : index
    %swap3A_475 = arith.constant 0 : index
    %swap3A_476 = vector.load %arg2[%swap3A, %swap3A_475] : memref<1x128xf32, #tpu.memory_space<vmem>>, vector<1x128xf32>
    tpu.vector_store %arg2[%swap3A, %swap3A_475], %div3A {strides = array<i32>} : memref<1x128xf32, #tpu.memory_space<vmem>>, vector<1x128xf32>,
    return
  }
  func.func @transform_0(%arg0: i32) -> (i32, i32) {
    %c0_i32 = arith.constant 0 : i32
    %c0_i32_0 = arith.constant 0 : i32
    return %c0_i32, %arg0 : i32, i32
  }
  func.func @transform_1(%arg0: i32) -> (i32, i32) {
    %c0_i32 = arith.constant 0 : i32
    %c0_i32_0 = arith.constant 0 : i32
    return %c0_i32, %arg0 : i32, i32
  }
}

module attributes {stable_mosaic.version = 14 : i64} {
  func.func @_apply_kernel(%arg0: i32, %arg1: memref<1024x2048xf32, #tpu.memory_space<vmem>>, %arg2: memref<1x2048xf32, #tpu.memory_space<vmem>>, %arg3: memref<1024x2048xf32, #tpu.memory_space<vmem>>) attributes {dimension_semantics = [#tpu.dimension_semantics<arbitrary>], iteration_bounds = array<i64: 16>, scalar_prefetch = 0 : i64, scratch_operands = 0 : i64, tpu.core_type = #tpu.core_type<tc>, window_params = [{transform_indices = @transform_0, window_bounds = array<i64: 1024, 2048>}, {pipeline_mode = #tpu.pipeline_mode<synchronous>, transform_indices = @transform_1, window_bounds = array<i64: 1, 2048>}, {transform_indices = @transform_2, window_bounds = array<i64: 1024, 2048>}]} {
    %get3A = arith.constant 0 : index
    %get3A_0 = arith.constant 0 : index
    %get3A_1 = vector.load %arg1[%get3A, %get3A_0] : memref<1024x2048xf32, #tpu.memory_space<vmem>>, vector<1024x2048xf32>
    %get3A_2 = arith.constant 0 : index
    %get3A_3 = arith.constant 0 : index
    %get3A_4 = vector.load %arg2[%get3A_2, %get3A_3] : memref<1x2048xf32, #tpu.memory_space<vmem>>, vector<1x2048xf32>
    %mul3A = vector.broadcast %get3A_4 : vector<1x2048xf32> to vector<1024x2048xf32>
    %mul3A_5 = arith.mulf %get3A_1, %mul3A : vector<1024x2048xf32>
    %swap3A = arith.constant 0 : index
    %swap3A_6 = arith.constant 0 : index
    %swap3A_7 = vector.load %arg3[%swap3A, %swap3A_6] : memref<1024x2048xf32, #tpu.memory_space<vmem>>, vector<1024x2048xf32>
    tpu.vector_store %arg3[%swap3A, %swap3A_6], %mul3A_5 {strides = array<i32>} : memref<1024x2048xf32, #tpu.memory_space<vmem>>, vector<1024x2048xf32>,
    return
  }
  func.func @transform_0(%arg0: i32) -> (i32, i32) {
    %c0_i32 = arith.constant 0 : i32
    %c0_i32_0 = arith.constant 0 : i32
    return %arg0, %c0_i32 : i32, i32
  }
  func.func @transform_1(%arg0: i32) -> (i32, i32) {
    %c0_i32 = arith.constant 0 : i32
    %c0_i32_0 = arith.constant 0 : i32
    %c0_i32_1 = arith.constant 0 : i32
    return %c0_i32, %c0_i32_0 : i32, i32
  }
  func.func @transform_2(%arg0: i32) -> (i32, i32) {
    %c0_i32 = arith.constant 0 : i32
    %c0_i32_0 = arith.constant 0 : i32
    return %arg0, %c0_i32 : i32, i32
  }
}

</mosaic_0001>

<sc_bundles>
// kernel: kernel.5.cloned.1.call-start
scs
__scs_entry_jumppad:
0x0: {  	(pc) =	sbr.rel $0x88, $3  }
0x1: {  	(tag) =	ssettag $0x0;
	lr =	simm.s32 $0x1  }
0x2: {  	[smem:$0x3FA0] =	sst lr;
	_ =	strace $0xD0000000  }
0x3: {  	_ = 	snop  }
0x4: {  	_ = 	snop  }
0x5: {  	_ = 	snop  }
0x6: {  	_ = 	snop  }
0x7: {  	_ = 	snop  }
__scs_overlays_trampoline_lowered:
0x8: {  	[smem:$0x3FAF] =	sst s0  }
0x9: {  	[smem:$0x3FB0] =	sst s1  }
0xa: {  	[smem:$0x3FB1] =	sst s2  }
0xb: {  	[smem:$0x3FB2] =	sst s3  }
0xc: {  	[smem:$0x3FB3] =	sst s4  }
0xd: {  	[smem:$0x3FB4] =	sst s5  }
0xe: {  	[smem:$0x3FB5] =	sst s6  }
0xf: {  	[smem:$0x3FB6] =	sst s7  }
0x10: {  	[smem:$0x3FB7] =	sst s8  }
0x11: {  	[smem:$0x3FB8] =	sst s9;
	s0 =	simm.s32 @!p0 $0x0  }
0x12: {  	s1 =	sld [smem:$0x3F9E];
	s0 =	simm.s32 @p0 $0x1  }
0x13: {  	[smem:$0x3FB9] =	sst s0;
	s0 =	simm.s32 @!p1 $0x0  }
0x14: {  	s2 =	sld [smem:$0x3F9D];
	s0 =	simm.s32 @p1 $0x1  }
0x15: {  	[smem:$0x3FBA] =	sst s0;
	s0 =	simm.s32 @!p2 $0x0  }
0x16: {  	s3 =	sld [smem:$0x3FDB];
	s0 =	simm.s32 @p2 $0x1  }
0x17: {  	s4 =	simm.s32 $0x1BF5;
	[smem:$0x3FBC] =	sst s0  }
0x18: {  	s0 =	sld [smem:$0x3F9F];
	_ =	swait.ge [sflag:s4], $0x0  }
0x19: {  	s7 =	sld [smem:$0x3FA0]  }
0x1a: {  	s8 =	sadd.s32 $0xFFFFE003, lr  }
0x1b: {  	s9 =	sadd.s32 $0xFFFFFEF7, lr;
	s5 =	simm.s32 $0xFFFFFFFF;
	p2 =	slt.u32 s8, $0xFFFFF086  }
0x1c: {  	p1 =	slt.u32 s9, $0xF7A;
	s5 =	simm.s32 @!p2 $0x0  }
0x1d: {  	s5 =	simm.s32 @p1 $0x1;
	p0 =	seq.s32 s7, s2  }
0x1e: {  	s7 =	smul.u32 @!p0 $0xF7A, s2;
	p2 =	seq.s32 @!p0 s5, $0x0  }
0x1f: {  	s9 =	smul.u32 $0xF7A, s1;
	s8 =	simm.s32 @!p0 $0x1BF5;
	p2 =	por !p2, p0  }
0x20: {  	[sflag:s8] =	ssyncset.s32 @!p0 $0xFFFFF086;
	s6 =	sadd.s32 @!p0 s3, s7;
	s7 =	simm.s32 @!p0 $0x108  }
0x21: {  	s3 =	sadd.s32 s3, s9;
	s6 =	sadd.s32 @!p0 $0x88, s6;
	s7 =	simm.s32 @p2 $0x1082  }
0x22: {  	[simem:s7], [sflag:s8] =	dma.local @!p0 [hbm:s6], $0xF7A  }
0x23: {  	s9 =	sor.u32 $0xD0000000, s2;
	s6 =	simm.s32 $0x108;
	_ =	swait.ge @!p0 [sflag:s8], $0x0  }
0x24: {  	s3 =	sadd.s32 $0x88, s3;
	s6 =	simm.s32 @!p1 $0x1082;
	[sflag:s4] =	ssyncset.s32 $0xFFFFF086  }
0x25: {  	[simem:s6], [sflag:s4] =	dma.local [hbm:s3], $0xF7A  }
0x26: {  	[smem:$0x3FA0] =	sst s1;
	(tag) =	ssettag s2;
	_ =	strace s9  }
0x27: {  	s1 =	sld [smem:$0x3FB0]  }
0x28: {  	s2 =	sld [smem:$0x3FB1]  }
0x29: {  	s4 =	sld [smem:$0x3FB3]  }
0x2a: {  	p0 =	seq.s32 s5, $0x0;
	s5 =	sld [smem:$0x3FB4]  }
0x2b: {  	s6 =	sld [smem:$0x3FB5]  }
0x2c: {  	s7 =	sld [smem:$0x3FB6]  }
0x2d: {  	s3 =	simm.s32 $0x108;
	s8 =	sld [smem:$0x3FB7]  }
0x2e: {  	s3 =	simm.s32 @!p0 $0x1082;
	s9 =	sld [smem:$0x3FB8]  }
0x2f: {  	lr =	sadd.s32 s0, s3;
	s0 =	sld [smem:$0x3FAF]  }
0x30: {  	s3 =	sld [smem:$0x3FB2]  }
0x31: {  	[smem:$0x3FBB] =	sst s10  }
0x32: {  	s10 =	sld [smem:$0x3FB9];
	_ =	sdelay $0x3  }
0x33: {  	p0 =	seq.s32 s10, $0x1;
	s10 =	sld [smem:$0x3FBB];
	_ =	sdelay $0x3  }
0x34: {  	[smem:$0x3FBB] =	sst s10  }
0x35: {  	s10 =	sld [smem:$0x3FBA];
	_ =	sdelay $0x3  }
0x36: {  	p1 =	seq.s32 s10, $0x1;
	s10 =	sld [smem:$0x3FBB];
	_ =	sdelay $0x3  }
0x37: {  	[smem:$0x3FBB] =	sst s10  }
0x38: {  	s10 =	sld [smem:$0x3FBC]  }
0x39: {  	_ = 	snop;
	(pc) =	sbr.ind lr, $3  }
0x3a: {  	_ = 	snop  }
0x3b: {  	_ = 	snop  }
0x3c: {  	p2 =	seq.s32 s10, $0x1;
	s10 =	sld [smem:$0x3FBB]  }
0x3d: {  	_ =	shalt  }
0x3e: {  	_ =	shalt  }
0x3f: {  	_ =	shalt  }
0x40: {  	_ =	shalt  }
0x41: {  	_ =	shalt  }
0x42: {  	_ =	shalt  }
0x43: {  	_ =	shalt  }
0x44: {  	_ =	shalt  }
0x45: {  	_ =	shalt  }
0x46: {  	_ =	shalt  }
0x47: {  	_ =	shalt  }
0x48: {  	_ =	shalt  }
0x49: {  	_ =	shalt  }
0x4a: {  	_ =	shalt  }
0x4b: {  	_ =	shalt  }
0x4c: {  	_ =	shalt  }
0x4d: {  	_ =	shalt  }
0x4e: {  	_ =	shalt  }
0x4f: {  	_ =	shalt  }
0x50: {  	_ =	shalt  }
0x51: {  	_ =	shalt  }
0x52: {  	_ =	shalt  }
0x53: {  	_ =	shalt  }
0x54: {  	_ =	shalt  }
0x55: {  	_ =	shalt  }
0x56: {  	_ =	shalt  }
0x57: {  	_ =	shalt  }
0x58: {  	_ =	shalt  }
0x59: {  	_ =	shalt  }
0x5a: {  	_ =	shalt  }
0x5b: {  	_ =	shalt  }
0x5c: {  	_ =	shalt  }
0x5d: {  	_ =	shalt  }
0x5e: {  	_ =	shalt  }
0x5f: {  	_ =	shalt  }
0x60: {  	_ =	shalt  }
0x61: {  	_ =	shalt  }
0x62: {  	_ =	shalt  }
0x63: {  	_ =	shalt  }
0x64: {  	_ =	shalt  }
0x65: {  	_ =	shalt  }
0x66: {  	_ =	shalt  }
0x67: {  	_ =	shalt  }
0x68: {  	_ =	shalt  }
0x69: {  	_ =	shalt  }
0x6a: {  	_ =	shalt  }
0x6b: {  	_ =	shalt  }
0x6c: {  	_ =	shalt  }
0x6d: {  	_ =	shalt  }
0x6e: {  	_ =	shalt  }
0x6f: {  	_ =	shalt  }
0x70: {  	_ =	shalt  }
0x71: {  	_ =	shalt  }
0x72: {  	_ =	shalt  }
0x73: {  	_ =	shalt  }
0x74: {  	_ =	shalt  }
0x75: {  	_ =	shalt  }
0x76: {  	_ =	shalt  }
0x77: {  	_ =	shalt  }
0x78: {  	_ =	shalt  }
0x79: {  	_ =	shalt  }
0x7a: {  	_ =	shalt  }
0x7b: {  	_ =	shalt  }
0x7c: {  	_ =	shalt  }
0x7d: {  	_ =	shalt  }
0x7e: {  	_ =	shalt  }
0x7f: {  	_ =	shalt  }
0x80: {  	_ =	shalt  }
0x81: {  	_ =	shalt  }
0x82: {  	_ =	shalt  }
0x83: {  	_ =	shalt  }
0x84: {  	_ =	shalt  }
0x85: {  	_ =	shalt  }
0x86: {  	_ =	shalt  }
0x87: {  	_ =	shalt  }
.Lfunc_end0:
.L_simem_size_0:
called_computation_lowered:
.L_overlay_start_0:
0x88: {  	s2 =	sld [smem:$0x3FD9]  }
0x89: {  	s3 =	sld [smem:$0x3FFE];
	_ =	sdelay $0x1  }
0x8a: {  	s1 =	srdreg.scid  }
0x8b: {  	s0 =	sand.u32 $0x1, s1  }
0x8c: {  	s17 =	sshll.u32 s0, $0xA;
	s2 =	sadd.s32 s3, s2  }
0x8d: {  	s2 =	sadd.s32 s2, s17  }
0x8e: {  	[smem:$0x3FC7] =	sst s2  }
0x8f: {  	_ = 	snop  }
0x90: {  	s2 =	sld [smem:$0x3FD0];
	(tm) =	ssettm $0x1  }
0x91: {  	s18 =	sld [smem:$0x3FFB];
	_ =	sdelay $0x3  }
0x92: {  	_ =	strace s18  }
0x93: {  	s3 =	sld [smem:$0x3FFC];
	_ =	sdelay $0x3  }
0x94: {  	_ =	strace s3  }
0x95: {  	s3 =	sld [smem:$0x3FFD];
	_ =	sdelay $0x3  }
0x96: {  	_ =	strace s3  }
0x97: {  	_ =	strace $0x8FFFFFFF  }
0x98: {  	s19 =	sld [smem:$0x3FDB];
	_ =	sdelay $0x1  }
0x99: {  	s4 =	simm.s32 $_scs_section_size  }
0x9a: {  	s5 =	simm.s32 $_size__tile_overlayer_lowered;
	s6 =	simm.s32 $_tile_overlayer_lowered  }
0x9b: {  	s22 =	simm.s32 $0x1BFF;
	s21 =	sshll.u32 s6, $0x1;
	s3 =	sadd.s32 s4, s19  }
0x9c: {  	s7 =	simm.s32 $0x0;
	s20 =	sshll.u32 s5, $0x1;
	s5 =	sadd.s32 s21, s3  }
0x9d: {  	[timem:s7], [sflag:s22] =	dma.local [hbm:s5], s20  }
0x9e: {  	_ =	swait.ge [sflag:s22], s20  }
0x9f: {  	s4 =	ssub.s32 $0x0, s20;
	[sflag:s22] =	ssyncset.done $0x0  }
0xa0: {  	[sflag:s22] =	ssyncadd.s32 s4;
	_ =	sdelay $0x1  }
0xa1: {  	s23 =	simm.s32 $0x1B8B  }
0xa2: {  	_ =	swait.ge [sflag:s23], $0x1  }
0xa3: {  	[sflag:s23] =	ssyncset.done $0x0  }
0xa4: {  	s25 =	simm.s32 $0x1B8E;
	s24 =	sld [smem:$0x3FFE];
	[sflag:s23] =	ssyncadd.s32 $0xFFFFFFFF  }
0xa5: {  	s26 =	simm.s32 $execute0_lowered;
	[smem:$0x3FD2] =	sst s25  }
0xa6: {  	s5 =	sshll.u32 s26, $0x1;
	_ =	strace $0x80000046;
	[dreg:$0x1] =	wrdreg $0xFFFFFFFF  }
0xa7: {  	s28 =	simm.s32 $_size_execute0_lowered;
	s3 =	sadd.s32 s3, s5;
	[dreg:$0x0] =	wrdreg $0x0  }
0xa8: {  	s5 =	sshll.u32 s28, $0x1;
	[dreg:$0x2] =	wrdreg s3  }
0xa9: {  	[dreg:$0x3] =	wrdreg s5  }
0xaa: {  	[dreg:$0x4] =	wrdreg $0xC0  }
0xab: {  	_ =	task [dreg:s7], $0x5FFFF  }
0xac: {  	[dreg:$0x1] =	wrdreg $0xFFFFFFFF  }
0xad: {  	[dreg:$0x0] =	wrdreg $0x60  }
0xae: {  	[dreg:$0x2] =	wrdreg s2  }
0xaf: {  	[dreg:$0x3] =	wrdreg s24  }
0xb0: {  	[dreg:$0x4] =	wrdreg $0x9  }
0xb1: {  	_ =	task.clear_ibuf [dreg:s7], $0x5FFFF;
	_ =	strace $0x90000046  }
0xb2: {  	s29 =	simm.s32 $0x9;
	_ =	strace $0x80000048  }
0xb3: {  	_ =	swait.ge [sflag:s29], $0x1  }
0xb4: {  	[sflag:s29] =	ssyncadd.s32 $0xFFFFFFFF  }
0xb5: {  	_ =	strace $0x90000048  }
0xb6: {  	_ =	sfence  }
0xb7: {  	s30 =	sld [smem:$0x0];
	_ =	sdelay $0x2  }
0xb8: {  	s31 =	sshll.u32 s1, $0xD;
	s1 =	sshrl.u32 s1, $0x2  }
0xb9: {  	s3 =	sand.u32 $0x4000, s31;
	s1 =	sadd.s32 s1, s30  }
0xba: {  	s0 =	sor.u32 s3, s0;
	s1 =	sshll.u32 s1, $0x11  }
0xbb: {  	s0 =	sor.u32 s1, s0  }
0xbc: {  	s0 =	sadd.s32 $0x8F2B, s0  }
0xbd: {  	[sflag:s0] =	ssyncadd.remote.s32 $0x1  }
0xbe: {  	_ =	sfence.sel $0xFFFF  }
0xbf: {  	[dreg:$0x0] =	wrdreg $0xFFFFFFFF;
	(pc) =	sbr.abs _section_cstart, $3  }
0xc0: {  	[dreg:$0x1] =	wrdreg $0xFFFFFFFF  }
0xc1: {  	_ =	task.clear_ibuf [dreg:s7], $0x2FFFF;
	_ =	strace $0x9FFFFFFF  }
0xc2: {  	(tm) =	ssettm $0x7FFFFFFF  }
0xc3: {  	_ =	shalt  }
tec
execute0_lowered:
.L_overlay_start_1:
0x0: {  	(tag) =	ssettag $0x1  }
0x1: {  	s0 =	srdreg.scid  }
0x2: {  	s4 =	sand.u32 $0x1, s0;
	s0 =	stileid.u32  }
0x3: {  	s5 =	sshll.u32 s0, $0x1;
	s6 =	ssub.s32 $0x0, s4  }
0x4: {  	p0 =	sne.s32 s5, s6  }
.Ltmp0:
0x5: {  	_ = 	snop;
	(pc) =	sbr.rel @p0 .LBB2_73-.Ltmp0, $4  }
0x6: {  	_ = 	snop  }
0x7: {  	s2 =	rddreg [dreg:$0x0]  }
0x8: {  	s3 =	rddreg [dreg:$0x1]  }
0x9: {  	s1 =	rddreg [dreg:$0x2];
	_ =	strace $0x80000047  }
0xa: {  	s4 =	ssub.s32 $0x2, s4  }
0xb: {  	s3 =	sadd.s32 $0x800, s3;
	s5 =	sshrl.u32 s4, $0x1  }
0xc: {  	s6 =	simm.s32 $0x800;
	s7 =	simm.s32 $0x1;
	s4 =	ssub.s32 s4, s5  }
0xd: {  	v0 =	vimm.s32 $0x0;
	v1 =	vimm.f32 $2.000000000e+00;
	s8 =	simm.s32 $0x0;
	s5 =	simm.s32 $0x0;
	s4 =	smax.u32 s4, $0x1  }
.LBB2_2:
0xe: {  	[tilespmem:s6], [sflag:$0x1] =	stream.linear.gather [hbm4b:s2+s5], $0x800, $0x38;
	[tilespmem:$0x1080] =	vst v63  }
0xf: {  	_ =	swait.ge [sflag:s7], $0x800  }
0x10: {  	[sflag:s7] =	ssyncset.done $0x0  }
0x11: {  	s9 =	simm.s32 $0x0;
	[sflag:s7] =	ssyncadd.s32 $0xFFFFF800  }
0x12: {  	s10 =	simm.s32 $0x40;
	v2 =	vld [tilespmem:s9+$0x800]  }
.LBB2_3:
0x13: {  	_ =	sdelay $0x1  }
0x14: {  	p0 =	sne.s32 s10, $0x1FC0  }
.Ltmp1:
0x15: {  	_ = 	snop;
	(pc) =	sbr.rel @p0 .LBB2_3-.Ltmp1, $4  }
0x16: {  	v3 =	vshra.s32 v2, $0x1F  }
0x17: {  	v4 =	vmov v2;
	v3 =	vand.u32 $0x7FFFFFFF, v3  }
0x18: {  	s11 =	sshra.s32 s10, $0x2;
	v3 =	vxor.u32 v4, v3  }
0x19: {  	s10 =	sadd.s32 $0x40, s10;
	v2 =	vld [tilespmem:s11+$0x800];
	[tilespmem:s9+$0x0] =	vst v3;
	s9 =	smov.u32 s11  }
0x1a: {  	_ =	sdelay $0x3  }
0x1b: {  	v3 =	vshra.s32 v2, $0x1F  }
0x1c: {  	v3 =	vand.u32 $0x7FFFFFFF, v3  }
0x1d: {  	v2 =	vxor.u32 v2, v3  }
0x1e: {  	[tilespmem:s9+$0x0] =	vst v2;
	v2 =	vimm.s32 $0x0  }
0x1f: {  	s10 =	simm.s32 $0x0;
	s9 =	simm.s32 $0x40;
	[tilespmem:$0x1000] =	vst v2  }
.LBB2_5:
0x20: {  	p0 =	sne.s32 s9, $0x1FC0;
	v3 =	vld [tilespmem:s10+$0x0];
	_ =	sdelay $0x2  }
.Ltmp2:
0x21: {  	(pc) =	sbr.rel @p0 .LBB2_5-.Ltmp2, $4  }
0x22: {  	_ = 	snop  }
0x23: {  	v3 =	vshrl.u32 v3, $0x1F  }
0x24: {  	v2 =	vadd.s32 v3, v2  }
0x25: {  	s10 =	sshra.s32 s9, $0x2;
	s9 =	sadd.s32 $0x40, s9;
	[tilespmem:$0x1000] =	vst v2  }
0x26: {  	v3 =	vld [tilespmem:s10+$0x0];
	_ =	sdelay $0x4  }
0x27: {  	v3 =	vshrl.u32 v3, $0x1F  }
0x28: {  	v2 =	vadd.s32 v3, v2  }
0x29: {  	(xrf0) =	vadd.scan.msk.s32 $0xffff, v2;
	_ =	sdelay $0x5  }
0x2a: {  	v3, _, _ =	vpop (xrf0)  }
0x2b: {  	(v2sf) =	vpush v3, $0xF;
	_ =	sdelay $0xe  }
0x2c: {  	s9 =	spop (v2sf)  }
0x2d: {  	p0 =	slt.s32 s9, $0x401;
	s9 =	simm.s32 $0x0  }
0x2e: {  	s9 =	simm.s32 @!p0 $0x80000000  }
0x2f: {  	[tilespmem:$0x1000] =	vst v2;
	v2 =	vimm.s32 $0x0;
	s10 =	sor.u32 $0x40000000, s9  }
0x30: {  	s12 =	simm.s32 $0x0;
	s11 =	simm.s32 $0x40;
	[tilespmem:$0x1000] =	vst v2;
	v3 =	vmov s10  }
.LBB2_7:
0x31: {  	p0 =	sne.s32 s11, $0x1FC0;
	v4 =	vld [tilespmem:s12+$0x0];
	_ =	sdelay $0x3  }
.Ltmp3:
0x32: {  	(pc) =	sbr.rel @p0 .LBB2_7-.Ltmp3, $4  }
0x33: {  	vm0 =	vlt.s32 v4, v3  }
0x34: {  	v4 =	vsel vm0, $0x1, v0  }
0x35: {  	v2 =	vadd.s32 v4, v2  }
0x36: {  	s12 =	sshra.s32 s11, $0x2;
	s11 =	sadd.s32 $0x40, s11;
	[tilespmem:$0x1000] =	vst v2  }
0x37: {  	v4 =	vld [tilespmem:s12+$0x0];
	_ =	sdelay $0x4  }
0x38: {  	vm0 =	vlt.s32 v4, v3  }
0x39: {  	v3 =	vsel vm0, $0x1, v0  }
0x3a: {  	v2 =	vadd.s32 v3, v2  }
0x3b: {  	(xrf0) =	vadd.scan.msk.s32 $0xffff, v2;
	_ =	sdelay $0x5  }
0x3c: {  	v3, _, _ =	vpop (xrf0)  }
0x3d: {  	(v2sf) =	vpush v3, $0xF;
	_ =	sdelay $0xe  }
0x3e: {  	s11 =	spop (v2sf)  }
0x3f: {  	p0 =	slt.s32 s11, $0x401  }
0x40: {  	s9 =	smov.u32 @p0 s10  }
0x41: {  	[tilespmem:$0x1000] =	vst v2;
	v2 =	vimm.s32 $0x0;
	s10 =	sor.u32 $0x20000000, s9  }
0x42: {  	s12 =	simm.s32 $0x0;
	[tilespmem:$0x1000] =	vst v2;
	s11 =	simm.s32 $0x40;
	[smem:$0x0] =	sst s9;
	v3 =	vmov s10  }
.LBB2_9:
0x43: {  	p0 =	sne.s32 s11, $0x1FC0;
	v4 =	vld [tilespmem:s12+$0x0];
	_ =	sdelay $0x3  }
.Ltmp4:
0x44: {  	(pc) =	sbr.rel @p0 .LBB2_9-.Ltmp4, $4  }
0x45: {  	vm0 =	vlt.s32 v4, v3  }
0x46: {  	v4 =	vsel vm0, $0x1, v0  }
0x47: {  	v2 =	vadd.s32 v4, v2  }
0x48: {  	s12 =	sshra.s32 s11, $0x2;
	s11 =	sadd.s32 $0x40, s11;
	[tilespmem:$0x1000] =	vst v2  }
0x49: {  	v4 =	vld [tilespmem:s12+$0x0];
	_ =	sdelay $0x4  }
0x4a: {  	vm0 =	vlt.s32 v4, v3  }
0x4b: {  	v3 =	vsel vm0, $0x1, v0  }
0x4c: {  	v2 =	vadd.s32 v3, v2  }
0x4d: {  	(xrf0) =	vadd.scan.msk.s32 $0xffff, v2;
	_ =	sdelay $0x5  }
0x4e: {  	v3, _, _ =	vpop (xrf0)  }
0x4f: {  	(v2sf) =	vpush v3, $0xF;
	_ =	sdelay $0xe  }
0x50: {  	s11 =	spop (v2sf)  }
0x51: {  	p0 =	slt.s32 s11, $0x401  }
0x52: {  	s9 =	smov.u32 @p0 s10  }
0x53: {  	[tilespmem:$0x1000] =	vst v2;
	v2 =	vimm.s32 $0x0;
	s10 =	sor.u32 $0x10000000, s9  }
0x54: {  	s12 =	simm.s32 $0x0;
	[tilespmem:$0x1000] =	vst v2;
	s11 =	simm.s32 $0x40;
	v3 =	vmov s10  }
.LBB2_11:
0x55: {  	p0 =	sne.s32 s11, $0x1FC0;
	v4 =	vld [tilespmem:s12+$0x0];
	_ =	sdelay $0x3  }
.Ltmp5:
0x56: {  	(pc) =	sbr.rel @p0 .LBB2_11-.Ltmp5, $4  }
0x57: {  	vm0 =	vlt.s32 v4, v3  }
0x58: {  	v4 =	vsel vm0, $0x1, v0  }
0x59: {  	v2 =	vadd.s32 v4, v2  }
0x5a: {  	s12 =	sshra.s32 s11, $0x2;
	s11 =	sadd.s32 $0x40, s11;
	[tilespmem:$0x1000] =	vst v2  }
0x5b: {  	v4 =	vld [tilespmem:s12+$0x0];
	_ =	sdelay $0x4  }
0x5c: {  	vm0 =	vlt.s32 v4, v3  }
0x5d: {  	v3 =	vsel vm0, $0x1, v0  }
0x5e: {  	v2 =	vadd.s32 v3, v2  }
0x5f: {  	(xrf0) =	vadd.scan.msk.s32 $0xffff, v2;
	_ =	sdelay $0x5  }
0x60: {  	v3, _, _ =	vpop (xrf0)  }
0x61: {  	(v2sf) =	vpush v3, $0xF;
	_ =	sdelay $0xe  }
0x62: {  	s11 =	spop (v2sf)  }
0x63: {  	p0 =	slt.s32 s11, $0x401  }
0x64: {  	s9 =	smov.u32 @p0 s10  }
0x65: {  	[tilespmem:$0x1000] =	vst v2;
	v2 =	vimm.s32 $0x0;
	s10 =	sadd.s32 $0x8000000, s9  }
0x66: {  	s12 =	simm.s32 $0x0;
	[tilespmem:$0x1000] =	vst v2;
	s11 =	simm.s32 $0x40;
	v3 =	vmov s10  }
.LBB2_13:
0x67: {  	p0 =	sne.s32 s11, $0x1FC0;
	v4 =	vld [tilespmem:s12+$0x0];
	_ =	sdelay $0x3  }
.Ltmp6:
0x68: {  	(pc) =	sbr.rel @p0 .LBB2_13-.Ltmp6, $4  }
0x69: {  	vm0 =	vlt.s32 v4, v3  }
0x6a: {  	v4 =	vsel vm0, $0x1, v0  }
0x6b: {  	v2 =	vadd.s32 v4, v2  }
0x6c: {  	s12 =	sshra.s32 s11, $0x2;
	s11 =	sadd.s32 $0x40, s11;
	[tilespmem:$0x1000] =	vst v2  }
0x6d: {  	v4 =	vld [tilespmem:s12+$0x0];
	_ =	sdelay $0x4  }
0x6e: {  	vm0 =	vlt.s32 v4, v3  }
0x6f: {  	v3 =	vsel vm0, $0x1, v0  }
0x70: {  	v2 =	vadd.s32 v3, v2  }
0x71: {  	(xrf0) =	vadd.scan.msk.s32 $0xffff, v2;
	_ =	sdelay $0x5  }
0x72: {  	v3, _, _ =	vpop (xrf0)  }
0x73: {  	(v2sf) =	vpush v3, $0xF;
	_ =	sdelay $0xe  }
0x74: {  	s11 =	spop (v2sf)  }
0x75: {  	p0 =	slt.s32 s11, $0x401  }
0x76: {  	s9 =	smov.u32 @p0 s10  }
0x77: {  	[tilespmem:$0x1000] =	vst v2;
	v2 =	vimm.s32 $0x0;
	s10 =	sadd.s32 $0x4000000, s9  }
0x78: {  	s12 =	simm.s32 $0x0;
	[tilespmem:$0x1000] =	vst v2;
	s11 =	simm.s32 $0x40;
	v3 =	vmov s10  }
.LBB2_15:
0x79: {  	p0 =	sne.s32 s11, $0x1FC0;
	v4 =	vld [tilespmem:s12+$0x0];
	_ =	sdelay $0x3  }
.Ltmp7:
0x7a: {  	(pc) =	sbr.rel @p0 .LBB2_15-.Ltmp7, $4  }
0x7b: {  	vm0 =	vlt.s32 v4, v3  }
0x7c: {  	v4 =	vsel vm0, $0x1, v0  }
0x7d: {  	v2 =	vadd.s32 v4, v2  }
0x7e: {  	s12 =	sshra.s32 s11, $0x2;
	s11 =	sadd.s32 $0x40, s11;
	[tilespmem:$0x1000] =	vst v2  }
0x7f: {  	v4 =	vld [tilespmem:s12+$0x0];
	_ =	sdelay $0x4  }
0x80: {  	vm0 =	vlt.s32 v4, v3  }
0x81: {  	v3 =	vsel vm0, $0x1, v0  }
0x82: {  	v2 =	vadd.s32 v3, v2  }
0x83: {  	(xrf0) =	vadd.scan.msk.s32 $0xffff, v2;
	_ =	sdelay $0x5  }
0x84: {  	v3, _, _ =	vpop (xrf0)  }
0x85: {  	(v2sf) =	vpush v3, $0xF;
	_ =	sdelay $0xe  }
0x86: {  	s11 =	spop (v2sf)  }
0x87: {  	p0 =	slt.s32 s11, $0x401  }
0x88: {  	s9 =	smov.u32 @p0 s10  }
0x89: {  	[tilespmem:$0x1000] =	vst v2;
	v2 =	vimm.s32 $0x0;
	s10 =	sadd.s32 $0x2000000, s9  }
0x8a: {  	s12 =	simm.s32 $0x0;
	[tilespmem:$0x1000] =	vst v2;
	s11 =	simm.s32 $0x40;
	v3 =	vmov s10  }
.LBB2_17:
0x8b: {  	p0 =	sne.s32 s11, $0x1FC0;
	v4 =	vld [tilespmem:s12+$0x0];
	_ =	sdelay $0x3  }
.Ltmp8:
0x8c: {  	(pc) =	sbr.rel @p0 .LBB2_17-.Ltmp8, $4  }
0x8d: {  	vm0 =	vlt.s32 v4, v3  }
0x8e: {  	v4 =	vsel vm0, $0x1, v0  }
0x8f: {  	v2 =	vadd.s32 v4, v2  }
0x90: {  	s12 =	sshra.s32 s11, $0x2;
	s11 =	sadd.s32 $0x40, s11;
	[tilespmem:$0x1000] =	vst v2  }
0x91: {  	v4 =	vld [tilespmem:s12+$0x0];
	_ =	sdelay $0x4  }
0x92: {  	vm0 =	vlt.s32 v4, v3  }
0x93: {  	v3 =	vsel vm0, $0x1, v0  }
0x94: {  	v2 =	vadd.s32 v3, v2  }
0x95: {  	(xrf0) =	vadd.scan.msk.s32 $0xffff, v2;
	_ =	sdelay $0x5  }
0x96: {  	v3, _, _ =	vpop (xrf0)  }
0x97: {  	(v2sf) =	vpush v3, $0xF;
	_ =	sdelay $0xe  }
0x98: {  	s11 =	spop (v2sf)  }
0x99: {  	p0 =	slt.s32 s11, $0x401  }
0x9a: {  	s9 =	smov.u32 @p0 s10  }
0x9b: {  	[tilespmem:$0x1000] =	vst v2;
	v2 =	vimm.s32 $0x0;
	s10 =	sadd.s32 $0x1000000, s9  }
0x9c: {  	s12 =	simm.s32 $0x0;
	[tilespmem:$0x1000] =	vst v2;
	s11 =	simm.s32 $0x40;
	[smem:$0x0] =	sst s9;
	v3 =	vmov s10  }
.LBB2_19:
0x9d: {  	p0 =	sne.s32 s11, $0x1FC0;
	v4 =	vld [tilespmem:s12+$0x0];
	_ =	sdelay $0x3  }
.Ltmp9:
0x9e: {  	(pc) =	sbr.rel @p0 .LBB2_19-.Ltmp9, $4  }
0x9f: {  	vm0 =	vlt.s32 v4, v3  }
0xa0: {  	v4 =	vsel vm0, $0x1, v0  }
0xa1: {  	v2 =	vadd.s32 v4, v2  }
0xa2: {  	s12 =	sshra.s32 s11, $0x2;
	s11 =	sadd.s32 $0x40, s11;
	[tilespmem:$0x1000] =	vst v2  }
0xa3: {  	v4 =	vld [tilespmem:s12+$0x0];
	_ =	sdelay $0x4  }
0xa4: {  	vm0 =	vlt.s32 v4, v3  }
0xa5: {  	v3 =	vsel vm0, $0x1, v0  }
0xa6: {  	v2 =	vadd.s32 v3, v2  }
0xa7: {  	(xrf0) =	vadd.scan.msk.s32 $0xffff, v2;
	_ =	sdelay $0x5  }
0xa8: {  	v3, _, _ =	vpop (xrf0)  }
0xa9: {  	(v2sf) =	vpush v3, $0xF;
	_ =	sdelay $0xe  }
0xaa: {  	s11 =	spop (v2sf)  }
0xab: {  	p0 =	slt.s32 s11, $0x401  }
0xac: {  	s9 =	smov.u32 @p0 s10  }
0xad: {  	[tilespmem:$0x1000] =	vst v2;
	v2 =	vimm.s32 $0x0;
	s10 =	sadd.s32 $0x800000, s9  }
0xae: {  	s12 =	simm.s32 $0x0;
	[tilespmem:$0x1000] =	vst v2;
	s11 =	simm.s32 $0x40;
	v3 =	vmov s10  }
.LBB2_21:
0xaf: {  	p0 =	sne.s32 s11, $0x1FC0;
	v4 =	vld [tilespmem:s12+$0x0];
	_ =	sdelay $0x3  }
.Ltmp10:
0xb0: {  	(pc) =	sbr.rel @p0 .LBB2_21-.Ltmp10, $4  }
0xb1: {  	vm0 =	vlt.s32 v4, v3  }
0xb2: {  	v4 =	vsel vm0, $0x1, v0  }
0xb3: {  	v2 =	vadd.s32 v4, v2  }
0xb4: {  	s12 =	sshra.s32 s11, $0x2;
	s11 =	sadd.s32 $0x40, s11;
	[tilespmem:$0x1000] =	vst v2  }
0xb5: {  	v4 =	vld [tilespmem:s12+$0x0];
	_ =	sdelay $0x4  }
0xb6: {  	vm0 =	vlt.s32 v4, v3  }
0xb7: {  	v3 =	vsel vm0, $0x1, v0  }
0xb8: {  	v2 =	vadd.s32 v3, v2  }
0xb9: {  	(xrf0) =	vadd.scan.msk.s32 $0xffff, v2;
	_ =	sdelay $0x5  }
0xba: {  	v3, _, _ =	vpop (xrf0)  }
0xbb: {  	(v2sf) =	vpush v3, $0xF;
	_ =	sdelay $0xe  }
0xbc: {  	s11 =	spop (v2sf)  }
0xbd: {  	p0 =	slt.s32 s11, $0x401  }
0xbe: {  	s9 =	smov.u32 @p0 s10  }
0xbf: {  	[tilespmem:$0x1000] =	vst v2;
	v2 =	vimm.s32 $0x0;
	s10 =	sadd.s32 $0x400000, s9  }
0xc0: {  	s12 =	simm.s32 $0x0;
	[tilespmem:$0x1000] =	vst v2;
	s11 =	simm.s32 $0x40;
	v3 =	vmov s10  }
.LBB2_23:
0xc1: {  	p0 =	sne.s32 s11, $0x1FC0;
	v4 =	vld [tilespmem:s12+$0x0];
	_ =	sdelay $0x3  }
.Ltmp11:
0xc2: {  	(pc) =	sbr.rel @p0 .LBB2_23-.Ltmp11, $4  }
0xc3: {  	vm0 =	vlt.s32 v4, v3  }
0xc4: {  	v4 =	vsel vm0, $0x1, v0  }
0xc5: {  	v2 =	vadd.s32 v4, v2  }
0xc6: {  	s12 =	sshra.s32 s11, $0x2;
	s11 =	sadd.s32 $0x40, s11;
	[tilespmem:$0x1000] =	vst v2  }
0xc7: {  	v4 =	vld [tilespmem:s12+$0x0];
	_ =	sdelay $0x4  }
0xc8: {  	vm0 =	vlt.s32 v4, v3  }
0xc9: {  	v3 =	vsel vm0, $0x1, v0  }
0xca: {  	v2 =	vadd.s32 v3, v2  }
0xcb: {  	(xrf0) =	vadd.scan.msk.s32 $0xffff, v2;
	_ =	sdelay $0x5  }
0xcc: {  	v3, _, _ =	vpop (xrf0)  }
0xcd: {  	(v2sf) =	vpush v3, $0xF;
	_ =	sdelay $0xe  }
0xce: {  	s11 =	spop (v2sf)  }
0xcf: {  	p0 =	slt.s32 s11, $0x401  }
0xd0: {  	s9 =	smov.u32 @p0 s10  }
0xd1: {  	[tilespmem:$0x1000] =	vst v2;
	v2 =	vimm.s32 $0x0;
	s10 =	sadd.s32 $0x200000, s9  }
0xd2: {  	s12 =	simm.s32 $0x0;
	[tilespmem:$0x1000] =	vst v2;
	s11 =	simm.s32 $0x40;
	v3 =	vmov s10  }
.LBB2_25:
0xd3: {  	p0 =	sne.s32 s11, $0x1FC0;
	v4 =	vld [tilespmem:s12+$0x0];
	_ =	sdelay $0x3  }
.Ltmp12:
0xd4: {  	(pc) =	sbr.rel @p0 .LBB2_25-.Ltmp12, $4  }
0xd5: {  	vm0 =	vlt.s32 v4, v3  }
0xd6: {  	v4 =	vsel vm0, $0x1, v0  }
0xd7: {  	v2 =	vadd.s32 v4, v2  }
0xd8: {  	s12 =	sshra.s32 s11, $0x2;
	s11 =	sadd.s32 $0x40, s11;
	[tilespmem:$0x1000] =	vst v2  }
0xd9: {  	v4 =	vld [tilespmem:s12+$0x0];
	_ =	sdelay $0x4  }
0xda: {  	vm0 =	vlt.s32 v4, v3  }
0xdb: {  	v3 =	vsel vm0, $0x1, v0  }
0xdc: {  	v2 =	vadd.s32 v3, v2  }
0xdd: {  	(xrf0) =	vadd.scan.msk.s32 $0xffff, v2;
	_ =	sdelay $0x5  }
0xde: {  	v3, _, _ =	vpop (xrf0)  }
0xdf: {  	(v2sf) =	vpush v3, $0xF;
	_ =	sdelay $0xe  }
0xe0: {  	s11 =	spop (v2sf)  }
0xe1: {  	p0 =	slt.s32 s11, $0x401  }
0xe2: {  	s9 =	smov.u32 @p0 s10  }
0xe3: {  	[tilespmem:$0x1000] =	vst v2;
	v2 =	vimm.s32 $0x0;
	s10 =	sadd.s32 $0x100000, s9  }
0xe4: {  	s12 =	simm.s32 $0x0;
	[tilespmem:$0x1000] =	vst v2;
	s11 =	simm.s32 $0x40;
	v3 =	vmov s10  }
.LBB2_27:
0xe5: {  	p0 =	sne.s32 s11, $0x1FC0;
	v4 =	vld [tilespmem:s12+$0x0];
	_ =	sdelay $0x3  }
.Ltmp13:
0xe6: {  	(pc) =	sbr.rel @p0 .LBB2_27-.Ltmp13, $4  }
0xe7: {  	vm0 =	vlt.s32 v4, v3  }
0xe8: {  	v4 =	vsel vm0, $0x1, v0  }
0xe9: {  	v2 =	vadd.s32 v4, v2  }
0xea: {  	s12 =	sshra.s32 s11, $0x2;
	s11 =	sadd.s32 $0x40, s11;
	[tilespmem:$0x1000] =	vst v2  }
0xeb: {  	v4 =	vld [tilespmem:s12+$0x0];
	_ =	sdelay $0x4  }
0xec: {  	vm0 =	vlt.s32 v4, v3  }
0xed: {  	v3 =	vsel vm0, $0x1, v0  }
0xee: {  	v2 =	vadd.s32 v3, v2  }
0xef: {  	(xrf0) =	vadd.scan.msk.s32 $0xffff, v2;
	_ =	sdelay $0x5  }
0xf0: {  	v3, _, _ =	vpop (xrf0)  }
0xf1: {  	(v2sf) =	vpush v3, $0xF;
	_ =	sdelay $0xe  }
0xf2: {  	s11 =	spop (v2sf)  }
0xf3: {  	p0 =	slt.s32 s11, $0x401  }
0xf4: {  	s9 =	smov.u32 @p0 s10  }
0xf5: {  	[tilespmem:$0x1000] =	vst v2;
	v2 =	vimm.s32 $0x0;
	s10 =	sadd.s32 $0x80000, s9  }
0xf6: {  	s12 =	simm.s32 $0x0;
	[tilespmem:$0x1000] =	vst v2;
	s11 =	simm.s32 $0x40;
	[smem:$0x0] =	sst s9;
	v3 =	vmov s10  }
.LBB2_29:
0xf7: {  	p0 =	sne.s32 s11, $0x1FC0;
	v4 =	vld [tilespmem:s12+$0x0];
	_ =	sdelay $0x3  }
.Ltmp14:
0xf8: {  	(pc) =	sbr.rel @p0 .LBB2_29-.Ltmp14, $4  }
0xf9: {  	vm0 =	vlt.s32 v4, v3  }
0xfa: {  	v4 =	vsel vm0, $0x1, v0  }
0xfb: {  	v2 =	vadd.s32 v4, v2  }
0xfc: {  	s12 =	sshra.s32 s11, $0x2;
	s11 =	sadd.s32 $0x40, s11;
	[tilespmem:$0x1000] =	vst v2  }
0xfd: {  	v4 =	vld [tilespmem:s12+$0x0];
	_ =	sdelay $0x4  }
0xfe: {  	vm0 =	vlt.s32 v4, v3  }
0xff: {  	v3 =	vsel vm0, $0x1, v0  }
0x100: {  	v2 =	vadd.s32 v3, v2  }
0x101: {  	(xrf0) =	vadd.scan.msk.s32 $0xffff, v2;
	_ =	sdelay $0x5  }
0x102: {  	v3, _, _ =	vpop (xrf0)  }
0x103: {  	(v2sf) =	vpush v3, $0xF;
	_ =	sdelay $0xe  }
0x104: {  	s11 =	spop (v2sf)  }
0x105: {  	p0 =	slt.s32 s11, $0x401  }
0x106: {  	s9 =	smov.u32 @p0 s10  }
0x107: {  	[tilespmem:$0x1000] =	vst v2;
	v2 =	vimm.s32 $0x0;
	s10 =	sadd.s32 $0x40000, s9  }
0x108: {  	s12 =	simm.s32 $0x0;
	[tilespmem:$0x1000] =	vst v2;
	s11 =	simm.s32 $0x40;
	v3 =	vmov s10  }
.LBB2_31:
0x109: {  	p0 =	sne.s32 s11, $0x1FC0;
	v4 =	vld [tilespmem:s12+$0x0];
	_ =	sdelay $0x3  }
.Ltmp15:
0x10a: {  	(pc) =	sbr.rel @p0 .LBB2_31-.Ltmp15, $4  }
0x10b: {  	vm0 =	vlt.s32 v4, v3  }
0x10c: {  	v4 =	vsel vm0, $0x1, v0  }
0x10d: {  	v2 =	vadd.s32 v4, v2  }
0x10e: {  	s12 =	sshra.s32 s11, $0x2;
	s11 =	sadd.s32 $0x40, s11;
	[tilespmem:$0x1000] =	vst v2  }
0x10f: {  	v4 =	vld [tilespmem:s12+$0x0];
	_ =	sdelay $0x4  }
0x110: {  	vm0 =	vlt.s32 v4, v3  }
0x111: {  	v3 =	vsel vm0, $0x1, v0  }
0x112: {  	v2 =	vadd.s32 v3, v2  }
0x113: {  	(xrf0) =	vadd.scan.msk.s32 $0xffff, v2;
	_ =	sdelay $0x5  }
0x114: {  	v3, _, _ =	vpop (xrf0)  }
0x115: {  	(v2sf) =	vpush v3, $0xF;
	_ =	sdelay $0xe  }
0x116: {  	s11 =	spop (v2sf)  }
0x117: {  	p0 =	slt.s32 s11, $0x401  }
0x118: {  	s9 =	smov.u32 @p0 s10  }
0x119: {  	[tilespmem:$0x1000] =	vst v2;
	v2 =	vimm.s32 $0x0;
	s10 =	sadd.s32 $0x20000, s9  }
0x11a: {  	s12 =	simm.s32 $0x0;
	[tilespmem:$0x1000] =	vst v2;
	s11 =	simm.s32 $0x40;
	v3 =	vmov s10  }
.LBB2_33:
0x11b: {  	p0 =	sne.s32 s11, $0x1FC0;
	v4 =	vld [tilespmem:s12+$0x0];
	_ =	sdelay $0x3  }
.Ltmp16:
0x11c: {  	(pc) =	sbr.rel @p0 .LBB2_33-.Ltmp16, $4  }
0x11d: {  	vm0 =	vlt.s32 v4, v3  }
0x11e: {  	v4 =	vsel vm0, $0x1, v0  }
0x11f: {  	v2 =	vadd.s32 v4, v2  }
0x120: {  	s12 =	sshra.s32 s11, $0x2;
	s11 =	sadd.s32 $0x40, s11;
	[tilespmem:$0x1000] =	vst v2  }
0x121: {  	v4 =	vld [tilespmem:s12+$0x0];
	_ =	sdelay $0x4  }
0x122: {  	vm0 =	vlt.s32 v4, v3  }
0x123: {  	v3 =	vsel vm0, $0x1, v0  }
0x124: {  	v2 =	vadd.s32 v3, v2  }
0x125: {  	(xrf0) =	vadd.scan.msk.s32 $0xffff, v2;
	_ =	sdelay $0x5  }
0x126: {  	v3, _, _ =	vpop (xrf0)  }
0x127: {  	(v2sf) =	vpush v3, $0xF;
	_ =	sdelay $0xe  }
0x128: {  	s11 =	spop (v2sf)  }
0x129: {  	p0 =	slt.s32 s11, $0x401  }
0x12a: {  	s9 =	smov.u32 @p0 s10  }
0x12b: {  	[tilespmem:$0x1000] =	vst v2;
	v2 =	vimm.s32 $0x0;
	s10 =	sadd.s32 $0x10000, s9  }
0x12c: {  	s12 =	simm.s32 $0x0;
	[tilespmem:$0x1000] =	vst v2;
	s11 =	simm.s32 $0x40;
	v3 =	vmov s10  }
.LBB2_35:
0x12d: {  	p0 =	sne.s32 s11, $0x1FC0;
	v4 =	vld [tilespmem:s12+$0x0];
	_ =	sdelay $0x3  }
.Ltmp17:
0x12e: {  	(pc) =	sbr.rel @p0 .LBB2_35-.Ltmp17, $4  }
0x12f: {  	vm0 =	vlt.s32 v4, v3  }
0x130: {  	v4 =	vsel vm0, $0x1, v0  }
0x131: {  	v2 =	vadd.s32 v4, v2  }
0x132: {  	s12 =	sshra.s32 s11, $0x2;
	s11 =	sadd.s32 $0x40, s11;
	[tilespmem:$0x1000] =	vst v2  }
0x133: {  	v4 =	vld [tilespmem:s12+$0x0];
	_ =	sdelay $0x4  }
0x134: {  	vm0 =	vlt.s32 v4, v3  }
0x135: {  	v3 =	vsel vm0, $0x1, v0  }
0x136: {  	v2 =	vadd.s32 v3, v2  }
0x137: {  	(xrf0) =	vadd.scan.msk.s32 $0xffff, v2;
	_ =	sdelay $0x5  }
0x138: {  	v3, _, _ =	vpop (xrf0)  }
0x139: {  	(v2sf) =	vpush v3, $0xF;
	_ =	sdelay $0xe  }
0x13a: {  	s11 =	spop (v2sf)  }
0x13b: {  	p0 =	slt.s32 s11, $0x401  }
0x13c: {  	s9 =	smov.u32 @p0 s10  }
0x13d: {  	[tilespmem:$0x1000] =	vst v2;
	v2 =	vimm.s32 $0x0;
	s10 =	sadd.s32 $0x8000, s9  }
0x13e: {  	s12 =	simm.s32 $0x0;
	[tilespmem:$0x1000] =	vst v2;
	s11 =	simm.s32 $0x40;
	v3 =	vmov s10  }
.LBB2_37:
0x13f: {  	p0 =	sne.s32 s11, $0x1FC0;
	v4 =	vld [tilespmem:s12+$0x0];
	_ =	sdelay $0x3  }
.Ltmp18:
0x140: {  	(pc) =	sbr.rel @p0 .LBB2_37-.Ltmp18, $4  }
0x141: {  	vm0 =	vlt.s32 v4, v3  }
0x142: {  	v4 =	vsel vm0, $0x1, v0  }
0x143: {  	v2 =	vadd.s32 v4, v2  }
0x144: {  	s12 =	sshra.s32 s11, $0x2;
	s11 =	sadd.s32 $0x40, s11;
	[tilespmem:$0x1000] =	vst v2  }
0x145: {  	v4 =	vld [tilespmem:s12+$0x0];
	_ =	sdelay $0x4  }
0x146: {  	vm0 =	vlt.s32 v4, v3  }
0x147: {  	v3 =	vsel vm0, $0x1, v0  }
0x148: {  	v2 =	vadd.s32 v3, v2  }
0x149: {  	(xrf0) =	vadd.scan.msk.s32 $0xffff, v2;
	_ =	sdelay $0x5  }
0x14a: {  	v3, _, _ =	vpop (xrf0)  }
0x14b: {  	(v2sf) =	vpush v3, $0xF;
	_ =	sdelay $0xe  }
0x14c: {  	s11 =	spop (v2sf)  }
0x14d: {  	p0 =	slt.s32 s11, $0x401  }
0x14e: {  	s9 =	smov.u32 @p0 s10  }
0x14f: {  	[tilespmem:$0x1000] =	vst v2;
	v2 =	vimm.s32 $0x0;
	s10 =	sadd.s32 $0x4000, s9  }
0x150: {  	s12 =	simm.s32 $0x0;
	[tilespmem:$0x1000] =	vst v2;
	s11 =	simm.s32 $0x40;
	[smem:$0x0] =	sst s9;
	v3 =	vmov s10  }
.LBB2_39:
0x151: {  	p0 =	sne.s32 s11, $0x1FC0;
	v4 =	vld [tilespmem:s12+$0x0];
	_ =	sdelay $0x3  }
.Ltmp19:
0x152: {  	(pc) =	sbr.rel @p0 .LBB2_39-.Ltmp19, $4  }
0x153: {  	vm0 =	vlt.s32 v4, v3  }
0x154: {  	v4 =	vsel vm0, $0x1, v0  }
0x155: {  	v2 =	vadd.s32 v4, v2  }
0x156: {  	s12 =	sshra.s32 s11, $0x2;
	s11 =	sadd.s32 $0x40, s11;
	[tilespmem:$0x1000] =	vst v2  }
0x157: {  	v4 =	vld [tilespmem:s12+$0x0];
	_ =	sdelay $0x4  }
0x158: {  	vm0 =	vlt.s32 v4, v3  }
0x159: {  	v3 =	vsel vm0, $0x1, v0  }
0x15a: {  	v2 =	vadd.s32 v3, v2  }
0x15b: {  	(xrf0) =	vadd.scan.msk.s32 $0xffff, v2;
	_ =	sdelay $0x5  }
0x15c: {  	v3, _, _ =	vpop (xrf0)  }
0x15d: {  	(v2sf) =	vpush v3, $0xF;
	_ =	sdelay $0xe  }
0x15e: {  	s11 =	spop (v2sf)  }
0x15f: {  	p0 =	slt.s32 s11, $0x401  }
0x160: {  	s9 =	smov.u32 @p0 s10  }
0x161: {  	[tilespmem:$0x1000] =	vst v2;
	v2 =	vimm.s32 $0x0;
	s10 =	sadd.s32 $0x2000, s9  }
0x162: {  	s12 =	simm.s32 $0x0;
	[tilespmem:$0x1000] =	vst v2;
	s11 =	simm.s32 $0x40;
	v3 =	vmov s10  }
.LBB2_41:
0x163: {  	p0 =	sne.s32 s11, $0x1FC0;
	v4 =	vld [tilespmem:s12+$0x0];
	_ =	sdelay $0x3  }
.Ltmp20:
0x164: {  	(pc) =	sbr.rel @p0 .LBB2_41-.Ltmp20, $4  }
0x165: {  	vm0 =	vlt.s32 v4, v3  }
0x166: {  	v4 =	vsel vm0, $0x1, v0  }
0x167: {  	v2 =	vadd.s32 v4, v2  }
0x168: {  	s12 =	sshra.s32 s11, $0x2;
	s11 =	sadd.s32 $0x40, s11;
	[tilespmem:$0x1000] =	vst v2  }
0x169: {  	v4 =	vld [tilespmem:s12+$0x0];
	_ =	sdelay $0x4  }
0x16a: {  	vm0 =	vlt.s32 v4, v3  }
0x16b: {  	v3 =	vsel vm0, $0x1, v0  }
0x16c: {  	v2 =	vadd.s32 v3, v2  }
0x16d: {  	(xrf0) =	vadd.scan.msk.s32 $0xffff, v2;
	_ =	sdelay $0x5  }
0x16e: {  	v3, _, _ =	vpop (xrf0)  }
0x16f: {  	(v2sf) =	vpush v3, $0xF;
	_ =	sdelay $0xe  }
0x170: {  	s11 =	spop (v2sf)  }
0x171: {  	p0 =	slt.s32 s11, $0x401  }
0x172: {  	s9 =	smov.u32 @p0 s10  }
0x173: {  	[tilespmem:$0x1000] =	vst v2;
	v2 =	vimm.s32 $0x0;
	s10 =	sadd.s32 $0x1000, s9  }
0x174: {  	s12 =	simm.s32 $0x0;
	[tilespmem:$0x1000] =	vst v2;
	s11 =	simm.s32 $0x40;
	v3 =	vmov s10  }
.LBB2_43:
0x175: {  	p0 =	sne.s32 s11, $0x1FC0;
	v4 =	vld [tilespmem:s12+$0x0];
	_ =	sdelay $0x3  }
.Ltmp21:
0x176: {  	(pc) =	sbr.rel @p0 .LBB2_43-.Ltmp21, $4  }
0x177: {  	vm0 =	vlt.s32 v4, v3  }
0x178: {  	v4 =	vsel vm0, $0x1, v0  }
0x179: {  	v2 =	vadd.s32 v4, v2  }
0x17a: {  	s12 =	sshra.s32 s11, $0x2;
	s11 =	sadd.s32 $0x40, s11;
	[tilespmem:$0x1000] =	vst v2  }
0x17b: {  	v4 =	vld [tilespmem:s12+$0x0];
	_ =	sdelay $0x4  }
0x17c: {  	vm0 =	vlt.s32 v4, v3  }
0x17d: {  	v3 =	vsel vm0, $0x1, v0  }
0x17e: {  	v2 =	vadd.s32 v3, v2  }
0x17f: {  	(xrf0) =	vadd.scan.msk.s32 $0xffff, v2;
	_ =	sdelay $0x5  }
0x180: {  	v3, _, _ =	vpop (xrf0)  }
0x181: {  	(v2sf) =	vpush v3, $0xF;
	_ =	sdelay $0xe  }
0x182: {  	s11 =	spop (v2sf)  }
0x183: {  	p0 =	slt.s32 s11, $0x401  }
0x184: {  	s9 =	smov.u32 @p0 s10  }
0x185: {  	[tilespmem:$0x1000] =	vst v2;
	v2 =	vimm.s32 $0x0;
	s10 =	sadd.s32 $0x800, s9  }
0x186: {  	s12 =	simm.s32 $0x0;
	[tilespmem:$0x1000] =	vst v2;
	s11 =	simm.s32 $0x40;
	v3 =	vmov s10  }
.LBB2_45:
0x187: {  	p0 =	sne.s32 s11, $0x1FC0;
	v4 =	vld [tilespmem:s12+$0x0];
	_ =	sdelay $0x3  }
.Ltmp22:
0x188: {  	(pc) =	sbr.rel @p0 .LBB2_45-.Ltmp22, $4  }
0x189: {  	vm0 =	vlt.s32 v4, v3  }
0x18a: {  	v4 =	vsel vm0, $0x1, v0  }
0x18b: {  	v2 =	vadd.s32 v4, v2  }
0x18c: {  	s12 =	sshra.s32 s11, $0x2;
	s11 =	sadd.s32 $0x40, s11;
	[tilespmem:$0x1000] =	vst v2  }
0x18d: {  	v4 =	vld [tilespmem:s12+$0x0];
	_ =	sdelay $0x4  }
0x18e: {  	vm0 =	vlt.s32 v4, v3  }
0x18f: {  	v3 =	vsel vm0, $0x1, v0  }
0x190: {  	v2 =	vadd.s32 v3, v2  }
0x191: {  	(xrf0) =	vadd.scan.msk.s32 $0xffff, v2;
	_ =	sdelay $0x5  }
0x192: {  	v3, _, _ =	vpop (xrf0)  }
0x193: {  	(v2sf) =	vpush v3, $0xF;
	_ =	sdelay $0xe  }
0x194: {  	s11 =	spop (v2sf)  }
0x195: {  	p0 =	slt.s32 s11, $0x401  }
0x196: {  	s9 =	smov.u32 @p0 s10  }
0x197: {  	[tilespmem:$0x1000] =	vst v2;
	v2 =	vimm.s32 $0x0;
	s10 =	sadd.s32 $0x400, s9  }
0x198: {  	s12 =	simm.s32 $0x0;
	[tilespmem:$0x1000] =	vst v2;
	s11 =	simm.s32 $0x40;
	v3 =	vmov s10  }
.LBB2_47:
0x199: {  	p0 =	sne.s32 s11, $0x1FC0;
	v4 =	vld [tilespmem:s12+$0x0];
	_ =	sdelay $0x3  }
.Ltmp23:
0x19a: {  	(pc) =	sbr.rel @p0 .LBB2_47-.Ltmp23, $4  }
0x19b: {  	vm0 =	vlt.s32 v4, v3  }
0x19c: {  	v4 =	vsel vm0, $0x1, v0  }
0x19d: {  	v2 =	vadd.s32 v4, v2  }
0x19e: {  	s12 =	sshra.s32 s11, $0x2;
	s11 =	sadd.s32 $0x40, s11;
	[tilespmem:$0x1000] =	vst v2  }
0x19f: {  	v4 =	vld [tilespmem:s12+$0x0];
	_ =	sdelay $0x4  }
0x1a0: {  	vm0 =	vlt.s32 v4, v3  }
0x1a1: {  	v3 =	vsel vm0, $0x1, v0  }
0x1a2: {  	v2 =	vadd.s32 v3, v2  }
0x1a3: {  	(xrf0) =	vadd.scan.msk.s32 $0xffff, v2;
	_ =	sdelay $0x5  }
0x1a4: {  	v3, _, _ =	vpop (xrf0)  }
0x1a5: {  	(v2sf) =	vpush v3, $0xF;
	_ =	sdelay $0xe  }
0x1a6: {  	s11 =	spop (v2sf)  }
0x1a7: {  	p0 =	slt.s32 s11, $0x401  }
0x1a8: {  	s9 =	smov.u32 @p0 s10  }
0x1a9: {  	[tilespmem:$0x1000] =	vst v2;
	v2 =	vimm.s32 $0x0;
	s10 =	sadd.s32 $0x200, s9  }
0x1aa: {  	s12 =	simm.s32 $0x0;
	[tilespmem:$0x1000] =	vst v2;
	s11 =	simm.s32 $0x40;
	[smem:$0x0] =	sst s9;
	v3 =	vmov s10  }
.LBB2_49:
0x1ab: {  	p0 =	sne.s32 s11, $0x1FC0;
	v4 =	vld [tilespmem:s12+$0x0];
	_ =	sdelay $0x3  }
.Ltmp24:
0x1ac: {  	(pc) =	sbr.rel @p0 .LBB2_49-.Ltmp24, $4  }
0x1ad: {  	vm0 =	vlt.s32 v4, v3  }
0x1ae: {  	v4 =	vsel vm0, $0x1, v0  }
0x1af: {  	v2 =	vadd.s32 v4, v2  }
0x1b0: {  	s12 =	sshra.s32 s11, $0x2;
	s11 =	sadd.s32 $0x40, s11;
	[tilespmem:$0x1000] =	vst v2  }
0x1b1: {  	v4 =	vld [tilespmem:s12+$0x0];
	_ =	sdelay $0x4  }
0x1b2: {  	vm0 =	vlt.s32 v4, v3  }
0x1b3: {  	v3 =	vsel vm0, $0x1, v0  }
0x1b4: {  	v2 =	vadd.s32 v3, v2  }
0x1b5: {  	(xrf0) =	vadd.scan.msk.s32 $0xffff, v2;
	_ =	sdelay $0x5  }
0x1b6: {  	v3, _, _ =	vpop (xrf0)  }
0x1b7: {  	(v2sf) =	vpush v3, $0xF;
	_ =	sdelay $0xe  }
0x1b8: {  	s11 =	spop (v2sf)  }
0x1b9: {  	p0 =	slt.s32 s11, $0x401  }
0x1ba: {  	s9 =	smov.u32 @p0 s10  }
0x1bb: {  	[tilespmem:$0x1000] =	vst v2;
	v2 =	vimm.s32 $0x0;
	s10 =	sadd.s32 $0x100, s9  }
0x1bc: {  	s12 =	simm.s32 $0x0;
	[tilespmem:$0x1000] =	vst v2;
	s11 =	simm.s32 $0x40;
	v3 =	vmov s10  }
.LBB2_51:
0x1bd: {  	p0 =	sne.s32 s11, $0x1FC0;
	v4 =	vld [tilespmem:s12+$0x0];
	_ =	sdelay $0x3  }
.Ltmp25:
0x1be: {  	(pc) =	sbr.rel @p0 .LBB2_51-.Ltmp25, $4  }
0x1bf: {  	vm0 =	vlt.s32 v4, v3  }
0x1c0: {  	v4 =	vsel vm0, $0x1, v0  }
0x1c1: {  	v2 =	vadd.s32 v4, v2  }
0x1c2: {  	s12 =	sshra.s32 s11, $0x2;
	s11 =	sadd.s32 $0x40, s11;
	[tilespmem:$0x1000] =	vst v2  }
0x1c3: {  	v4 =	vld [tilespmem:s12+$0x0];
	_ =	sdelay $0x4  }
0x1c4: {  	vm0 =	vlt.s32 v4, v3  }
0x1c5: {  	v3 =	vsel vm0, $0x1, v0  }
0x1c6: {  	v2 =	vadd.s32 v3, v2  }
0x1c7: {  	(xrf0) =	vadd.scan.msk.s32 $0xffff, v2;
	_ =	sdelay $0x5  }
0x1c8: {  	v3, _, _ =	vpop (xrf0)  }
0x1c9: {  	(v2sf) =	vpush v3, $0xF;
	_ =	sdelay $0xe  }
0x1ca: {  	s11 =	spop (v2sf)  }
0x1cb: {  	p0 =	slt.s32 s11, $0x401  }
0x1cc: {  	s9 =	smov.u32 @p0 s10  }
0x1cd: {  	[tilespmem:$0x1000] =	vst v2;
	v2 =	vimm.s32 $0x0;
	s10 =	sadd.s32 $0x80, s9  }
0x1ce: {  	s12 =	simm.s32 $0x0;
	[tilespmem:$0x1000] =	vst v2;
	s11 =	simm.s32 $0x40;
	v3 =	vmov s10  }
.LBB2_53:
0x1cf: {  	p0 =	sne.s32 s11, $0x1FC0;
	v4 =	vld [tilespmem:s12+$0x0];
	_ =	sdelay $0x3  }
.Ltmp26:
0x1d0: {  	(pc) =	sbr.rel @p0 .LBB2_53-.Ltmp26, $4  }
0x1d1: {  	vm0 =	vlt.s32 v4, v3  }
0x1d2: {  	v4 =	vsel vm0, $0x1, v0  }
0x1d3: {  	v2 =	vadd.s32 v4, v2  }
0x1d4: {  	s12 =	sshra.s32 s11, $0x2;
	s11 =	sadd.s32 $0x40, s11;
	[tilespmem:$0x1000] =	vst v2  }
0x1d5: {  	v4 =	vld [tilespmem:s12+$0x0];
	_ =	sdelay $0x4  }
0x1d6: {  	vm0 =	vlt.s32 v4, v3  }
0x1d7: {  	v3 =	vsel vm0, $0x1, v0  }
0x1d8: {  	v2 =	vadd.s32 v3, v2  }
0x1d9: {  	(xrf0) =	vadd.scan.msk.s32 $0xffff, v2;
	_ =	sdelay $0x5  }
0x1da: {  	v3, _, _ =	vpop (xrf0)  }
0x1db: {  	(v2sf) =	vpush v3, $0xF;
	_ =	sdelay $0xe  }
0x1dc: {  	s11 =	spop (v2sf)  }
0x1dd: {  	p0 =	slt.s32 s11, $0x401  }
0x1de: {  	s9 =	smov.u32 @p0 s10  }
0x1df: {  	[tilespmem:$0x1000] =	vst v2;
	v2 =	vimm.s32 $0x0;
	s10 =	sadd.s32 $0x40, s9  }
0x1e0: {  	s12 =	simm.s32 $0x0;
	[tilespmem:$0x1000] =	vst v2;
	s11 =	simm.s32 $0x40;
	v3 =	vmov s10  }
.LBB2_55:
0x1e1: {  	p0 =	sne.s32 s11, $0x1FC0;
	v4 =	vld [tilespmem:s12+$0x0];
	_ =	sdelay $0x3  }
.Ltmp27:
0x1e2: {  	(pc) =	sbr.rel @p0 .LBB2_55-.Ltmp27, $4  }
0x1e3: {  	vm0 =	vlt.s32 v4, v3  }
0x1e4: {  	v4 =	vsel vm0, $0x1, v0  }
0x1e5: {  	v2 =	vadd.s32 v4, v2  }
0x1e6: {  	s12 =	sshra.s32 s11, $0x2;
	s11 =	sadd.s32 $0x40, s11;
	[tilespmem:$0x1000] =	vst v2  }
0x1e7: {  	v4 =	vld [tilespmem:s12+$0x0];
	_ =	sdelay $0x4  }
0x1e8: {  	vm0 =	vlt.s32 v4, v3  }
0x1e9: {  	v3 =	vsel vm0, $0x1, v0  }
0x1ea: {  	v2 =	vadd.s32 v3, v2  }
0x1eb: {  	(xrf0) =	vadd.scan.msk.s32 $0xffff, v2;
	_ =	sdelay $0x5  }
0x1ec: {  	v3, _, _ =	vpop (xrf0)  }
0x1ed: {  	(v2sf) =	vpush v3, $0xF;
	_ =	sdelay $0xe  }
0x1ee: {  	s11 =	spop (v2sf)  }
0x1ef: {  	p0 =	slt.s32 s11, $0x401  }
0x1f0: {  	s9 =	smov.u32 @p0 s10  }
0x1f1: {  	[tilespmem:$0x1000] =	vst v2;
	v2 =	vimm.s32 $0x0;
	s10 =	sadd.s32 $0x20, s9  }
0x1f2: {  	s12 =	simm.s32 $0x0;
	[tilespmem:$0x1000] =	vst v2;
	s11 =	simm.s32 $0x40;
	v3 =	vmov s10  }
.LBB2_57:
0x1f3: {  	p0 =	sne.s32 s11, $0x1FC0;
	v4 =	vld [tilespmem:s12+$0x0];
	_ =	sdelay $0x3  }
.Ltmp28:
0x1f4: {  	(pc) =	sbr.rel @p0 .LBB2_57-.Ltmp28, $4  }
0x1f5: {  	vm0 =	vlt.s32 v4, v3  }
0x1f6: {  	v4 =	vsel vm0, $0x1, v0  }
0x1f7: {  	v2 =	vadd.s32 v4, v2  }
0x1f8: {  	s12 =	sshra.s32 s11, $0x2;
	s11 =	sadd.s32 $0x40, s11;
	[tilespmem:$0x1000] =	vst v2  }
0x1f9: {  	v4 =	vld [tilespmem:s12+$0x0];
	_ =	sdelay $0x4  }
0x1fa: {  	vm0 =	vlt.s32 v4, v3  }
0x1fb: {  	v3 =	vsel vm0, $0x1, v0  }
0x1fc: {  	v2 =	vadd.s32 v3, v2  }
0x1fd: {  	(xrf0) =	vadd.scan.msk.s32 $0xffff, v2;
	_ =	sdelay $0x5  }
0x1fe: {  	v3, _, _ =	vpop (xrf0)  }
0x1ff: {  	(v2sf) =	vpush v3, $0xF;
	_ =	sdelay $0xe  }
0x200: {  	s11 =	spop (v2sf)  }
0x201: {  	p0 =	slt.s32 s11, $0x401  }
0x202: {  	s9 =	smov.u32 @p0 s10  }
0x203: {  	[tilespmem:$0x1000] =	vst v2;
	v2 =	vimm.s32 $0x0;
	s10 =	sadd.s32 $0x10, s9  }
0x204: {  	s12 =	simm.s32 $0x0;
	[tilespmem:$0x1000] =	vst v2;
	s11 =	simm.s32 $0x40;
	[smem:$0x0] =	sst s9;
	v3 =	vmov s10  }
.LBB2_59:
0x205: {  	p0 =	sne.s32 s11, $0x1FC0;
	v4 =	vld [tilespmem:s12+$0x0];
	_ =	sdelay $0x3  }
.Ltmp29:
0x206: {  	(pc) =	sbr.rel @p0 .LBB2_59-.Ltmp29, $4  }
0x207: {  	vm0 =	vlt.s32 v4, v3  }
0x208: {  	v4 =	vsel vm0, $0x1, v0  }
0x209: {  	v2 =	vadd.s32 v4, v2  }
0x20a: {  	s12 =	sshra.s32 s11, $0x2;
	s11 =	sadd.s32 $0x40, s11;
	[tilespmem:$0x1000] =	vst v2  }
0x20b: {  	v4 =	vld [tilespmem:s12+$0x0];
	_ =	sdelay $0x4  }
0x20c: {  	vm0 =	vlt.s32 v4, v3  }
0x20d: {  	v3 =	vsel vm0, $0x1, v0  }
0x20e: {  	v2 =	vadd.s32 v3, v2  }
0x20f: {  	(xrf0) =	vadd.scan.msk.s32 $0xffff, v2;
	_ =	sdelay $0x5  }
0x210: {  	v3, _, _ =	vpop (xrf0)  }
0x211: {  	(v2sf) =	vpush v3, $0xF;
	_ =	sdelay $0xe  }
0x212: {  	s11 =	spop (v2sf)  }
0x213: {  	p0 =	slt.s32 s11, $0x401  }
0x214: {  	s9 =	smov.u32 @p0 s10  }
0x215: {  	[tilespmem:$0x1000] =	vst v2;
	v2 =	vimm.s32 $0x0;
	s10 =	sadd.s32 $0x8, s9  }
0x216: {  	s12 =	simm.s32 $0x0;
	[tilespmem:$0x1000] =	vst v2;
	s11 =	simm.s32 $0x40;
	v3 =	vmov s10  }
.LBB2_61:
0x217: {  	p0 =	sne.s32 s11, $0x1FC0;
	v4 =	vld [tilespmem:s12+$0x0];
	_ =	sdelay $0x3  }
.Ltmp30:
0x218: {  	(pc) =	sbr.rel @p0 .LBB2_61-.Ltmp30, $4  }
0x219: {  	vm0 =	vlt.s32 v4, v3  }
0x21a: {  	v4 =	vsel vm0, $0x1, v0  }
0x21b: {  	v2 =	vadd.s32 v4, v2  }
0x21c: {  	s12 =	sshra.s32 s11, $0x2;
	s11 =	sadd.s32 $0x40, s11;
	[tilespmem:$0x1000] =	vst v2  }
0x21d: {  	v4 =	vld [tilespmem:s12+$0x0];
	_ =	sdelay $0x4  }
0x21e: {  	vm0 =	vlt.s32 v4, v3  }
0x21f: {  	v3 =	vsel vm0, $0x1, v0  }
0x220: {  	v2 =	vadd.s32 v3, v2  }
0x221: {  	(xrf0) =	vadd.scan.msk.s32 $0xffff, v2;
	_ =	sdelay $0x5  }
0x222: {  	v3, _, _ =	vpop (xrf0)  }
0x223: {  	(v2sf) =	vpush v3, $0xF;
	_ =	sdelay $0xe  }
0x224: {  	s11 =	spop (v2sf)  }
0x225: {  	p0 =	slt.s32 s11, $0x401  }
0x226: {  	s9 =	smov.u32 @p0 s10  }
0x227: {  	[tilespmem:$0x1000] =	vst v2;
	v2 =	vimm.s32 $0x0;
	s10 =	sadd.s32 $0x4, s9  }
0x228: {  	s12 =	simm.s32 $0x0;
	[tilespmem:$0x1000] =	vst v2;
	s11 =	simm.s32 $0x40;
	v3 =	vmov s10  }
.LBB2_63:
0x229: {  	p0 =	sne.s32 s11, $0x1FC0;
	v4 =	vld [tilespmem:s12+$0x0];
	_ =	sdelay $0x3  }
.Ltmp31:
0x22a: {  	(pc) =	sbr.rel @p0 .LBB2_63-.Ltmp31, $4  }
0x22b: {  	vm0 =	vlt.s32 v4, v3  }
0x22c: {  	v4 =	vsel vm0, $0x1, v0  }
0x22d: {  	v2 =	vadd.s32 v4, v2  }
0x22e: {  	s12 =	sshra.s32 s11, $0x2;
	s11 =	sadd.s32 $0x40, s11;
	[tilespmem:$0x1000] =	vst v2  }
0x22f: {  	v4 =	vld [tilespmem:s12+$0x0];
	_ =	sdelay $0x4  }
0x230: {  	vm0 =	vlt.s32 v4, v3  }
0x231: {  	v3 =	vsel vm0, $0x1, v0  }
0x232: {  	v2 =	vadd.s32 v3, v2  }
0x233: {  	(xrf0) =	vadd.scan.msk.s32 $0xffff, v2;
	_ =	sdelay $0x5  }
0x234: {  	v3, _, _ =	vpop (xrf0)  }
0x235: {  	(v2sf) =	vpush v3, $0xF;
	_ =	sdelay $0xe  }
0x236: {  	s11 =	spop (v2sf)  }
0x237: {  	p0 =	slt.s32 s11, $0x401  }
0x238: {  	s9 =	smov.u32 @p0 s10  }
0x239: {  	[tilespmem:$0x1000] =	vst v2;
	v2 =	vimm.s32 $0x0;
	s10 =	sadd.s32 $0x2, s9  }
0x23a: {  	s12 =	simm.s32 $0x0;
	[tilespmem:$0x1000] =	vst v2;
	s11 =	simm.s32 $0x40;
	v3 =	vmov s10  }
.LBB2_65:
0x23b: {  	p0 =	sne.s32 s11, $0x1FC0;
	v4 =	vld [tilespmem:s12+$0x0];
	_ =	sdelay $0x3  }
.Ltmp32:
0x23c: {  	(pc) =	sbr.rel @p0 .LBB2_65-.Ltmp32, $4  }
0x23d: {  	vm0 =	vlt.s32 v4, v3  }
0x23e: {  	v4 =	vsel vm0, $0x1, v0  }
0x23f: {  	v2 =	vadd.s32 v4, v2  }
0x240: {  	s12 =	sshra.s32 s11, $0x2;
	s11 =	sadd.s32 $0x40, s11;
	[tilespmem:$0x1000] =	vst v2  }
0x241: {  	v4 =	vld [tilespmem:s12+$0x0];
	_ =	sdelay $0x4  }
0x242: {  	vm0 =	vlt.s32 v4, v3  }
0x243: {  	v3 =	vsel vm0, $0x1, v0  }
0x244: {  	v2 =	vadd.s32 v3, v2  }
0x245: {  	(xrf0) =	vadd.scan.msk.s32 $0xffff, v2;
	_ =	sdelay $0x5  }
0x246: {  	v3, _, _ =	vpop (xrf0)  }
0x247: {  	(v2sf) =	vpush v3, $0xF;
	_ =	sdelay $0xe  }
0x248: {  	s11 =	spop (v2sf)  }
0x249: {  	p0 =	slt.s32 s11, $0x401  }
0x24a: {  	s9 =	smov.u32 @p0 s10  }
0x24b: {  	[tilespmem:$0x1000] =	vst v2;
	v2 =	vimm.s32 $0x0;
	s10 =	sadd.s32 $0x1, s9  }
0x24c: {  	s12 =	simm.s32 $0x0;
	[tilespmem:$0x1000] =	vst v2;
	s11 =	simm.s32 $0x40;
	v3 =	vmov s10  }
.LBB2_67:
0x24d: {  	p0 =	sne.s32 s11, $0x1FC0;
	v4 =	vld [tilespmem:s12+$0x0];
	_ =	sdelay $0x3  }
.Ltmp33:
0x24e: {  	(pc) =	sbr.rel @p0 .LBB2_67-.Ltmp33, $4  }
0x24f: {  	vm0 =	vlt.s32 v4, v3  }
0x250: {  	v4 =	vsel vm0, $0x1, v0  }
0x251: {  	v2 =	vadd.s32 v4, v2  }
0x252: {  	s12 =	sshra.s32 s11, $0x2;
	s11 =	sadd.s32 $0x40, s11;
	[tilespmem:$0x1000] =	vst v2  }
0x253: {  	v4 =	vld [tilespmem:s12+$0x0];
	_ =	sdelay $0x4  }
0x254: {  	vm0 =	vlt.s32 v4, v3  }
0x255: {  	v3 =	vsel vm0, $0x1, v0  }
0x256: {  	v2 =	vadd.s32 v3, v2  }
0x257: {  	(xrf0) =	vadd.scan.msk.s32 $0xffff, v2;
	_ =	sdelay $0x5  }
0x258: {  	v3, _, _ =	vpop (xrf0)  }
0x259: {  	(v2sf) =	vpush v3, $0xF;
	_ =	sdelay $0xe  }
0x25a: {  	s11 =	spop (v2sf)  }
0x25b: {  	p0 =	slt.s32 s11, $0x401  }
0x25c: {  	[tilespmem:$0x1000] =	vst v2;
	v2 =	vimm.s32 $0x0;
	s9 =	smov.u32 @p0 s10  }
0x25d: {  	[tilespmem:$0x1000] =	vst v2;
	s10 =	simm.s32 $0x0;
	[smem:$0x0] =	sst s9;
	v3 =	vmov s9;
	s9 =	simm.s32 $0x40  }
.LBB2_69:
0x25e: {  	p0 =	sne.s32 s9, $0x1FC0;
	v4 =	vld [tilespmem:s10+$0x0];
	_ =	sdelay $0x3  }
.Ltmp34:
0x25f: {  	(pc) =	sbr.rel @p0 .LBB2_69-.Ltmp34, $4  }
0x260: {  	vm0 =	vgt.s32 v4, v3  }
0x261: {  	v4 =	vsel vm0, $0x1, v0  }
0x262: {  	v2 =	vadd.s32 v4, v2  }
0x263: {  	s10 =	sshra.s32 s9, $0x2;
	s9 =	sadd.s32 $0x40, s9;
	[tilespmem:$0x1000] =	vst v2  }
0x264: {  	v4 =	vld [tilespmem:s10+$0x0];
	_ =	sdelay $0x4  }
0x265: {  	vm0 =	vgt.s32 v4, v3  }
0x266: {  	v4 =	vsel vm0, $0x1, v0  }
0x267: {  	v2 =	vadd.s32 v4, v2  }
0x268: {  	(xrf0) =	vadd.scan.msk.s32 $0xffff, v2;
	_ =	sdelay $0x5  }
0x269: {  	v4, _, _ =	vpop (xrf0)  }
0x26a: {  	(v2sf) =	vpush v4, $0xF;
	_ =	sdelay $0x1  }
0x26b: {  	s11 =	simm.s32 $0x0;
	[tilespmem:$0x1000] =	vst v2  }
0x26c: {  	v4 =	vld [tilespmem:s11+$0x0];
	_ =	sdelay $0x3  }
0x26d: {  	s10 =	simm.s32 $0x10  }
0x26e: {  	s9 =	simm.s32 $0x20;
	v5 =	vld [tilespmem:s10+$0x0];
	vm0 =	veq.s32 v4, v3  }
0x26f: {  	v6 =	vld [tilespmem:s9+$0x0];
	v2 =	vsel vm0, $0x1, v0  }
0x270: {  	(xrf0) =	vadd.scan.msk.s32 $0xffff, v2;
	_ =	sdelay $0x2  }
0x271: {  	vm1 =	veq.s32 v5, v3  }
0x272: {  	vm3 =	veq.s32 v6, v3;
	v2 =	vsel vm1, $0x1, v0  }
0x273: {  	vm2 =	vgt.s32 v4, v3;
	v4 =	vsel vm3, $0x1, v0;
	(xrf0) =	vadd.scan.msk.s32 $0xffff, v2;
	s12 =	spop (v2sf)  }
0x274: {  	v10, _, _ =	vpop (xrf0);
	(xrf0) =	vadd.scan.msk.s32 $0xffff, v4;
	s15 =	ssub.s32 $0x400, s12;
	s12 =	simm.s32 $0x30  }
0x275: {  	v8 =	vld [tilespmem:s12+$0x0]  }
0x276: {  	vm4 =	vgt.s32 v5, v3  }
0x277: {  	vm6 =	vgt.s32 v6, v3;
	vm2 =	vmmov vm2;
	(v2sf) =	vpush v10, $0xF  }
0x278: {  	vm5 =	vmmov vm4;
	v6 =	vsel vm3, $0xFFFFFFFF, v0;
	vm2 =	vmmov vm2  }
0x279: {  	vm10 =	vmmov vm5;
	vm7 =	vmmov vm2;
	vm2 =	vmmov vm3;
	v7, _, _ =	vpop (xrf0)  }
0x27a: {  	(v2sf) =	vpush v7, $0xF;
	vm5 =	veq.s32 v8, v3;
	vm3 =	vgt.s32 v8, v3;
	v8, _, _ =	vpop (xrf0)  }
0x27b: {  	(v2sf) =	vpush v8, $0xF;
	_ =	sdelay $0x2  }
0x27c: {  	v9 =	vsel vm0, $0xFFFFFFFF, v0;
	vm0 =	vmmov vm0  }
0x27d: {  	s14 =	simm.s32 $0x0;
	v5 =	vsel vm1, $0xFFFFFFFF, v0;
	vm0 =	vmmov vm0  }
0x27e: {  	s13 =	simm.s32 $0x40;
	vm1 =	vmmov vm1;
	v9 =	vadd.s32 s14, v9;
	vm4 =	vmmov vm0  }
0x27f: {  	vm1 =	vmmov vm1;
	v10 =	vadd.s32 v10, v9;
	v9 =	vld [tilespmem:s13+$0x0];
	v11 =	vsel vm5, $0x1, v0  }
0x280: {  	vm0 =	vmmov vm6;
	vm6 =	vmmov vm10;
	v2 =	vmov s15;
	(xrf0) =	vadd.scan.msk.s32 $0xffff, v11  }
0x281: {  	vm8 =	vmmov vm7;
	[smem:$0x2] =	sst s15;
	s15 =	simm.s32 $0x140;
	vm9 =	vlt.s32 v10, v2;
	v4 =	vsel vm5, $0xFFFFFFFF, v0  }
.LBB2_71:
0x282: {  	vm9 =	vmand vm4, vm9;
	vm4 =	vmmov vm1;
	vm1 =	vmmov vm2  }
0x283: {  	s16 =	sshra.s32 s15, $0x2;
	vm2 =	vmmov vm5;
	vm7 =	vmmov vm0;
	vm0 =	vmmov vm3;
	p0 =	sne.s32 s15, $0x1FC0  }
.Ltmp35:
0x284: {  	s15 =	sadd.s32 $0x40, s15;
	vm5 =	veq.s32 v9, v3;
	vm3 =	vgt.s32 v9, v3;
	vm8 =	vmor vm8, vm9;
	s17 =	spop (v2sf);
	(pc) =	sbr.rel @p0 .LBB2_71-.Ltmp35, $4  }
0x285: {  	v9 =	vld [tilespmem:s16+$0x0];
	v10 =	vsel vm5, $0xFFFFFFFF, v0;
	v13 =	vsel vm5, $0x1, v0;
	v12 =	vsel vm8, $0x0, v1;
	s14 =	sadd.s32 s14, s17  }
0x286: {  	(xrf0) =	vadd.scan.msk.s32 $0xffff, v13;
	v11, _, _ =	vpop (xrf0);
	v13 =	vadd.s32 s14, v5;
	[tilespmem:s11+$0x800] =	vst v12;
	v5 =	vmov v6;
	s11 =	smov.u32 s10;
	s10 =	smov.u32 s9;
	s9 =	smov.u32 s12  }
0x287: {  	v6 =	vmovc v4;
	v4 =	vmovc v10;
	s12 =	smov.u32 s13;
	s13 =	smov.u32 s16;
	(v2sf) =	vpush v11, $0xF;
	v12 =	vadd.s32 v7, v13;
	v7 =	vmov v8  }
0x288: {  	vm8 =	vmmov vm6;
	vm6 =	vmmov vm7;
	v8 =	vmovc v11;
	vm9 =	vlt.s32 v12, v2  }
0x289: {  	_ = 	snop  }
0x28a: {  	vm7 =	veq.s32 v9, v3  }
0x28b: {  	v10 =	vsel vm7, $0x1, v0  }
0x28c: {  	(xrf0) =	vadd.scan.msk.s32 $0xffff, v10;
	v57, _, _ =	vpop (xrf0)  }
0x28d: {  	(v2sf) =	vpush v57, $0xF;
	_ =	sdelay $0x4  }
0x28e: {  	vm4 =	vmand vm4, vm9;
	vm1 =	vmmov vm1;
	vm14 =	vgt.s32 v9, v3;
	v3, _, _ =	vpop (xrf0)  }
0x28f: {  	s15 =	spop (v2sf);
	vm2 =	vmmov vm2;
	vm5 =	vmmov vm5;
	(v2sf) =	vpush v3, $0xF  }
0x290: {  	vm0 =	vmmov vm0;
	vm3 =	vmmov vm3;
	vm6 =	vmmov vm6  }
0x291: {  	vm4 =	vmor vm8, vm4;
	s14 =	sadd.s32 s14, s15;
	vm0 =	vmmov vm0;
	vm2 =	vmmov vm2  }
0x292: {  	vm10 =	vmmov vm5;
	vm3 =	vmmov vm3;
	v5 =	vadd.s32 s14, v5  }
0x293: {  	s28 =	spop (v2sf);
	v58 =	vsel vm7, $0xFFFFFFFF, v0;
	v59 =	vsel vm4, $0x0, v1;
	vm11 =	vmmov vm7  }
0x294: {  	s14 =	sadd.s32 s14, s28;
	vm12 =	vmmov vm14;
	vm0 =	vmmov vm0;
	vm3 =	vmmov vm3  }
0x295: {  	vm14 =	vmmov vm10;
	v5 =	vadd.s32 v7, v5;
	v60 =	vadd.s32 s14, v6  }
0x296: {  	vm8 =	vmmov vm12;
	vm15 =	vlt.s32 v5, v2;
	v5 =	vadd.s32 v8, v60  }
0x297: {  	vm10 =	vmmov vm3;
	vm1 =	vmand vm1, vm15;
	vm13 =	vlt.s32 v5, v2;
	s29 =	spop (v2sf)  }
0x298: {  	vm15 =	vmmov vm11;
	vm11 =	vmmov vm8;
	vm1 =	vmor vm6, vm1;
	s14 =	sadd.s32 s14, s29;
	s30 =	spop (v2sf)  }
0x299: {  	vm12 =	vmmov vm15;
	v61 =	vsel vm1, $0x0, v1;
	v4 =	vadd.s32 s14, v4;
	s14 =	sadd.s32 s14, s30  }
0x29a: {  	vm1 =	vmand vm2, vm13;
	v4 =	vadd.s32 v57, v4;
	v63 =	vadd.s32 s14, v58  }
0x29b: {  	vm0 =	vmor vm0, vm1;
	vm9 =	vlt.s32 v4, v2;
	v3 =	vadd.s32 v3, v63  }
0x29c: {  	[tilespmem:s11+$0x800] =	vst v59;
	v62 =	vsel vm0, $0x0, v1;
	vm0 =	vmand vm14, vm9;
	vm13 =	vlt.s32 v3, v2  }
0x29d: {  	[tilespmem:s10+$0x800] =	vst v61;
	vm14 =	vmmov vm11;
	vm0 =	vmor vm10, vm0;
	vm2 =	vmand vm12, vm13  }
0x29e: {  	s8 =	sadd.s32 $0x1, s8;
	[tilespmem:s9+$0x800] =	vst v62;
	v2 =	vsel vm0, $0x0, v1;
	vm15 =	vmor vm14, vm2;
	s31 =	spop (v2sf)  }
0x29f: {  	p0 =	sne.s32 s8, s4;
	[tilespmem:s12+$0x800] =	vst v2;
	v2 =	vsel vm15, $0x0, v1;
	s9 =	sadd.s32 s14, s31  }
.Ltmp36:
0x2a0: {  	[tilespmem:s13+$0x800] =	vst v2;
	[smem:$0x1] =	sst s9;
	(pc) =	sbr.rel @p0 .LBB2_2-.Ltmp36, $4  }
0x2a1: {  	[hbm4b:s3+s5] =	stream.linear.scatter [tilespmem:s6], [sflag:$0x1], $0x800, $0x38;
	[tilespmem:$0x1080] =	vst v63  }
0x2a2: {  	_ =	swait.ge [sflag:s7], $0x800  }
0x2a3: {  	[sflag:s7] =	ssyncset.done $0x0  }
0x2a4: {  	[sflag:s7] =	ssyncadd.s32 $0xFFFFF800  }
.LBB2_73:
0x2a5: {  	_ =	sfence.sel $0x180000  }
0x2a6: {  	[bflag:$0x0] =	sbarrier.arrive $0xFFFF  }
0x2a7: {  	p0 =	sne.s32 s0, $0x0;
	_ =	strace $0x90000047  }
0x2a8: {  	s0 =	sadd.s32 @!p0 $0x100000, s1;
	[bflag:$0x2] =	sbarrier.arrive $0xFFFF  }
0x2a9: {  	[sflag:s0] =	ssyncadd.tile.s32 @!p0 $0x1;
	_ =	shalt  }
.Lfunc_end2:
_tile_overlayer_lowered:
.L_overlay_start_2:
0x2aa: {  	(tag) =	ssettag $0x2  }
0x2ab: {  	s0 =	rddreg [dreg:$0x0];
	s2 =	stileid.u32  }
0x2ac: {  	s1 =	rddreg [dreg:$0x1];
	p0 =	sne.s32 s2, $0x0  }
0x2ad: {  	s3 =	rddreg [dreg:$0x2];
	[bflag:$0x3] =	sbarrier.arrive $0xFFFF;
	s2 =	simm.s32 @!p0 $0x1C02  }
0x2ae: {  	[timem:s3], [sflag:s2] =	dma.local @!p0 [hbm:s0], s1  }
0x2af: {  	s0 =	simm.s32 @!p0 $0x2  }
0x2b0: {  	_ =	swait.ge @!p0 [sflag:s0], s1  }
0x2b1: {  	s1 =	ssub.s32 @!p0 $0x0, s1;
	[sflag:s0] =	ssyncset.done @!p0 $0x0  }
0x2b2: {  	[sflag:s0] =	ssyncadd.s32 @!p0 s1  }
0x2b3: {  	[bflag:$0x3] =	sbarrier.arrive $0xFFFF  }
0x2b4: {  	_ =	shalt  }

</sc_bundles>
